<compile_context>
chip_gen: v7x
topology: tpu7x:2x2x1
jax: 0.10.2.dev20260603
libtpu: 0.0.44.dev20260713+nightly
codegen_flags: <defaults>
</compile_context>

<pallas_src>
import functools

import jax
import jax.numpy as jnp
from jax import lax
from jax.experimental import pallas as pl
from jax.experimental.pallas import tpu as pltpu
from jax.experimental.pallas import tpu_sc as plsc

B = 16384
D = 64
NC = 2
NS = 16
NW = NC * NS
RPW = B // NW
CH = 128
NCH = RPW // CH
G = RPW // 16


def _body(head_h, rel_h, tail_h, ent_h, remb_h, out_h,
          hidx, ridx, tidx, hrow, rrow, trow, outv, sem):
    wid = lax.axis_index("s") * NC + lax.axis_index("c")
    base = wid * RPW

    pltpu.sync_copy(head_h.at[pl.ds(base, RPW)], hidx)
    pltpu.sync_copy(rel_h.at[pl.ds(base, RPW)], ridx)
    pltpu.sync_copy(tail_h.at[pl.ds(base, RPW)], tidx)

    copies = []
    for j in range(NCH):
        sl = pl.ds(j * CH, CH)
        copies.append(pltpu.async_copy(ent_h.at[hidx.at[sl]], hrow.at[sl], sem))
        copies.append(pltpu.async_copy(ent_h.at[tidx.at[sl]], trow.at[sl], sem))
        copies.append(pltpu.async_copy(remb_h.at[ridx.at[sl]], rrow.at[sl], sem))
    for c in copies:
        c.wait()

    iota = lax.iota(jnp.int32, 16)

    def group(g, carry):
        rbase = g * 16
        outvec = jnp.zeros((16,), jnp.float32)
        for i in range(16):
            row = rbase + i
            acc = None
            for c in range(D // 16):
                sl = pl.ds(c * 16, 16)
                hv = hrow[row, sl]
                rv = rrow[row, sl]
                tv = trow[row, sl]
                d = jnp.abs(hv + rv - tv)
                acc = d if acc is None else acc + d
            s = jnp.sum(acc)
            outvec = jnp.where(iota == i, s, outvec)
        outv[pl.ds(rbase, 16)] = 0.0 - outvec
        return carry

    lax.fori_loop(0, G, group, 0)
    pltpu.sync_copy(outv, out_h.at[pl.ds(base, RPW)])


@jax.jit
def _transe_sc(head, rel, tail, ent_embedding, rel_embedding):
    mesh = plsc.VectorSubcoreMesh(core_axis_name="c", subcore_axis_name="s")
    fn = pl.kernel(
        _body,
        out_type=jax.ShapeDtypeStruct((B,), jnp.float32),
        mesh=mesh,
        compiler_params=pltpu.CompilerParams(
            needs_layout_passes=False, use_tc_tiling_on_sc=False),
        scratch_types=[
            pltpu.VMEM((RPW,), jnp.int32),
            pltpu.VMEM((RPW,), jnp.int32),
            pltpu.VMEM((RPW,), jnp.int32),
            pltpu.VMEM((RPW, D), jnp.float32),
            pltpu.VMEM((RPW, D), jnp.float32),
            pltpu.VMEM((RPW, D), jnp.float32),
            pltpu.VMEM((RPW,), jnp.float32),
            pltpu.SemaphoreType.DMA,
        ],
    )
    return fn(head, rel, tail, ent_embedding, rel_embedding)


def kernel(head, rel, tail, ent_embedding, rel_embedding):
    out = _transe_sc(head, rel, tail, ent_embedding, rel_embedding)
    return out.reshape(B, 1)

# --- scband reference (transcript-rebuilt; emitter-appended) ---
"""Pipeline reference for scband-trans-e-18339510354379 (READ-ONLY COPY).

The authoritative reference and input builder live on the scoring server;
editing this copy changes nothing except your own understanding.
"""

import jax, jax.numpy as jnp
import numpy as np

ENT_NUM = 1000000
REL_NUM = 1000
DIM = 64
BATCH = 16384

def setup_inputs(seed: int = 0) -> dict:
    key = jax.random.key(seed)
    k1, k2, k3, k4, k5 = jax.random.split(key, 5)
    head = jax.random.randint(k1, (BATCH,), 0, ENT_NUM, dtype=jnp.int64 if jax.config.jax_enable_x64 else jnp.int32).astype(jnp.int32)
    rel = jax.random.randint(k2, (BATCH,), 0, REL_NUM, dtype=jnp.int32)
    tail = jax.random.randint(k3, (BATCH,), 0, ENT_NUM, dtype=jnp.int32)
    # xavier_uniform for [N, dim]: bound = sqrt(6/(fan_in+fan_out))
    b_ent = float(np.sqrt(6.0 / (ENT_NUM + DIM)))
    b_rel = float(np.sqrt(6.0 / (REL_NUM + DIM)))
    ent_embedding = jax.random.uniform(k4, (ENT_NUM, DIM), minval=-b_ent, maxval=b_ent, dtype=jnp.float32)
    rel_embedding = jax.random.uniform(k5, (REL_NUM, DIM), minval=-b_rel, maxval=b_rel, dtype=jnp.float32)
    return {"head": head, "rel": rel, "tail": tail, "ent_embedding": ent_embedding, "rel_embedding": rel_embedding}

def reference(head, rel, tail, ent_embedding, rel_embedding):
    # dropout is identity in eval/inference mode
    h = jnp.take(ent_embedding, head, axis=0)
    r = jnp.take(rel_embedding, rel, axis=0)
    t = jnp.take(ent_embedding, tail, axis=0)
    # l1=True branch
    score = jnp.sum(jnp.abs(h + r - t), axis=-1, keepdims=True)
    return -score

if __name__ == "__main__":
    import jax
    _d = setup_inputs()
    print(jax.jit(kernel)(*tuple(_d.values())))

</pallas_src>

<mosaic_0001>
#map = affine_map<(d0, d1) -> (0)>
#map1 = affine_map<(d0, d1) -> (0, 0)>
module attributes {stable_mosaic.version = 14 : i64} {
  func.func @_body(%arg0: i32, %arg1: i32, %arg2: memref<16384xi32, #tpu.memory_space<hbm>>, %arg3: memref<16384xi32, #tpu.memory_space<hbm>>, %arg4: memref<16384xi32, #tpu.memory_space<hbm>>, %arg5: memref<1000000x64xf32, #tpu.memory_space<hbm>>, %arg6: memref<1000x64xf32, #tpu.memory_space<hbm>>, %arg7: memref<16384xf32, #tpu.memory_space<hbm>>, %arg8: memref<512xi32, #tpu.memory_space<vmem>>, %arg9: memref<512xi32, #tpu.memory_space<vmem>>, %arg10: memref<512xi32, #tpu.memory_space<vmem>>, %arg11: memref<512x64xf32, #tpu.memory_space<vmem>>, %arg12: memref<512x64xf32, #tpu.memory_space<vmem>>, %arg13: memref<512x64xf32, #tpu.memory_space<vmem>>, %arg14: memref<512xf32, #tpu.memory_space<vmem>>, %arg15: memref<!tpu.dma_semaphore, #tpu.memory_space<semaphore_mem>>) attributes {dimension_semantics = [#tpu.dimension_semantics<core_parallel>, #tpu.dimension_semantics<subcore_parallel>], iteration_bounds = array<i64: 2, 16>, scalar_prefetch = 0 : i64, scratch_operands = 8 : i64, tpu.core_type = #tpu.core_type<sc_vector_subcore>, window_params = [{transform_indices = #map}, {transform_indices = #map}, {transform_indices = #map}, {transform_indices = #map1}, {transform_indices = #map1}, {transform_indices = #map}]} {
    %mul3A = arith.constant 2 : i32
    %mul3A_0 = arith.muli %arg1, %mul3A : i32
    %add3A = arith.addi %mul3A_0, %arg0 : i32
    %mul3A_1 = arith.constant 512 : i32
    %mul3A_2 = arith.muli %add3A, %mul3A_1 : i32
    "tpu.region"() ({
      %run_scoped3A = tpu.sem_alloc : memref<!tpu.dma_semaphore, #tpu.memory_space<semaphore_mem>>
      %dma_start3A_198 = tpu.memref_slice %arg2[%mul3A_2] : memref<16384xi32, #tpu.memory_space<hbm>> -> memref<512xi32, #tpu.memory_space<hbm>>
      %dma_start3A_199 = tpu.memref_slice %arg2[%mul3A_2] : memref<16384xi32, #tpu.memory_space<hbm>> -> memref<512xi32, #tpu.memory_space<hbm>>
      tpu.enqueue_dma source(%dma_start3A_199 : memref<512xi32, #tpu.memory_space<hbm>>) target(%arg8 : memref<512xi32, #tpu.memory_space<vmem>>) target_semaphore(%run_scoped3A : memref<!tpu.dma_semaphore, #tpu.memory_space<semaphore_mem>>)
      %dma_wait3A_200 = tpu.memref_slice %arg2[%mul3A_2] : memref<16384xi32, #tpu.memory_space<hbm>> -> memref<512xi32, #tpu.memory_space<hbm>>
      %dma_wait3A_201 = tpu.memref_slice %arg2[%mul3A_2] : memref<16384xi32, #tpu.memory_space<hbm>> -> memref<512xi32, #tpu.memory_space<hbm>>
      tpu.wait_dma2 semaphore(%run_scoped3A : memref<!tpu.dma_semaphore, #tpu.memory_space<semaphore_mem>>) src(%dma_wait3A_201 : memref<512xi32, #tpu.memory_space<hbm>>) dst(%arg8 : memref<512xi32, #tpu.memory_space<vmem>>)
      tpu.yield
    }) : () -> ()
    "tpu.region"() ({
      %run_scoped3A = tpu.sem_alloc : memref<!tpu.dma_semaphore, #tpu.memory_space<semaphore_mem>>
      %dma_start3A_198 = tpu.memref_slice %arg3[%mul3A_2] : memref<16384xi32, #tpu.memory_space<hbm>> -> memref<512xi32, #tpu.memory_space<hbm>>
      %dma_start3A_199 = tpu.memref_slice %arg3[%mul3A_2] : memref<16384xi32, #tpu.memory_space<hbm>> -> memref<512xi32, #tpu.memory_space<hbm>>
      tpu.enqueue_dma source(%dma_start3A_199 : memref<512xi32, #tpu.memory_space<hbm>>) target(%arg9 : memref<512xi32, #tpu.memory_space<vmem>>) target_semaphore(%run_scoped3A : memref<!tpu.dma_semaphore, #tpu.memory_space<semaphore_mem>>)
      %dma_wait3A_200 = tpu.memref_slice %arg3[%mul3A_2] : memref<16384xi32, #tpu.memory_space<hbm>> -> memref<512xi32, #tpu.memory_space<hbm>>
      %dma_wait3A_201 = tpu.memref_slice %arg3[%mul3A_2] : memref<16384xi32, #tpu.memory_space<hbm>> -> memref<512xi32, #tpu.memory_space<hbm>>
      tpu.wait_dma2 semaphore(%run_scoped3A : memref<!tpu.dma_semaphore, #tpu.memory_space<semaphore_mem>>) src(%dma_wait3A_201 : memref<512xi32, #tpu.memory_space<hbm>>) dst(%arg9 : memref<512xi32, #tpu.memory_space<vmem>>)
      tpu.yield
    }) : () -> ()
    "tpu.region"() ({
      %run_scoped3A = tpu.sem_alloc : memref<!tpu.dma_semaphore, #tpu.memory_space<semaphore_mem>>
      %dma_start3A_198 = tpu.memref_slice %arg4[%mul3A_2] : memref<16384xi32, #tpu.memory_space<hbm>> -> memref<512xi32, #tpu.memory_space<hbm>>
      %dma_start3A_199 = tpu.memref_slice %arg4[%mul3A_2] : memref<16384xi32, #tpu.memory_space<hbm>> -> memref<512xi32, #tpu.memory_space<hbm>>
      tpu.enqueue_dma source(%dma_start3A_199 : memref<512xi32, #tpu.memory_space<hbm>>) target(%arg10 : memref<512xi32, #tpu.memory_space<vmem>>) target_semaphore(%run_scoped3A : memref<!tpu.dma_semaphore, #tpu.memory_space<semaphore_mem>>)
      %dma_wait3A_200 = tpu.memref_slice %arg4[%mul3A_2] : memref<16384xi32, #tpu.memory_space<hbm>> -> memref<512xi32, #tpu.memory_space<hbm>>
      %dma_wait3A_201 = tpu.memref_slice %arg4[%mul3A_2] : memref<16384xi32, #tpu.memory_space<hbm>> -> memref<512xi32, #tpu.memory_space<hbm>>
      tpu.wait_dma2 semaphore(%run_scoped3A : memref<!tpu.dma_semaphore, #tpu.memory_space<semaphore_mem>>) src(%dma_wait3A_201 : memref<512xi32, #tpu.memory_space<hbm>>) dst(%arg10 : memref<512xi32, #tpu.memory_space<vmem>>)
      tpu.yield
    }) : () -> ()
    %dma_start3A = arith.constant 0 : i32
    %dma_start3A_3 = arith.constant 0 : i32
    %dma_start3A_4 = tpu.memref_slice %arg11[%dma_start3A, %dma_start3A_3] : memref<512x64xf32, #tpu.memory_space<vmem>> -> memref<128x64xf32, #tpu.memory_space<vmem>>
    %dma_start3A_5 = arith.constant 0 : i32
    %dma_start3A_6 = tpu.memref_slice %arg8[%dma_start3A_5] : memref<512xi32, #tpu.memory_space<vmem>> -> memref<128xi32, #tpu.memory_space<vmem>>
    %dma_start3A_7 = arith.constant 0 : i32
    %dma_start3A_8 = arith.constant 0 : i32
    %dma_start3A_9 = tpu.memref_slice %arg5[%dma_start3A_7, %dma_start3A_8] : memref<1000000x64xf32, #tpu.memory_space<hbm>> -> memref<1000000x64xf32, #tpu.memory_space<hbm>>
    tpu.enqueue_indirect_dma source(%dma_start3A_9 : memref<1000000x64xf32, #tpu.memory_space<hbm>>) target(%dma_start3A_4 : memref<128x64xf32, #tpu.memory_space<vmem>>) offsets(%dma_start3A_6 : memref<128xi32, #tpu.memory_space<vmem>>) semaphore(%arg15 : memref<!tpu.dma_semaphore, #tpu.memory_space<semaphore_mem>>)
    %dma_start3A_10 = arith.constant 0 : i32
    %dma_start3A_11 = arith.constant 0 : i32
    %dma_start3A_12 = tpu.memref_slice %arg13[%dma_start3A_10, %dma_start3A_11] : memref<512x64xf32, #tpu.memory_space<vmem>> -> memref<128x64xf32, #tpu.memory_space<vmem>>
    %dma_start3A_13 = arith.constant 0 : i32
    %dma_start3A_14 = tpu.memref_slice %arg10[%dma_start3A_13] : memref<512xi32, #tpu.memory_space<vmem>> -> memref<128xi32, #tpu.memory_space<vmem>>
    %dma_start3A_15 = arith.constant 0 : i32
    %dma_start3A_16 = arith.constant 0 : i32
    %dma_start3A_17 = tpu.memref_slice %arg5[%dma_start3A_15, %dma_start3A_16] : memref<1000000x64xf32, #tpu.memory_space<hbm>> -> memref<1000000x64xf32, #tpu.memory_space<hbm>>
    tpu.enqueue_indirect_dma source(%dma_start3A_17 : memref<1000000x64xf32, #tpu.memory_space<hbm>>) target(%dma_start3A_12 : memref<128x64xf32, #tpu.memory_space<vmem>>) offsets(%dma_start3A_14 : memref<128xi32, #tpu.memory_space<vmem>>) semaphore(%arg15 : memref<!tpu.dma_semaphore, #tpu.memory_space<semaphore_mem>>)
    %dma_start3A_18 = arith.constant 0 : i32
    %dma_start3A_19 = arith.constant 0 : i32
    %dma_start3A_20 = tpu.memref_slice %arg12[%dma_start3A_18, %dma_start3A_19] : memref<512x64xf32, #tpu.memory_space<vmem>> -> memref<128x64xf32, #tpu.memory_space<vmem>>
    %dma_start3A_21 = arith.constant 0 : i32
    %dma_start3A_22 = tpu.memref_slice %arg9[%dma_start3A_21] : memref<512xi32, #tpu.memory_space<vmem>> -> memref<128xi32, #tpu.memory_space<vmem>>
    %dma_start3A_23 = arith.constant 0 : i32
    %dma_start3A_24 = arith.constant 0 : i32
    %dma_start3A_25 = tpu.memref_slice %arg6[%dma_start3A_23, %dma_start3A_24] : memref<1000x64xf32, #tpu.memory_space<hbm>> -> memref<1000x64xf32, #tpu.memory_space<hbm>>
    tpu.enqueue_indirect_dma source(%dma_start3A_25 : memref<1000x64xf32, #tpu.memory_space<hbm>>) target(%dma_start3A_20 : memref<128x64xf32, #tpu.memory_space<vmem>>) offsets(%dma_start3A_22 : memref<128xi32, #tpu.memory_space<vmem>>) semaphore(%arg15 : memref<!tpu.dma_semaphore, #tpu.memory_space<semaphore_mem>>)
    %dma_start3A_26 = arith.constant 128 : i32
    %dma_start3A_27 = arith.constant 0 : i32
    %dma_start3A_28 = tpu.memref_slice %arg11[%dma_start3A_26, %dma_start3A_27] : memref<512x64xf32, #tpu.memory_space<vmem>> -> memref<128x64xf32, #tpu.memory_space<vmem>>
    %dma_start3A_29 = arith.constant 128 : i32
    %dma_start3A_30 = tpu.memref_slice %arg8[%dma_start3A_29] : memref<512xi32, #tpu.memory_space<vmem>> -> memref<128xi32, #tpu.memory_space<vmem>>
    %dma_start3A_31 = arith.constant 0 : i32
    %dma_start3A_32 = arith.constant 0 : i32
    %dma_start3A_33 = tpu.memref_slice %arg5[%dma_start3A_31, %dma_start3A_32] : memref<1000000x64xf32, #tpu.memory_space<hbm>> -> memref<1000000x64xf32, #tpu.memory_space<hbm>>
    tpu.enqueue_indirect_dma source(%dma_start3A_33 : memref<1000000x64xf32, #tpu.memory_space<hbm>>) target(%dma_start3A_28 : memref<128x64xf32, #tpu.memory_space<vmem>>) offsets(%dma_start3A_30 : memref<128xi32, #tpu.memory_space<vmem>>) semaphore(%arg15 : memref<!tpu.dma_semaphore, #tpu.memory_space<semaphore_mem>>)
    %dma_start3A_34 = arith.constant 128 : i32
    %dma_start3A_35 = arith.constant 0 : i32
    %dma_start3A_36 = tpu.memref_slice %arg13[%dma_start3A_34, %dma_start3A_35] : memref<512x64xf32, #tpu.memory_space<vmem>> -> memref<128x64xf32, #tpu.memory_space<vmem>>
    %dma_start3A_37 = arith.constant 128 : i32
    %dma_start3A_38 = tpu.memref_slice %arg10[%dma_start3A_37] : memref<512xi32, #tpu.memory_space<vmem>> -> memref<128xi32, #tpu.memory_space<vmem>>
    %dma_start3A_39 = arith.constant 0 : i32
    %dma_start3A_40 = arith.constant 0 : i32
    %dma_start3A_41 = tpu.memref_slice %arg5[%dma_start3A_39, %dma_start3A_40] : memref<1000000x64xf32, #tpu.memory_space<hbm>> -> memref<1000000x64xf32, #tpu.memory_space<hbm>>
    tpu.enqueue_indirect_dma source(%dma_start3A_41 : memref<1000000x64xf32, #tpu.memory_space<hbm>>) target(%dma_start3A_36 : memref<128x64xf32, #tpu.memory_space<vmem>>) offsets(%dma_start3A_38 : memref<128xi32, #tpu.memory_space<vmem>>) semaphore(%arg15 : memref<!tpu.dma_semaphore, #tpu.memory_space<semaphore_mem>>)
    %dma_start3A_42 = arith.constant 128 : i32
    %dma_start3A_43 = arith.constant 0 : i32
    %dma_start3A_44 = tpu.memref_slice %arg12[%dma_start3A_42, %dma_start3A_43] : memref<512x64xf32, #tpu.memory_space<vmem>> -> memref<128x64xf32, #tpu.memory_space<vmem>>
    %dma_start3A_45 = arith.constant 128 : i32
    %dma_start3A_46 = tpu.memref_slice %arg9[%dma_start3A_45] : memref<512xi32, #tpu.memory_space<vmem>> -> memref<128xi32, #tpu.memory_space<vmem>>
    %dma_start3A_47 = arith.constant 0 : i32
    %dma_start3A_48 = arith.constant 0 : i32
    %dma_start3A_49 = tpu.memref_slice %arg6[%dma_start3A_47, %dma_start3A_48] : memref<1000x64xf32, #tpu.memory_space<hbm>> -> memref<1000x64xf32, #tpu.memory_space<hbm>>
    tpu.enqueue_indirect_dma source(%dma_start3A_49 : memref<1000x64xf32, #tpu.memory_space<hbm>>) target(%dma_start3A_44 : memref<128x64xf32, #tpu.memory_space<vmem>>) offsets(%dma_start3A_46 : memref<128xi32, #tpu.memory_space<vmem>>) semaphore(%arg15 : memref<!tpu.dma_semaphore, #tpu.memory_space<semaphore_mem>>)
    %dma_start3A_50 = arith.constant 256 : i32
    %dma_start3A_51 = arith.constant 0 : i32
    %dma_start3A_52 = tpu.memref_slice %arg11[%dma_start3A_50, %dma_start3A_51] : memref<512x64xf32, #tpu.memory_space<vmem>> -> memref<128x64xf32, #tpu.memory_space<vmem>>
    %dma_start3A_53 = arith.constant 256 : i32
    %dma_start3A_54 = tpu.memref_slice %arg8[%dma_start3A_53] : memref<512xi32, #tpu.memory_space<vmem>> -> memref<128xi32, #tpu.memory_space<vmem>>
    %dma_start3A_55 = arith.constant 0 : i32
    %dma_start3A_56 = arith.constant 0 : i32
    %dma_start3A_57 = tpu.memref_slice %arg5[%dma_start3A_55, %dma_start3A_56] : memref<1000000x64xf32, #tpu.memory_space<hbm>> -> memref<1000000x64xf32, #tpu.memory_space<hbm>>
    tpu.enqueue_indirect_dma source(%dma_start3A_57 : memref<1000000x64xf32, #tpu.memory_space<hbm>>) target(%dma_start3A_52 : memref<128x64xf32, #tpu.memory_space<vmem>>) offsets(%dma_start3A_54 : memref<128xi32, #tpu.memory_space<vmem>>) semaphore(%arg15 : memref<!tpu.dma_semaphore, #tpu.memory_space<semaphore_mem>>)
    %dma_start3A_58 = arith.constant 256 : i32
    %dma_start3A_59 = arith.constant 0 : i32
    %dma_start3A_60 = tpu.memref_slice %arg13[%dma_start3A_58, %dma_start3A_59] : memref<512x64xf32, #tpu.memory_space<vmem>> -> memref<128x64xf32, #tpu.memory_space<vmem>>
    %dma_start3A_61 = arith.constant 256 : i32
    %dma_start3A_62 = tpu.memref_slice %arg10[%dma_start3A_61] : memref<512xi32, #tpu.memory_space<vmem>> -> memref<128xi32, #tpu.memory_space<vmem>>
    %dma_start3A_63 = arith.constant 0 : i32
    %dma_start3A_64 = arith.constant 0 : i32
    %dma_start3A_65 = tpu.memref_slice %arg5[%dma_start3A_63, %dma_start3A_64] : memref<1000000x64xf32, #tpu.memory_space<hbm>> -> memref<1000000x64xf32, #tpu.memory_space<hbm>>
    tpu.enqueue_indirect_dma source(%dma_start3A_65 : memref<1000000x64xf32, #tpu.memory_space<hbm>>) target(%dma_start3A_60 : memref<128x64xf32, #tpu.memory_space<vmem>>) offsets(%dma_start3A_62 : memref<128xi32, #tpu.memory_space<vmem>>) semaphore(%arg15 : memref<!tpu.dma_semaphore, #tpu.memory_space<semaphore_mem>>)
    %dma_start3A_66 = arith.constant 256 : i32
    %dma_start3A_67 = arith.constant 0 : i32
    %dma_start3A_68 = tpu.memref_slice %arg12[%dma_start3A_66, %dma_start3A_67] : memref<512x64xf32, #tpu.memory_space<vmem>> -> memref<128x64xf32, #tpu.memory_space<vmem>>
    %dma_start3A_69 = arith.constant 256 : i32
    %dma_start3A_70 = tpu.memref_slice %arg9[%dma_start3A_69] : memref<512xi32, #tpu.memory_space<vmem>> -> memref<128xi32, #tpu.memory_space<vmem>>
    %dma_start3A_71 = arith.constant 0 : i32
    %dma_start3A_72 = arith.constant 0 : i32
    %dma_start3A_73 = tpu.memref_slice %arg6[%dma_start3A_71, %dma_start3A_72] : memref<1000x64xf32, #tpu.memory_space<hbm>> -> memref<1000x64xf32, #tpu.memory_space<hbm>>
    tpu.enqueue_indirect_dma source(%dma_start3A_73 : memref<1000x64xf32, #tpu.memory_space<hbm>>) target(%dma_start3A_68 : memref<128x64xf32, #tpu.memory_space<vmem>>) offsets(%dma_start3A_70 : memref<128xi32, #tpu.memory_space<vmem>>) semaphore(%arg15 : memref<!tpu.dma_semaphore, #tpu.memory_space<semaphore_mem>>)
    %dma_start3A_74 = arith.constant 384 : i32
    %dma_start3A_75 = arith.constant 0 : i32
    %dma_start3A_76 = tpu.memref_slice %arg11[%dma_start3A_74, %dma_start3A_75] : memref<512x64xf32, #tpu.memory_space<vmem>> -> memref<128x64xf32, #tpu.memory_space<vmem>>
    %dma_start3A_77 = arith.constant 384 : i32
    %dma_start3A_78 = tpu.memref_slice %arg8[%dma_start3A_77] : memref<512xi32, #tpu.memory_space<vmem>> -> memref<128xi32, #tpu.memory_space<vmem>>
    %dma_start3A_79 = arith.constant 0 : i32
    %dma_start3A_80 = arith.constant 0 : i32
    %dma_start3A_81 = tpu.memref_slice %arg5[%dma_start3A_79, %dma_start3A_80] : memref<1000000x64xf32, #tpu.memory_space<hbm>> -> memref<1000000x64xf32, #tpu.memory_space<hbm>>
    tpu.enqueue_indirect_dma source(%dma_start3A_81 : memref<1000000x64xf32, #tpu.memory_space<hbm>>) target(%dma_start3A_76 : memref<128x64xf32, #tpu.memory_space<vmem>>) offsets(%dma_start3A_78 : memref<128xi32, #tpu.memory_space<vmem>>) semaphore(%arg15 : memref<!tpu.dma_semaphore, #tpu.memory_space<semaphore_mem>>)
    %dma_start3A_82 = arith.constant 384 : i32
    %dma_start3A_83 = arith.constant 0 : i32
    %dma_start3A_84 = tpu.memref_slice %arg13[%dma_start3A_82, %dma_start3A_83] : memref<512x64xf32, #tpu.memory_space<vmem>> -> memref<128x64xf32, #tpu.memory_space<vmem>>
    %dma_start3A_85 = arith.constant 384 : i32
    %dma_start3A_86 = tpu.memref_slice %arg10[%dma_start3A_85] : memref<512xi32, #tpu.memory_space<vmem>> -> memref<128xi32, #tpu.memory_space<vmem>>
    %dma_start3A_87 = arith.constant 0 : i32
    %dma_start3A_88 = arith.constant 0 : i32
    %dma_start3A_89 = tpu.memref_slice %arg5[%dma_start3A_87, %dma_start3A_88] : memref<1000000x64xf32, #tpu.memory_space<hbm>> -> memref<1000000x64xf32, #tpu.memory_space<hbm>>
    tpu.enqueue_indirect_dma source(%dma_start3A_89 : memref<1000000x64xf32, #tpu.memory_space<hbm>>) target(%dma_start3A_84 : memref<128x64xf32, #tpu.memory_space<vmem>>) offsets(%dma_start3A_86 : memref<128xi32, #tpu.memory_space<vmem>>) semaphore(%arg15 : memref<!tpu.dma_semaphore, #tpu.memory_space<semaphore_mem>>)
    %dma_start3A_90 = arith.constant 384 : i32
    %dma_start3A_91 = arith.constant 0 : i32
    %dma_start3A_92 = tpu.memref_slice %arg12[%dma_start3A_90, %dma_start3A_91] : memref<512x64xf32, #tpu.memory_space<vmem>> -> memref<128x64xf32, #tpu.memory_space<vmem>>
    %dma_start3A_93 = arith.constant 384 : i32
    %dma_start3A_94 = tpu.memref_slice %arg9[%dma_start3A_93] : memref<512xi32, #tpu.memory_space<vmem>> -> memref<128xi32, #tpu.memory_space<vmem>>
    %dma_start3A_95 = arith.constant 0 : i32
    %dma_start3A_96 = arith.constant 0 : i32
    %dma_start3A_97 = tpu.memref_slice %arg6[%dma_start3A_95, %dma_start3A_96] : memref<1000x64xf32, #tpu.memory_space<hbm>> -> memref<1000x64xf32, #tpu.memory_space<hbm>>
    tpu.enqueue_indirect_dma source(%dma_start3A_97 : memref<1000x64xf32, #tpu.memory_space<hbm>>) target(%dma_start3A_92 : memref<128x64xf32, #tpu.memory_space<vmem>>) offsets(%dma_start3A_94 : memref<128xi32, #tpu.memory_space<vmem>>) semaphore(%arg15 : memref<!tpu.dma_semaphore, #tpu.memory_space<semaphore_mem>>)
    %dma_wait3A = arith.constant 0 : i32
    %dma_wait3A_98 = arith.constant 0 : i32
    %dma_wait3A_99 = tpu.memref_slice %arg11[%dma_wait3A, %dma_wait3A_98] : memref<512x64xf32, #tpu.memory_space<vmem>> -> memref<128x64xf32, #tpu.memory_space<vmem>>
    %dma_wait3A_100 = arith.constant 0 : i32
    %dma_wait3A_101 = tpu.memref_slice %arg8[%dma_wait3A_100] : memref<512xi32, #tpu.memory_space<vmem>> -> memref<128xi32, #tpu.memory_space<vmem>>
    %dma_wait3A_102 = arith.constant 0 : i32
    %dma_wait3A_103 = arith.constant 0 : i32
    %dma_wait3A_104 = tpu.memref_slice %arg5[%dma_wait3A_102, %dma_wait3A_103] : memref<1000000x64xf32, #tpu.memory_space<hbm>> -> memref<1000000x64xf32, #tpu.memory_space<hbm>>
    tpu.wait_indirect_dma semaphore(%arg15 : memref<!tpu.dma_semaphore, #tpu.memory_space<semaphore_mem>>) src(%dma_wait3A_104 : memref<1000000x64xf32, #tpu.memory_space<hbm>>) dst(%dma_wait3A_99 : memref<128x64xf32, #tpu.memory_space<vmem>>)
    %dma_wait3A_105 = arith.constant 0 : i32
    %dma_wait3A_106 = arith.constant 0 : i32
    %dma_wait3A_107 = tpu.memref_slice %arg13[%dma_wait3A_105, %dma_wait3A_106] : memref<512x64xf32, #tpu.memory_space<vmem>> -> memref<128x64xf32, #tpu.memory_space<vmem>>
    %dma_wait3A_108 = arith.constant 0 : i32
    %dma_wait3A_109 = tpu.memref_slice %arg10[%dma_wait3A_108] : memref<512xi32, #tpu.memory_space<vmem>> -> memref<128xi32, #tpu.memory_space<vmem>>
    %dma_wait3A_110 = arith.constant 0 : i32
    %dma_wait3A_111 = arith.constant 0 : i32
    %dma_wait3A_112 = tpu.memref_slice %arg5[%dma_wait3A_110, %dma_wait3A_111] : memref<1000000x64xf32, #tpu.memory_space<hbm>> -> memref<1000000x64xf32, #tpu.memory_space<hbm>>
    tpu.wait_indirect_dma semaphore(%arg15 : memref<!tpu.dma_semaphore, #tpu.memory_space<semaphore_mem>>) src(%dma_wait3A_112 : memref<1000000x64xf32, #tpu.memory_space<hbm>>) dst(%dma_wait3A_107 : memref<128x64xf32, #tpu.memory_space<vmem>>)
    %dma_wait3A_113 = arith.constant 0 : i32
    %dma_wait3A_114 = arith.constant 0 : i32
    %dma_wait3A_115 = tpu.memref_slice %arg12[%dma_wait3A_113, %dma_wait3A_114] : memref<512x64xf32, #tpu.memory_space<vmem>> -> memref<128x64xf32, #tpu.memory_space<vmem>>
    %dma_wait3A_116 = arith.constant 0 : i32
    %dma_wait3A_117 = tpu.memref_slice %arg9[%dma_wait3A_116] : memref<512xi32, #tpu.memory_space<vmem>> -> memref<128xi32, #tpu.memory_space<vmem>>
    %dma_wait3A_118 = arith.constant 0 : i32
    %dma_wait3A_119 = arith.constant 0 : i32
    %dma_wait3A_120 = tpu.memref_slice %arg6[%dma_wait3A_118, %dma_wait3A_119] : memref<1000x64xf32, #tpu.memory_space<hbm>> -> memref<1000x64xf32, #tpu.memory_space<hbm>>
    tpu.wait_indirect_dma semaphore(%arg15 : memref<!tpu.dma_semaphore, #tpu.memory_space<semaphore_mem>>) src(%dma_wait3A_120 : memref<1000x64xf32, #tpu.memory_space<hbm>>) dst(%dma_wait3A_115 : memref<128x64xf32, #tpu.memory_space<vmem>>)
    %dma_wait3A_121 = arith.constant 128 : i32
    %dma_wait3A_122 = arith.constant 0 : i32
    %dma_wait3A_123 = tpu.memref_slice %arg11[%dma_wait3A_121, %dma_wait3A_122] : memref<512x64xf32, #tpu.memory_space<vmem>> -> memref<128x64xf32, #tpu.memory_space<vmem>>
    %dma_wait3A_124 = arith.constant 128 : i32
    %dma_wait3A_125 = tpu.memref_slice %arg8[%dma_wait3A_124] : memref<512xi32, #tpu.memory_space<vmem>> -> memref<128xi32, #tpu.memory_space<vmem>>
    %dma_wait3A_126 = arith.constant 0 : i32
    %dma_wait3A_127 = arith.constant 0 : i32
    %dma_wait3A_128 = tpu.memref_slice %arg5[%dma_wait3A_126, %dma_wait3A_127] : memref<1000000x64xf32, #tpu.memory_space<hbm>> -> memref<1000000x64xf32, #tpu.memory_space<hbm>>
    tpu.wait_indirect_dma semaphore(%arg15 : memref<!tpu.dma_semaphore, #tpu.memory_space<semaphore_mem>>) src(%dma_wait3A_128 : memref<1000000x64xf32, #tpu.memory_space<hbm>>) dst(%dma_wait3A_123 : memref<128x64xf32, #tpu.memory_space<vmem>>)
    %dma_wait3A_129 = arith.constant 128 : i32
    %dma_wait3A_130 = arith.constant 0 : i32
    %dma_wait3A_131 = tpu.memref_slice %arg13[%dma_wait3A_129, %dma_wait3A_130] : memref<512x64xf32, #tpu.memory_space<vmem>> -> memref<128x64xf32, #tpu.memory_space<vmem>>
    %dma_wait3A_132 = arith.constant 128 : i32
    %dma_wait3A_133 = tpu.memref_slice %arg10[%dma_wait3A_132] : memref<512xi32, #tpu.memory_space<vmem>> -> memref<128xi32, #tpu.memory_space<vmem>>
    %dma_wait3A_134 = arith.constant 0 : i32
    %dma_wait3A_135 = arith.constant 0 : i32
    %dma_wait3A_136 = tpu.memref_slice %arg5[%dma_wait3A_134, %dma_wait3A_135] : memref<1000000x64xf32, #tpu.memory_space<hbm>> -> memref<1000000x64xf32, #tpu.memory_space<hbm>>
    tpu.wait_indirect_dma semaphore(%arg15 : memref<!tpu.dma_semaphore, #tpu.memory_space<semaphore_mem>>) src(%dma_wait3A_136 : memref<1000000x64xf32, #tpu.memory_space<hbm>>) dst(%dma_wait3A_131 : memref<128x64xf32, #tpu.memory_space<vmem>>)
    %dma_wait3A_137 = arith.constant 128 : i32
    %dma_wait3A_138 = arith.constant 0 : i32
    %dma_wait3A_139 = tpu.memref_slice %arg12[%dma_wait3A_137, %dma_wait3A_138] : memref<512x64xf32, #tpu.memory_space<vmem>> -> memref<128x64xf32, #tpu.memory_space<vmem>>
    %dma_wait3A_140 = arith.constant 128 : i32
    %dma_wait3A_141 = tpu.memref_slice %arg9[%dma_wait3A_140] : memref<512xi32, #tpu.memory_space<vmem>> -> memref<128xi32, #tpu.memory_space<vmem>>
    %dma_wait3A_142 = arith.constant 0 : i32
    %dma_wait3A_143 = arith.constant 0 : i32
    %dma_wait3A_144 = tpu.memref_slice %arg6[%dma_wait3A_142, %dma_wait3A_143] : memref<1000x64xf32, #tpu.memory_space<hbm>> -> memref<1000x64xf32, #tpu.memory_space<hbm>>
    tpu.wait_indirect_dma semaphore(%arg15 : memref<!tpu.dma_semaphore, #tpu.memory_space<semaphore_mem>>) src(%dma_wait3A_144 : memref<1000x64xf32, #tpu.memory_space<hbm>>) dst(%dma_wait3A_139 : memref<128x64xf32, #tpu.memory_space<vmem>>)
    %dma_wait3A_145 = arith.constant 256 : i32
    %dma_wait3A_146 = arith.constant 0 : i32
    %dma_wait3A_147 = tpu.memref_slice %arg11[%dma_wait3A_145, %dma_wait3A_146] : memref<512x64xf32, #tpu.memory_space<vmem>> -> memref<128x64xf32, #tpu.memory_space<vmem>>
    %dma_wait3A_148 = arith.constant 256 : i32
    %dma_wait3A_149 = tpu.memref_slice %arg8[%dma_wait3A_148] : memref<512xi32, #tpu.memory_space<vmem>> -> memref<128xi32, #tpu.memory_space<vmem>>
    %dma_wait3A_150 = arith.constant 0 : i32
    %dma_wait3A_151 = arith.constant 0 : i32
    %dma_wait3A_152 = tpu.memref_slice %arg5[%dma_wait3A_150, %dma_wait3A_151] : memref<1000000x64xf32, #tpu.memory_space<hbm>> -> memref<1000000x64xf32, #tpu.memory_space<hbm>>
    tpu.wait_indirect_dma semaphore(%arg15 : memref<!tpu.dma_semaphore, #tpu.memory_space<semaphore_mem>>) src(%dma_wait3A_152 : memref<1000000x64xf32, #tpu.memory_space<hbm>>) dst(%dma_wait3A_147 : memref<128x64xf32, #tpu.memory_space<vmem>>)
    %dma_wait3A_153 = arith.constant 256 : i32
    %dma_wait3A_154 = arith.constant 0 : i32
    %dma_wait3A_155 = tpu.memref_slice %arg13[%dma_wait3A_153, %dma_wait3A_154] : memref<512x64xf32, #tpu.memory_space<vmem>> -> memref<128x64xf32, #tpu.memory_space<vmem>>
    %dma_wait3A_156 = arith.constant 256 : i32
    %dma_wait3A_157 = tpu.memref_slice %arg10[%dma_wait3A_156] : memref<512xi32, #tpu.memory_space<vmem>> -> memref<128xi32, #tpu.memory_space<vmem>>
    %dma_wait3A_158 = arith.constant 0 : i32
    %dma_wait3A_159 = arith.constant 0 : i32
    %dma_wait3A_160 = tpu.memref_slice %arg5[%dma_wait3A_158, %dma_wait3A_159] : memref<1000000x64xf32, #tpu.memory_space<hbm>> -> memref<1000000x64xf32, #tpu.memory_space<hbm>>
    tpu.wait_indirect_dma semaphore(%arg15 : memref<!tpu.dma_semaphore, #tpu.memory_space<semaphore_mem>>) src(%dma_wait3A_160 : memref<1000000x64xf32, #tpu.memory_space<hbm>>) dst(%dma_wait3A_155 : memref<128x64xf32, #tpu.memory_space<vmem>>)
    %dma_wait3A_161 = arith.constant 256 : i32
    %dma_wait3A_162 = arith.constant 0 : i32
    %dma_wait3A_163 = tpu.memref_slice %arg12[%dma_wait3A_161, %dma_wait3A_162] : memref<512x64xf32, #tpu.memory_space<vmem>> -> memref<128x64xf32, #tpu.memory_space<vmem>>
    %dma_wait3A_164 = arith.constant 256 : i32
    %dma_wait3A_165 = tpu.memref_slice %arg9[%dma_wait3A_164] : memref<512xi32, #tpu.memory_space<vmem>> -> memref<128xi32, #tpu.memory_space<vmem>>
    %dma_wait3A_166 = arith.constant 0 : i32
    %dma_wait3A_167 = arith.constant 0 : i32
    %dma_wait3A_168 = tpu.memref_slice %arg6[%dma_wait3A_166, %dma_wait3A_167] : memref<1000x64xf32, #tpu.memory_space<hbm>> -> memref<1000x64xf32, #tpu.memory_space<hbm>>
    tpu.wait_indirect_dma semaphore(%arg15 : memref<!tpu.dma_semaphore, #tpu.memory_space<semaphore_mem>>) src(%dma_wait3A_168 : memref<1000x64xf32, #tpu.memory_space<hbm>>) dst(%dma_wait3A_163 : memref<128x64xf32, #tpu.memory_space<vmem>>)
    %dma_wait3A_169 = arith.constant 384 : i32
    %dma_wait3A_170 = arith.constant 0 : i32
    %dma_wait3A_171 = tpu.memref_slice %arg11[%dma_wait3A_169, %dma_wait3A_170] : memref<512x64xf32, #tpu.memory_space<vmem>> -> memref<128x64xf32, #tpu.memory_space<vmem>>
    %dma_wait3A_172 = arith.constant 384 : i32
    %dma_wait3A_173 = tpu.memref_slice %arg8[%dma_wait3A_172] : memref<512xi32, #tpu.memory_space<vmem>> -> memref<128xi32, #tpu.memory_space<vmem>>
    %dma_wait3A_174 = arith.constant 0 : i32
    %dma_wait3A_175 = arith.constant 0 : i32
    %dma_wait3A_176 = tpu.memref_slice %arg5[%dma_wait3A_174, %dma_wait3A_175] : memref<1000000x64xf32, #tpu.memory_space<hbm>> -> memref<1000000x64xf32, #tpu.memory_space<hbm>>
    tpu.wait_indirect_dma semaphore(%arg15 : memref<!tpu.dma_semaphore, #tpu.memory_space<semaphore_mem>>) src(%dma_wait3A_176 : memref<1000000x64xf32, #tpu.memory_space<hbm>>) dst(%dma_wait3A_171 : memref<128x64xf32, #tpu.memory_space<vmem>>)
    %dma_wait3A_177 = arith.constant 384 : i32
    %dma_wait3A_178 = arith.constant 0 : i32
    %dma_wait3A_179 = tpu.memref_slice %arg13[%dma_wait3A_177, %dma_wait3A_178] : memref<512x64xf32, #tpu.memory_space<vmem>> -> memref<128x64xf32, #tpu.memory_space<vmem>>
    %dma_wait3A_180 = arith.constant 384 : i32
    %dma_wait3A_181 = tpu.memref_slice %arg10[%dma_wait3A_180] : memref<512xi32, #tpu.memory_space<vmem>> -> memref<128xi32, #tpu.memory_space<vmem>>
    %dma_wait3A_182 = arith.constant 0 : i32
    %dma_wait3A_183 = arith.constant 0 : i32
    %dma_wait3A_184 = tpu.memref_slice %arg5[%dma_wait3A_182, %dma_wait3A_183] : memref<1000000x64xf32, #tpu.memory_space<hbm>> -> memref<1000000x64xf32, #tpu.memory_space<hbm>>
    tpu.wait_indirect_dma semaphore(%arg15 : memref<!tpu.dma_semaphore, #tpu.memory_space<semaphore_mem>>) src(%dma_wait3A_184 : memref<1000000x64xf32, #tpu.memory_space<hbm>>) dst(%dma_wait3A_179 : memref<128x64xf32, #tpu.memory_space<vmem>>)
    %dma_wait3A_185 = arith.constant 384 : i32
    %dma_wait3A_186 = arith.constant 0 : i32
    %dma_wait3A_187 = tpu.memref_slice %arg12[%dma_wait3A_185, %dma_wait3A_186] : memref<512x64xf32, #tpu.memory_space<vmem>> -> memref<128x64xf32, #tpu.memory_space<vmem>>
    %dma_wait3A_188 = arith.constant 384 : i32
    %dma_wait3A_189 = tpu.memref_slice %arg9[%dma_wait3A_188] : memref<512xi32, #tpu.memory_space<vmem>> -> memref<128xi32, #tpu.memory_space<vmem>>
    %dma_wait3A_190 = arith.constant 0 : i32
    %dma_wait3A_191 = arith.constant 0 : i32
    %dma_wait3A_192 = tpu.memref_slice %arg6[%dma_wait3A_190, %dma_wait3A_191] : memref<1000x64xf32, #tpu.memory_space<hbm>> -> memref<1000x64xf32, #tpu.memory_space<hbm>>
    tpu.wait_indirect_dma semaphore(%arg15 : memref<!tpu.dma_semaphore, #tpu.memory_space<semaphore_mem>>) src(%dma_wait3A_192 : memref<1000x64xf32, #tpu.memory_space<hbm>>) dst(%dma_wait3A_187 : memref<128x64xf32, #tpu.memory_space<vmem>>)
    %iota3A = tpu.iota {dimensions = array<i32: 0>} : vector<16xi32>
    %scan3A = arith.constant 0 : i32
    %scan3A_193 = arith.constant 0 : i32
    %scan3A_194 = arith.constant 32 : i32
    %scan3A_195 = arith.addi %scan3A_193, %scan3A_194 : i32
    %scan3A_196 = arith.constant 1 : i32
    scf.for %scan3A_198 = %scan3A_193 to %scan3A_195 step %scan3A_196  : i32 {
      %mul3A_199 = arith.constant 16 : i32
      %mul3A_200 = arith.muli %scan3A_198, %mul3A_199 : i32
      %broadcast_in_dim3A = arith.constant 0.000000e+00 : f32
      %broadcast_in_dim3A_201 = vector.broadcast %broadcast_in_dim3A : f32 to vector<16xf32>
      %add3A_202 = arith.constant 0 : i32
      %add3A_203 = arith.addi %mul3A_200, %add3A_202 : i32
      %get3A = arith.index_cast %add3A_203 : i32 to index
      %get3A_204 = arith.constant 0 : index
      %get3A_205 = tpu.vector_load %arg11[%get3A, %get3A_204] {strides = array<i32>} : memref<512x64xf32, #tpu.memory_space<vmem>>, vector<16xf32>,
      %get3A_206 = arith.index_cast %add3A_203 : i32 to index
      %get3A_207 = arith.constant 0 : index
      %get3A_208 = tpu.vector_load %arg12[%get3A_206, %get3A_207] {strides = array<i32>} : memref<512x64xf32, #tpu.memory_space<vmem>>, vector<16xf32>,
      %get3A_209 = arith.index_cast %add3A_203 : i32 to index
      %get3A_210 = arith.constant 0 : index
      %get3A_211 = tpu.vector_load %arg13[%get3A_209, %get3A_210] {strides = array<i32>} : memref<512x64xf32, #tpu.memory_space<vmem>>, vector<16xf32>,
      %add3A_212 = arith.addf %get3A_205, %get3A_208 : vector<16xf32>
      %sub3A = arith.subf %add3A_212, %get3A_211 : vector<16xf32>
      %abs3A = math.absf %sub3A : vector<16xf32>
      %get3A_213 = arith.index_cast %add3A_203 : i32 to index
      %get3A_214 = arith.constant 16 : index
      %get3A_215 = tpu.vector_load %arg11[%get3A_213, %get3A_214] {strides = array<i32>} : memref<512x64xf32, #tpu.memory_space<vmem>>, vector<16xf32>,
      %get3A_216 = arith.index_cast %add3A_203 : i32 to index
      %get3A_217 = arith.constant 16 : index
      %get3A_218 = tpu.vector_load %arg12[%get3A_216, %get3A_217] {strides = array<i32>} : memref<512x64xf32, #tpu.memory_space<vmem>>, vector<16xf32>,
      %get3A_219 = arith.index_cast %add3A_203 : i32 to index
      %get3A_220 = arith.constant 16 : index
      %get3A_221 = tpu.vector_load %arg13[%get3A_219, %get3A_220] {strides = array<i32>} : memref<512x64xf32, #tpu.memory_space<vmem>>, vector<16xf32>,
      %add3A_222 = arith.addf %get3A_215, %get3A_218 : vector<16xf32>
      %sub3A_223 = arith.subf %add3A_222, %get3A_221 : vector<16xf32>
      %abs3A_224 = math.absf %sub3A_223 : vector<16xf32>
      %add3A_225 = arith.addf %abs3A, %abs3A_224 : vector<16xf32>
      %get3A_226 = arith.index_cast %add3A_203 : i32 to index
      %get3A_227 = arith.constant 32 : index
      %get3A_228 = tpu.vector_load %arg11[%get3A_226, %get3A_227] {strides = array<i32>} : memref<512x64xf32, #tpu.memory_space<vmem>>, vector<16xf32>,
      %get3A_229 = arith.index_cast %add3A_203 : i32 to index
      %get3A_230 = arith.constant 32 : index
      %get3A_231 = tpu.vector_load %arg12[%get3A_229, %get3A_230] {strides = array<i32>} : memref<512x64xf32, #tpu.memory_space<vmem>>, vector<16xf32>,
      %get3A_232 = arith.index_cast %add3A_203 : i32 to index
      %get3A_233 = arith.constant 32 : index
      %get3A_234 = tpu.vector_load %arg13[%get3A_232, %get3A_233] {strides = array<i32>} : memref<512x64xf32, #tpu.memory_space<vmem>>, vector<16xf32>,
      %add3A_235 = arith.addf %get3A_228, %get3A_231 : vector<16xf32>
      %sub3A_236 = arith.subf %add3A_235, %get3A_234 : vector<16xf32>
      %abs3A_237 = math.absf %sub3A_236 : vector<16xf32>
      %add3A_238 = arith.addf %add3A_225, %abs3A_237 : vector<16xf32>
      %get3A_239 = arith.index_cast %add3A_203 : i32 to index
      %get3A_240 = arith.constant 48 : index
      %get3A_241 = tpu.vector_load %arg11[%get3A_239, %get3A_240] {strides = array<i32>} : memref<512x64xf32, #tpu.memory_space<vmem>>, vector<16xf32>,
      %get3A_242 = arith.index_cast %add3A_203 : i32 to index
      %get3A_243 = arith.constant 48 : index
      %get3A_244 = tpu.vector_load %arg12[%get3A_242, %get3A_243] {strides = array<i32>} : memref<512x64xf32, #tpu.memory_space<vmem>>, vector<16xf32>,
      %get3A_245 = arith.index_cast %add3A_203 : i32 to index
      %get3A_246 = arith.constant 48 : index
      %get3A_247 = tpu.vector_load %arg13[%get3A_245, %get3A_246] {strides = array<i32>} : memref<512x64xf32, #tpu.memory_space<vmem>>, vector<16xf32>,
      %add3A_248 = arith.addf %get3A_241, %get3A_244 : vector<16xf32>
      %sub3A_249 = arith.subf %add3A_248, %get3A_247 : vector<16xf32>
      %abs3A_250 = math.absf %sub3A_249 : vector<16xf32>
      %add3A_251 = arith.addf %add3A_238, %abs3A_250 : vector<16xf32>
      %reduce_sum3A = arith.constant true
      %reduce_sum3A_252 = vector.broadcast %reduce_sum3A : i1 to vector<16xi1>
      %reduce_sum3A_253 = tpu.scan <sum>, %add3A_251 masked %reduce_sum3A_252 : vector<16xf32>, vector<16xi1> -> vector<16xf32>
      %reduce_sum3A_254 = vector.extract %reduce_sum3A_253[15] : f32 from vector<16xf32>
      %eq3A = arith.constant 0 : i32
      %eq3A_255 = vector.broadcast %eq3A : i32 to vector<16xi32>
      %eq3A_256 = arith.cmpi eq, %iota3A, %eq3A_255 : vector<16xi32>
      %broadcast_in_dim3A_257 = vector.broadcast %reduce_sum3A_254 : f32 to vector<16xf32>
      %select_n3A = arith.select %eq3A_256, %broadcast_in_dim3A_257, %broadcast_in_dim3A_201 : vector<16xi1>, vector<16xf32>
      %add3A_258 = arith.constant 1 : i32
      %add3A_259 = arith.addi %mul3A_200, %add3A_258 : i32
      %get3A_260 = arith.index_cast %add3A_259 : i32 to index
      %get3A_261 = arith.constant 0 : index
      %get3A_262 = tpu.vector_load %arg11[%get3A_260, %get3A_261] {strides = array<i32>} : memref<512x64xf32, #tpu.memory_space<vmem>>, vector<16xf32>,
      %get3A_263 = arith.index_cast %add3A_259 : i32 to index
      %get3A_264 = arith.constant 0 : index
      %get3A_265 = tpu.vector_load %arg12[%get3A_263, %get3A_264] {strides = array<i32>} : memref<512x64xf32, #tpu.memory_space<vmem>>, vector<16xf32>,
      %get3A_266 = arith.index_cast %add3A_259 : i32 to index
      %get3A_267 = arith.constant 0 : index
      %get3A_268 = tpu.vector_load %arg13[%get3A_266, %get3A_267] {strides = array<i32>} : memref<512x64xf32, #tpu.memory_space<vmem>>, vector<16xf32>,
      %add3A_269 = arith.addf %get3A_262, %get3A_265 : vector<16xf32>
      %sub3A_270 = arith.subf %add3A_269, %get3A_268 : vector<16xf32>
      %abs3A_271 = math.absf %sub3A_270 : vector<16xf32>
      %get3A_272 = arith.index_cast %add3A_259 : i32 to index
      %get3A_273 = arith.constant 16 : index
      %get3A_274 = tpu.vector_load %arg11[%get3A_272, %get3A_273] {strides = array<i32>} : memref<512x64xf32, #tpu.memory_space<vmem>>, vector<16xf32>,
      %get3A_275 = arith.index_cast %add3A_259 : i32 to index
      %get3A_276 = arith.constant 16 : index
      %get3A_277 = tpu.vector_load %arg12[%get3A_275, %get3A_276] {strides = array<i32>} : memref<512x64xf32, #tpu.memory_space<vmem>>, vector<16xf32>,
      %get3A_278 = arith.index_cast %add3A_259 : i32 to index
      %get3A_279 = arith.constant 16 : index
      %get3A_280 = tpu.vector_load %arg13[%get3A_278, %get3A_279] {strides = array<i32>} : memref<512x64xf32, #tpu.memory_space<vmem>>, vector<16xf32>,
      %add3A_281 = arith.addf %get3A_274, %get3A_277 : vector<16xf32>
      %sub3A_282 = arith.subf %add3A_281, %get3A_280 : vector<16xf32>
      %abs3A_283 = math.absf %sub3A_282 : vector<16xf32>
      %add3A_284 = arith.addf %abs3A_271, %abs3A_283 : vector<16xf32>
      %get3A_285 = arith.index_cast %add3A_259 : i32 to index
      %get3A_286 = arith.constant 32 : index
      %get3A_287 = tpu.vector_load %arg11[%get3A_285, %get3A_286] {strides = array<i32>} : memref<512x64xf32, #tpu.memory_space<vmem>>, vector<16xf32>,
      %get3A_288 = arith.index_cast %add3A_259 : i32 to index
      %get3A_289 = arith.constant 32 : index
      %get3A_290 = tpu.vector_load %arg12[%get3A_288, %get3A_289] {strides = array<i32>} : memref<512x64xf32, #tpu.memory_space<vmem>>, vector<16xf32>,
      %get3A_291 = arith.index_cast %add3A_259 : i32 to index
      %get3A_292 = arith.constant 32 : index
      %get3A_293 = tpu.vector_load %arg13[%get3A_291, %get3A_292] {strides = array<i32>} : memref<512x64xf32, #tpu.memory_space<vmem>>, vector<16xf32>,
      %add3A_294 = arith.addf %get3A_287, %get3A_290 : vector<16xf32>
      %sub3A_295 = arith.subf %add3A_294, %get3A_293 : vector<16xf32>
      %abs3A_296 = math.absf %sub3A_295 : vector<16xf32>
      %add3A_297 = arith.addf %add3A_284, %abs3A_296 : vector<16xf32>
      %get3A_298 = arith.index_cast %add3A_259 : i32 to index
      %get3A_299 = arith.constant 48 : index
      %get3A_300 = tpu.vector_load %arg11[%get3A_298, %get3A_299] {strides = array<i32>} : memref<512x64xf32, #tpu.memory_space<vmem>>, vector<16xf32>,
      %get3A_301 = arith.index_cast %add3A_259 : i32 to index
      %get3A_302 = arith.constant 48 : index
      %get3A_303 = tpu.vector_load %arg12[%get3A_301, %get3A_302] {strides = array<i32>} : memref<512x64xf32, #tpu.memory_space<vmem>>, vector<16xf32>,
      %get3A_304 = arith.index_cast %add3A_259 : i32 to index
      %get3A_305 = arith.constant 48 : index
      %get3A_306 = tpu.vector_load %arg13[%get3A_304, %get3A_305] {strides = array<i32>} : memref<512x64xf32, #tpu.memory_space<vmem>>, vector<16xf32>,
      %add3A_307 = arith.addf %get3A_300, %get3A_303 : vector<16xf32>
      %sub3A_308 = arith.subf %add3A_307, %get3A_306 : vector<16xf32>
      %abs3A_309 = math.absf %sub3A_308 : vector<16xf32>
      %add3A_310 = arith.addf %add3A_297, %abs3A_309 : vector<16xf32>
      %reduce_sum3A_311 = arith.constant true
      %reduce_sum3A_312 = vector.broadcast %reduce_sum3A_311 : i1 to vector<16xi1>
      %reduce_sum3A_313 = tpu.scan <sum>, %add3A_310 masked %reduce_sum3A_312 : vector<16xf32>, vector<16xi1> -> vector<16xf32>
      %reduce_sum3A_314 = vector.extract %reduce_sum3A_313[15] : f32 from vector<16xf32>
      %eq3A_315 = arith.constant 1 : i32
      %eq3A_316 = vector.broadcast %eq3A_315 : i32 to vector<16xi32>
      %eq3A_317 = arith.cmpi eq, %iota3A, %eq3A_316 : vector<16xi32>
      %broadcast_in_dim3A_318 = vector.broadcast %reduce_sum3A_314 : f32 to vector<16xf32>
      %select_n3A_319 = arith.select %eq3A_317, %broadcast_in_dim3A_318, %select_n3A : vector<16xi1>, vector<16xf32>
      %add3A_320 = arith.constant 2 : i32
      %add3A_321 = arith.addi %mul3A_200, %add3A_320 : i32
      %get3A_322 = arith.index_cast %add3A_321 : i32 to index
      %get3A_323 = arith.constant 0 : index
      %get3A_324 = tpu.vector_load %arg11[%get3A_322, %get3A_323] {strides = array<i32>} : memref<512x64xf32, #tpu.memory_space<vmem>>, vector<16xf32>,
      %get3A_325 = arith.index_cast %add3A_321 : i32 to index
      %get3A_326 = arith.constant 0 : index
      %get3A_327 = tpu.vector_load %arg12[%get3A_325, %get3A_326] {strides = array<i32>} : memref<512x64xf32, #tpu.memory_space<vmem>>, vector<16xf32>,
      %get3A_328 = arith.index_cast %add3A_321 : i32 to index
      %get3A_329 = arith.constant 0 : index
      %get3A_330 = tpu.vector_load %arg13[%get3A_328, %get3A_329] {strides = array<i32>} : memref<512x64xf32, #tpu.memory_space<vmem>>, vector<16xf32>,
      %add3A_331 = arith.addf %get3A_324, %get3A_327 : vector<16xf32>
      %sub3A_332 = arith.subf %add3A_331, %get3A_330 : vector<16xf32>
      %abs3A_333 = math.absf %sub3A_332 : vector<16xf32>
      %get3A_334 = arith.index_cast %add3A_321 : i32 to index
      %get3A_335 = arith.constant 16 : index
      %get3A_336 = tpu.vector_load %arg11[%get3A_334, %get3A_335] {strides = array<i32>} : memref<512x64xf32, #tpu.memory_space<vmem>>, vector<16xf32>,
      %get3A_337 = arith.index_cast %add3A_321 : i32 to index
      %get3A_338 = arith.constant 16 : index
      %get3A_339 = tpu.vector_load %arg12[%get3A_337, %get3A_338] {strides = array<i32>} : memref<512x64xf32, #tpu.memory_space<vmem>>, vector<16xf32>,
      %get3A_340 = arith.index_cast %add3A_321 : i32 to index
      %get3A_341 = arith.constant 16 : index
      %get3A_342 = tpu.vector_load %arg13[%get3A_340, %get3A_341] {strides = array<i32>} : memref<512x64xf32, #tpu.memory_space<vmem>>, vector<16xf32>,
      %add3A_343 = arith.addf %get3A_336, %get3A_339 : vector<16xf32>
      %sub3A_344 = arith.subf %add3A_343, %get3A_342 : vector<16xf32>
      %abs3A_345 = math.absf %sub3A_344 : vector<16xf32>
      %add3A_346 = arith.addf %abs3A_333, %abs3A_345 : vector<16xf32>
      %get3A_347 = arith.index_cast %add3A_321 : i32 to index
      %get3A_348 = arith.constant 32 : index
      %get3A_349 = tpu.vector_load %arg11[%get3A_347, %get3A_348] {strides = array<i32>} : memref<512x64xf32, #tpu.memory_space<vmem>>, vector<16xf32>,
      %get3A_350 = arith.index_cast %add3A_321 : i32 to index
      %get3A_351 = arith.constant 32 : index
      %get3A_352 = tpu.vector_load %arg12[%get3A_350, %get3A_351] {strides = array<i32>} : memref<512x64xf32, #tpu.memory_space<vmem>>, vector<16xf32>,
      %get3A_353 = arith.index_cast %add3A_321 : i32 to index
      %get3A_354 = arith.constant 32 : index
      %get3A_355 = tpu.vector_load %arg13[%get3A_353, %get3A_354] {strides = array<i32>} : memref<512x64xf32, #tpu.memory_space<vmem>>, vector<16xf32>,
      %add3A_356 = arith.addf %get3A_349, %get3A_352 : vector<16xf32>
      %sub3A_357 = arith.subf %add3A_356, %get3A_355 : vector<16xf32>
      %abs3A_358 = math.absf %sub3A_357 : vector<16xf32>
      %add3A_359 = arith.addf %add3A_346, %abs3A_358 : vector<16xf32>
      %get3A_360 = arith.index_cast %add3A_321 : i32 to index
      %get3A_361 = arith.constant 48 : index
      %get3A_362 = tpu.vector_load %arg11[%get3A_360, %get3A_361] {strides = array<i32>} : memref<512x64xf32, #tpu.memory_space<vmem>>, vector<16xf32>,
      %get3A_363 = arith.index_cast %add3A_321 : i32 to index
      %get3A_364 = arith.constant 48 : index
      %get3A_365 = tpu.vector_load %arg12[%get3A_363, %get3A_364] {strides = array<i32>} : memref<512x64xf32, #tpu.memory_space<vmem>>, vector<16xf32>,
      %get3A_366 = arith.index_cast %add3A_321 : i32 to index
      %get3A_367 = arith.constant 48 : index
      %get3A_368 = tpu.vector_load %arg13[%get3A_366, %get3A_367] {strides = array<i32>} : memref<512x64xf32, #tpu.memory_space<vmem>>, vector<16xf32>,
      %add3A_369 = arith.addf %get3A_362, %get3A_365 : vector<16xf32>
      %sub3A_370 = arith.subf %add3A_369, %get3A_368 : vector<16xf32>
      %abs3A_371 = math.absf %sub3A_370 : vector<16xf32>
      %add3A_372 = arith.addf %add3A_359, %abs3A_371 : vector<16xf32>
      %reduce_sum3A_373 = arith.constant true
      %reduce_sum3A_374 = vector.broadcast %reduce_sum3A_373 : i1 to vector<16xi1>
      %reduce_sum3A_375 = tpu.scan <sum>, %add3A_372 masked %reduce_sum3A_374 : vector<16xf32>, vector<16xi1> -> vector<16xf32>
      %reduce_sum3A_376 = vector.extract %reduce_sum3A_375[15] : f32 from vector<16xf32>
      %eq3A_377 = arith.constant 2 : i32
      %eq3A_378 = vector.broadcast %eq3A_377 : i32 to vector<16xi32>
      %eq3A_379 = arith.cmpi eq, %iota3A, %eq3A_378 : vector<16xi32>
      %broadcast_in_dim3A_380 = vector.broadcast %reduce_sum3A_376 : f32 to vector<16xf32>
      %select_n3A_381 = arith.select %eq3A_379, %broadcast_in_dim3A_380, %select_n3A_319 : vector<16xi1>, vector<16xf32>
      %add3A_382 = arith.constant 3 : i32
      %add3A_383 = arith.addi %mul3A_200, %add3A_382 : i32
      %get3A_384 = arith.index_cast %add3A_383 : i32 to index
      %get3A_385 = arith.constant 0 : index
      %get3A_386 = tpu.vector_load %arg11[%get3A_384, %get3A_385] {strides = array<i32>} : memref<512x64xf32, #tpu.memory_space<vmem>>, vector<16xf32>,
      %get3A_387 = arith.index_cast %add3A_383 : i32 to index
      %get3A_388 = arith.constant 0 : index
      %get3A_389 = tpu.vector_load %arg12[%get3A_387, %get3A_388] {strides = array<i32>} : memref<512x64xf32, #tpu.memory_space<vmem>>, vector<16xf32>,
      %get3A_390 = arith.index_cast %add3A_383 : i32 to index
      %get3A_391 = arith.constant 0 : index
      %get3A_392 = tpu.vector_load %arg13[%get3A_390, %get3A_391] {strides = array<i32>} : memref<512x64xf32, #tpu.memory_space<vmem>>, vector<16xf32>,
      %add3A_393 = arith.addf %get3A_386, %get3A_389 : vector<16xf32>
      %sub3A_394 = arith.subf %add3A_393, %get3A_392 : vector<16xf32>
      %abs3A_395 = math.absf %sub3A_394 : vector<16xf32>
      %get3A_396 = arith.index_cast %add3A_383 : i32 to index
      %get3A_397 = arith.constant 16 : index
      %get3A_398 = tpu.vector_load %arg11[%get3A_396, %get3A_397] {strides = array<i32>} : memref<512x64xf32, #tpu.memory_space<vmem>>, vector<16xf32>,
      %get3A_399 = arith.index_cast %add3A_383 : i32 to index
      %get3A_400 = arith.constant 16 : index
      %get3A_401 = tpu.vector_load %arg12[%get3A_399, %get3A_400] {strides = array<i32>} : memref<512x64xf32, #tpu.memory_space<vmem>>, vector<16xf32>,
      %get3A_402 = arith.index_cast %add3A_383 : i32 to index
      %get3A_403 = arith.constant 16 : index
      %get3A_404 = tpu.vector_load %arg13[%get3A_402, %get3A_403] {strides = array<i32>} : memref<512x64xf32, #tpu.memory_space<vmem>>, vector<16xf32>,
      %add3A_405 = arith.addf %get3A_398, %get3A_401 : vector<16xf32>
      %sub3A_406 = arith.subf %add3A_405, %get3A_404 : vector<16xf32>
      %abs3A_407 = math.absf %sub3A_406 : vector<16xf32>
      %add3A_408 = arith.addf %abs3A_395, %abs3A_407 : vector<16xf32>
      %get3A_409 = arith.index_cast %add3A_383 : i32 to index
      %get3A_410 = arith.constant 32 : index
      %get3A_411 = tpu.vector_load %arg11[%get3A_409, %get3A_410] {strides = array<i32>} : memref<512x64xf32, #tpu.memory_space<vmem>>, vector<16xf32>,
      %get3A_412 = arith.index_cast %add3A_383 : i32 to index
      %get3A_413 = arith.constant 32 : index
      %get3A_414 = tpu.vector_load %arg12[%get3A_412, %get3A_413] {strides = array<i32>} : memref<512x64xf32, #tpu.memory_space<vmem>>, vector<16xf32>,
      %get3A_415 = arith.index_cast %add3A_383 : i32 to index
      %get3A_416 = arith.constant 32 : index
      %get3A_417 = tpu.vector_load %arg13[%get3A_415, %get3A_416] {strides = array<i32>} : memref<512x64xf32, #tpu.memory_space<vmem>>, vector<16xf32>,
      %add3A_418 = arith.addf %get3A_411, %get3A_414 : vector<16xf32>
      %sub3A_419 = arith.subf %add3A_418, %get3A_417 : vector<16xf32>
      %abs3A_420 = math.absf %sub3A_419 : vector<16xf32>
      %add3A_421 = arith.addf %add3A_408, %abs3A_420 : vector<16xf32>
      %get3A_422 = arith.index_cast %add3A_383 : i32 to index
      %get3A_423 = arith.constant 48 : index
      %get3A_424 = tpu.vector_load %arg11[%get3A_422, %get3A_423] {strides = array<i32>} : memref<512x64xf32, #tpu.memory_space<vmem>>, vector<16xf32>,
      %get3A_425 = arith.index_cast %add3A_383 : i32 to index
      %get3A_426 = arith.constant 48 : index
      %get3A_427 = tpu.vector_load %arg12[%get3A_425, %get3A_426] {strides = array<i32>} : memref<512x64xf32, #tpu.memory_space<vmem>>, vector<16xf32>,
      %get3A_428 = arith.index_cast %add3A_383 : i32 to index
      %get3A_429 = arith.constant 48 : index
      %get3A_430 = tpu.vector_load %arg13[%get3A_428, %get3A_429] {strides = array<i32>} : memref<512x64xf32, #tpu.memory_space<vmem>>, vector<16xf32>,
      %add3A_431 = arith.addf %get3A_424, %get3A_427 : vector<16xf32>
      %sub3A_432 = arith.subf %add3A_431, %get3A_430 : vector<16xf32>
      %abs3A_433 = math.absf %sub3A_432 : vector<16xf32>
      %add3A_434 = arith.addf %add3A_421, %abs3A_433 : vector<16xf32>
      %reduce_sum3A_435 = arith.constant true
      %reduce_sum3A_436 = vector.broadcast %reduce_sum3A_435 : i1 to vector<16xi1>
      %reduce_sum3A_437 = tpu.scan <sum>, %add3A_434 masked %reduce_sum3A_436 : vector<16xf32>, vector<16xi1> -> vector<16xf32>
      %reduce_sum3A_438 = vector.extract %reduce_sum3A_437[15] : f32 from vector<16xf32>
      %eq3A_439 = arith.constant 3 : i32
      %eq3A_440 = vector.broadcast %eq3A_439 : i32 to vector<16xi32>
      %eq3A_441 = arith.cmpi eq, %iota3A, %eq3A_440 : vector<16xi32>
      %broadcast_in_dim3A_442 = vector.broadcast %reduce_sum3A_438 : f32 to vector<16xf32>
      %select_n3A_443 = arith.select %eq3A_441, %broadcast_in_dim3A_442, %select_n3A_381 : vector<16xi1>, vector<16xf32>
      %add3A_444 = arith.constant 4 : i32
      %add3A_445 = arith.addi %mul3A_200, %add3A_444 : i32
      %get3A_446 = arith.index_cast %add3A_445 : i32 to index
      %get3A_447 = arith.constant 0 : index
      %get3A_448 = tpu.vector_load %arg11[%get3A_446, %get3A_447] {strides = array<i32>} : memref<512x64xf32, #tpu.memory_space<vmem>>, vector<16xf32>,
      %get3A_449 = arith.index_cast %add3A_445 : i32 to index
      %get3A_450 = arith.constant 0 : index
      %get3A_451 = tpu.vector_load %arg12[%get3A_449, %get3A_450] {strides = array<i32>} : memref<512x64xf32, #tpu.memory_space<vmem>>, vector<16xf32>,
      %get3A_452 = arith.index_cast %add3A_445 : i32 to index
      %get3A_453 = arith.constant 0 : index
      %get3A_454 = tpu.vector_load %arg13[%get3A_452, %get3A_453] {strides = array<i32>} : memref<512x64xf32, #tpu.memory_space<vmem>>, vector<16xf32>,
      %add3A_455 = arith.addf %get3A_448, %get3A_451 : vector<16xf32>
      %sub3A_456 = arith.subf %add3A_455, %get3A_454 : vector<16xf32>
      %abs3A_457 = math.absf %sub3A_456 : vector<16xf32>
      %get3A_458 = arith.index_cast %add3A_445 : i32 to index
      %get3A_459 = arith.constant 16 : index
      %get3A_460 = tpu.vector_load %arg11[%get3A_458, %get3A_459] {strides = array<i32>} : memref<512x64xf32, #tpu.memory_space<vmem>>, vector<16xf32>,
      %get3A_461 = arith.index_cast %add3A_445 : i32 to index
      %get3A_462 = arith.constant 16 : index
      %get3A_463 = tpu.vector_load %arg12[%get3A_461, %get3A_462] {strides = array<i32>} : memref<512x64xf32, #tpu.memory_space<vmem>>, vector<16xf32>,
      %get3A_464 = arith.index_cast %add3A_445 : i32 to index
      %get3A_465 = arith.constant 16 : index
      %get3A_466 = tpu.vector_load %arg13[%get3A_464, %get3A_465] {strides = array<i32>} : memref<512x64xf32, #tpu.memory_space<vmem>>, vector<16xf32>,
      %add3A_467 = arith.addf %get3A_460, %get3A_463 : vector<16xf32>
      %sub3A_468 = arith.subf %add3A_467, %get3A_466 : vector<16xf32>
      %abs3A_469 = math.absf %sub3A_468 : vector<16xf32>
      %add3A_470 = arith.addf %abs3A_457, %abs3A_469 : vector<16xf32>
      %get3A_471 = arith.index_cast %add3A_445 : i32 to index
      %get3A_472 = arith.constant 32 : index
      %get3A_473 = tpu.vector_load %arg11[%get3A_471, %get3A_472] {strides = array<i32>} : memref<512x64xf32, #tpu.memory_space<vmem>>, vector<16xf32>,
      %get3A_474 = arith.index_cast %add3A_445 : i32 to index
      %get3A_475 = arith.constant 32 : index
      %get3A_476 = tpu.vector_load %arg12[%get3A_474, %get3A_475] {strides = array<i32>} : memref<512x64xf32, #tpu.memory_space<vmem>>, vector<16xf32>,
      %get3A_477 = arith.index_cast %add3A_445 : i32 to index
      %get3A_478 = arith.constant 32 : index
      %get3A_479 = tpu.vector_load %arg13[%get3A_477, %get3A_478] {strides = array<i32>} : memref<512x64xf32, #tpu.memory_space<vmem>>, vector<16xf32>,
      %add3A_480 = arith.addf %get3A_473, %get3A_476 : vector<16xf32>
      %sub3A_481 = arith.subf %add3A_480, %get3A_479 : vector<16xf32>
      %abs3A_482 = math.absf %sub3A_481 : vector<16xf32>
      %add3A_483 = arith.addf %add3A_470, %abs3A_482 : vector<16xf32>
      %get3A_484 = arith.index_cast %add3A_445 : i32 to index
      %get3A_485 = arith.constant 48 : index
      %get3A_486 = tpu.vector_load %arg11[%get3A_484, %get3A_485] {strides = array<i32>} : memref<512x64xf32, #tpu.memory_space<vmem>>, vector<16xf32>,
      %get3A_487 = arith.index_cast %add3A_445 : i32 to index
      %get3A_488 = arith.constant 48 : index
      %get3A_489 = tpu.vector_load %arg12[%get3A_487, %get3A_488] {strides = array<i32>} : memref<512x64xf32, #tpu.memory_space<vmem>>, vector<16xf32>,
      %get3A_490 = arith.index_cast %add3A_445 : i32 to index
      %get3A_491 = arith.constant 48 : index
      %get3A_492 = tpu.vector_load %arg13[%get3A_490, %get3A_491] {strides = array<i32>} : memref<512x64xf32, #tpu.memory_space<vmem>>, vector<16xf32>,
      %add3A_493 = arith.addf %get3A_486, %get3A_489 : vector<16xf32>
      %sub3A_494 = arith.subf %add3A_493, %get3A_492 : vector<16xf32>
      %abs3A_495 = math.absf %sub3A_494 : vector<16xf32>
      %add3A_496 = arith.addf %add3A_483, %abs3A_495 : vector<16xf32>
      %reduce_sum3A_497 = arith.constant true
      %reduce_sum3A_498 = vector.broadcast %reduce_sum3A_497 : i1 to vector<16xi1>
      %reduce_sum3A_499 = tpu.scan <sum>, %add3A_496 masked %reduce_sum3A_498 : vector<16xf32>, vector<16xi1> -> vector<16xf32>
      %reduce_sum3A_500 = vector.extract %reduce_sum3A_499[15] : f32 from vector<16xf32>
      %eq3A_501 = arith.constant 4 : i32
      %eq3A_502 = vector.broadcast %eq3A_501 : i32 to vector<16xi32>
      %eq3A_503 = arith.cmpi eq, %iota3A, %eq3A_502 : vector<16xi32>
      %broadcast_in_dim3A_504 = vector.broadcast %reduce_sum3A_500 : f32 to vector<16xf32>
      %select_n3A_505 = arith.select %eq3A_503, %broadcast_in_dim3A_504, %select_n3A_443 : vector<16xi1>, vector<16xf32>
      %add3A_506 = arith.constant 5 : i32
      %add3A_507 = arith.addi %mul3A_200, %add3A_506 : i32
      %get3A_508 = arith.index_cast %add3A_507 : i32 to index
      %get3A_509 = arith.constant 0 : index
      %get3A_510 = tpu.vector_load %arg11[%get3A_508, %get3A_509] {strides = array<i32>} : memref<512x64xf32, #tpu.memory_space<vmem>>, vector<16xf32>,
      %get3A_511 = arith.index_cast %add3A_507 : i32 to index
      %get3A_512 = arith.constant 0 : index
      %get3A_513 = tpu.vector_load %arg12[%get3A_511, %get3A_512] {strides = array<i32>} : memref<512x64xf32, #tpu.memory_space<vmem>>, vector<16xf32>,
      %get3A_514 = arith.index_cast %add3A_507 : i32 to index
      %get3A_515 = arith.constant 0 : index
      %get3A_516 = tpu.vector_load %arg13[%get3A_514, %get3A_515] {strides = array<i32>} : memref<512x64xf32, #tpu.memory_space<vmem>>, vector<16xf32>,
      %add3A_517 = arith.addf %get3A_510, %get3A_513 : vector<16xf32>
      %sub3A_518 = arith.subf %add3A_517, %get3A_516 : vector<16xf32>
      %abs3A_519 = math.absf %sub3A_518 : vector<16xf32>
      %get3A_520 = arith.index_cast %add3A_507 : i32 to index
      %get3A_521 = arith.constant 16 : index
      %get3A_522 = tpu.vector_load %arg11[%get3A_520, %get3A_521] {strides = array<i32>} : memref<512x64xf32, #tpu.memory_space<vmem>>, vector<16xf32>,
      %get3A_523 = arith.index_cast %add3A_507 : i32 to index
      %get3A_524 = arith.constant 16 : index
      %get3A_525 = tpu.vector_load %arg12[%get3A_523, %get3A_524] {strides = array<i32>} : memref<512x64xf32, #tpu.memory_space<vmem>>, vector<16xf32>,
      %get3A_526 = arith.index_cast %add3A_507 : i32 to index
      %get3A_527 = arith.constant 16 : index
      %get3A_528 = tpu.vector_load %arg13[%get3A_526, %get3A_527] {strides = array<i32>} : memref<512x64xf32, #tpu.memory_space<vmem>>, vector<16xf32>,
      %add3A_529 = arith.addf %get3A_522, %get3A_525 : vector<16xf32>
      %sub3A_530 = arith.subf %add3A_529, %get3A_528 : vector<16xf32>
      %abs3A_531 = math.absf %sub3A_530 : vector<16xf32>
      %add3A_532 = arith.addf %abs3A_519, %abs3A_531 : vector<16xf32>
      %get3A_533 = arith.index_cast %add3A_507 : i32 to index
      %get3A_534 = arith.constant 32 : index
      %get3A_535 = tpu.vector_load %arg11[%get3A_533, %get3A_534] {strides = array<i32>} : memref<512x64xf32, #tpu.memory_space<vmem>>, vector<16xf32>,
      %get3A_536 = arith.index_cast %add3A_507 : i32 to index
      %get3A_537 = arith.constant 32 : index
      %get3A_538 = tpu.vector_load %arg12[%get3A_536, %get3A_537] {strides = array<i32>} : memref<512x64xf32, #tpu.memory_space<vmem>>, vector<16xf32>,
      %get3A_539 = arith.index_cast %add3A_507 : i32 to index
      %get3A_540 = arith.constant 32 : index
      %get3A_541 = tpu.vector_load %arg13[%get3A_539, %get3A_540] {strides = array<i32>} : memref<512x64xf32, #tpu.memory_space<vmem>>, vector<16xf32>,
      %add3A_542 = arith.addf %get3A_535, %get3A_538 : vector<16xf32>
      %sub3A_543 = arith.subf %add3A_542, %get3A_541 : vector<16xf32>
      %abs3A_544 = math.absf %sub3A_543 : vector<16xf32>
      %add3A_545 = arith.addf %add3A_532, %abs3A_544 : vector<16xf32>
      %get3A_546 = arith.index_cast %add3A_507 : i32 to index
      %get3A_547 = arith.constant 48 : index
      %get3A_548 = tpu.vector_load %arg11[%get3A_546, %get3A_547] {strides = array<i32>} : memref<512x64xf32, #tpu.memory_space<vmem>>, vector<16xf32>,
      %get3A_549 = arith.index_cast %add3A_507 : i32 to index
      %get3A_550 = arith.constant 48 : index
      %get3A_551 = tpu.vector_load %arg12[%get3A_549, %get3A_550] {strides = array<i32>} : memref<512x64xf32, #tpu.memory_space<vmem>>, vector<16xf32>,
      %get3A_552 = arith.index_cast %add3A_507 : i32 to index
      %get3A_553 = arith.constant 48 : index
      %get3A_554 = tpu.vector_load %arg13[%get3A_552, %get3A_553] {strides = array<i32>} : memref<512x64xf32, #tpu.memory_space<vmem>>, vector<16xf32>,
      %add3A_555 = arith.addf %get3A_548, %get3A_551 : vector<16xf32>
      %sub3A_556 = arith.subf %add3A_555, %get3A_554 : vector<16xf32>
      %abs3A_557 = math.absf %sub3A_556 : vector<16xf32>
      %add3A_558 = arith.addf %add3A_545, %abs3A_557 : vector<16xf32>
      %reduce_sum3A_559 = arith.constant true
      %reduce_sum3A_560 = vector.broadcast %reduce_sum3A_559 : i1 to vector<16xi1>
      %reduce_sum3A_561 = tpu.scan <sum>, %add3A_558 masked %reduce_sum3A_560 : vector<16xf32>, vector<16xi1> -> vector<16xf32>
      %reduce_sum3A_562 = vector.extract %reduce_sum3A_561[15] : f32 from vector<16xf32>
      %eq3A_563 = arith.constant 5 : i32
      %eq3A_564 = vector.broadcast %eq3A_563 : i32 to vector<16xi32>
      %eq3A_565 = arith.cmpi eq, %iota3A, %eq3A_564 : vector<16xi32>
      %broadcast_in_dim3A_566 = vector.broadcast %reduce_sum3A_562 : f32 to vector<16xf32>
      %select_n3A_567 = arith.select %eq3A_565, %broadcast_in_dim3A_566, %select_n3A_505 : vector<16xi1>, vector<16xf32>
      %add3A_568 = arith.constant 6 : i32
      %add3A_569 = arith.addi %mul3A_200, %add3A_568 : i32
      %get3A_570 = arith.index_cast %add3A_569 : i32 to index
      %get3A_571 = arith.constant 0 : index
      %get3A_572 = tpu.vector_load %arg11[%get3A_570, %get3A_571] {strides = array<i32>} : memref<512x64xf32, #tpu.memory_space<vmem>>, vector<16xf32>,
      %get3A_573 = arith.index_cast %add3A_569 : i32 to index
      %get3A_574 = arith.constant 0 : index
      %get3A_575 = tpu.vector_load %arg12[%get3A_573, %get3A_574] {strides = array<i32>} : memref<512x64xf32, #tpu.memory_space<vmem>>, vector<16xf32>,
      %get3A_576 = arith.index_cast %add3A_569 : i32 to index
      %get3A_577 = arith.constant 0 : index
      %get3A_578 = tpu.vector_load %arg13[%get3A_576, %get3A_577] {strides = array<i32>} : memref<512x64xf32, #tpu.memory_space<vmem>>, vector<16xf32>,
      %add3A_579 = arith.addf %get3A_572, %get3A_575 : vector<16xf32>
      %sub3A_580 = arith.subf %add3A_579, %get3A_578 : vector<16xf32>
      %abs3A_581 = math.absf %sub3A_580 : vector<16xf32>
      %get3A_582 = arith.index_cast %add3A_569 : i32 to index
      %get3A_583 = arith.constant 16 : index
      %get3A_584 = tpu.vector_load %arg11[%get3A_582, %get3A_583] {strides = array<i32>} : memref<512x64xf32, #tpu.memory_space<vmem>>, vector<16xf32>,
      %get3A_585 = arith.index_cast %add3A_569 : i32 to index
      %get3A_586 = arith.constant 16 : index
      %get3A_587 = tpu.vector_load %arg12[%get3A_585, %get3A_586] {strides = array<i32>} : memref<512x64xf32, #tpu.memory_space<vmem>>, vector<16xf32>,
      %get3A_588 = arith.index_cast %add3A_569 : i32 to index
      %get3A_589 = arith.constant 16 : index
      %get3A_590 = tpu.vector_load %arg13[%get3A_588, %get3A_589] {strides = array<i32>} : memref<512x64xf32, #tpu.memory_space<vmem>>, vector<16xf32>,
      %add3A_591 = arith.addf %get3A_584, %get3A_587 : vector<16xf32>
      %sub3A_592 = arith.subf %add3A_591, %get3A_590 : vector<16xf32>
      %abs3A_593 = math.absf %sub3A_592 : vector<16xf32>
      %add3A_594 = arith.addf %abs3A_581, %abs3A_593 : vector<16xf32>
      %get3A_595 = arith.index_cast %add3A_569 : i32 to index
      %get3A_596 = arith.constant 32 : index
      %get3A_597 = tpu.vector_load %arg11[%get3A_595, %get3A_596] {strides = array<i32>} : memref<512x64xf32, #tpu.memory_space<vmem>>, vector<16xf32>,
      %get3A_598 = arith.index_cast %add3A_569 : i32 to index
      %get3A_599 = arith.constant 32 : index
      %get3A_600 = tpu.vector_load %arg12[%get3A_598, %get3A_599] {strides = array<i32>} : memref<512x64xf32, #tpu.memory_space<vmem>>, vector<16xf32>,
      %get3A_601 = arith.index_cast %add3A_569 : i32 to index
      %get3A_602 = arith.constant 32 : index
      %get3A_603 = tpu.vector_load %arg13[%get3A_601, %get3A_602] {strides = array<i32>} : memref<512x64xf32, #tpu.memory_space<vmem>>, vector<16xf32>,
      %add3A_604 = arith.addf %get3A_597, %get3A_600 : vector<16xf32>
      %sub3A_605 = arith.subf %add3A_604, %get3A_603 : vector<16xf32>
      %abs3A_606 = math.absf %sub3A_605 : vector<16xf32>
      %add3A_607 = arith.addf %add3A_594, %abs3A_606 : vector<16xf32>
      %get3A_608 = arith.index_cast %add3A_569 : i32 to index
      %get3A_609 = arith.constant 48 : index
      %get3A_610 = tpu.vector_load %arg11[%get3A_608, %get3A_609] {strides = array<i32>} : memref<512x64xf32, #tpu.memory_space<vmem>>, vector<16xf32>,
      %get3A_611 = arith.index_cast %add3A_569 : i32 to index
      %get3A_612 = arith.constant 48 : index
      %get3A_613 = tpu.vector_load %arg12[%get3A_611, %get3A_612] {strides = array<i32>} : memref<512x64xf32, #tpu.memory_space<vmem>>, vector<16xf32>,
      %get3A_614 = arith.index_cast %add3A_569 : i32 to index
      %get3A_615 = arith.constant 48 : index
      %get3A_616 = tpu.vector_load %arg13[%get3A_614, %get3A_615] {strides = array<i32>} : memref<512x64xf32, #tpu.memory_space<vmem>>, vector<16xf32>,
      %add3A_617 = arith.addf %get3A_610, %get3A_613 : vector<16xf32>
      %sub3A_618 = arith.subf %add3A_617, %get3A_616 : vector<16xf32>
      %abs3A_619 = math.absf %sub3A_618 : vector<16xf32>
      %add3A_620 = arith.addf %add3A_607, %abs3A_619 : vector<16xf32>
      %reduce_sum3A_621 = arith.constant true
      %reduce_sum3A_622 = vector.broadcast %reduce_sum3A_621 : i1 to vector<16xi1>
      %reduce_sum3A_623 = tpu.scan <sum>, %add3A_620 masked %reduce_sum3A_622 : vector<16xf32>, vector<16xi1> -> vector<16xf32>
      %reduce_sum3A_624 = vector.extract %reduce_sum3A_623[15] : f32 from vector<16xf32>
      %eq3A_625 = arith.constant 6 : i32
      %eq3A_626 = vector.broadcast %eq3A_625 : i32 to vector<16xi32>
      %eq3A_627 = arith.cmpi eq, %iota3A, %eq3A_626 : vector<16xi32>
      %broadcast_in_dim3A_628 = vector.broadcast %reduce_sum3A_624 : f32 to vector<16xf32>
      %select_n3A_629 = arith.select %eq3A_627, %broadcast_in_dim3A_628, %select_n3A_567 : vector<16xi1>, vector<16xf32>
      %add3A_630 = arith.constant 7 : i32
      %add3A_631 = arith.addi %mul3A_200, %add3A_630 : i32
      %get3A_632 = arith.index_cast %add3A_631 : i32 to index
      %get3A_633 = arith.constant 0 : index
      %get3A_634 = tpu.vector_load %arg11[%get3A_632, %get3A_633] {strides = array<i32>} : memref<512x64xf32, #tpu.memory_space<vmem>>, vector<16xf32>,
      %get3A_635 = arith.index_cast %add3A_631 : i32 to index
      %get3A_636 = arith.constant 0 : index
      %get3A_637 = tpu.vector_load %arg12[%get3A_635, %get3A_636] {strides = array<i32>} : memref<512x64xf32, #tpu.memory_space<vmem>>, vector<16xf32>,
      %get3A_638 = arith.index_cast %add3A_631 : i32 to index
      %get3A_639 = arith.constant 0 : index
      %get3A_640 = tpu.vector_load %arg13[%get3A_638, %get3A_639] {strides = array<i32>} : memref<512x64xf32, #tpu.memory_space<vmem>>, vector<16xf32>,
      %add3A_641 = arith.addf %get3A_634, %get3A_637 : vector<16xf32>
      %sub3A_642 = arith.subf %add3A_641, %get3A_640 : vector<16xf32>
      %abs3A_643 = math.absf %sub3A_642 : vector<16xf32>
      %get3A_644 = arith.index_cast %add3A_631 : i32 to index
      %get3A_645 = arith.constant 16 : index
      %get3A_646 = tpu.vector_load %arg11[%get3A_644, %get3A_645] {strides = array<i32>} : memref<512x64xf32, #tpu.memory_space<vmem>>, vector<16xf32>,
      %get3A_647 = arith.index_cast %add3A_631 : i32 to index
      %get3A_648 = arith.constant 16 : index
      %get3A_649 = tpu.vector_load %arg12[%get3A_647, %get3A_648] {strides = array<i32>} : memref<512x64xf32, #tpu.memory_space<vmem>>, vector<16xf32>,
      %get3A_650 = arith.index_cast %add3A_631 : i32 to index
      %get3A_651 = arith.constant 16 : index
      %get3A_652 = tpu.vector_load %arg13[%get3A_650, %get3A_651] {strides = array<i32>} : memref<512x64xf32, #tpu.memory_space<vmem>>, vector<16xf32>,
      %add3A_653 = arith.addf %get3A_646, %get3A_649 : vector<16xf32>
      %sub3A_654 = arith.subf %add3A_653, %get3A_652 : vector<16xf32>
      %abs3A_655 = math.absf %sub3A_654 : vector<16xf32>
      %add3A_656 = arith.addf %abs3A_643, %abs3A_655 : vector<16xf32>
      %get3A_657 = arith.index_cast %add3A_631 : i32 to index
      %get3A_658 = arith.constant 32 : index
      %get3A_659 = tpu.vector_load %arg11[%get3A_657, %get3A_658] {strides = array<i32>} : memref<512x64xf32, #tpu.memory_space<vmem>>, vector<16xf32>,
      %get3A_660 = arith.index_cast %add3A_631 : i32 to index
      %get3A_661 = arith.constant 32 : index
      %get3A_662 = tpu.vector_load %arg12[%get3A_660, %get3A_661] {strides = array<i32>} : memref<512x64xf32, #tpu.memory_space<vmem>>, vector<16xf32>,
      %get3A_663 = arith.index_cast %add3A_631 : i32 to index
      %get3A_664 = arith.constant 32 : index
      %get3A_665 = tpu.vector_load %arg13[%get3A_663, %get3A_664] {strides = array<i32>} : memref<512x64xf32, #tpu.memory_space<vmem>>, vector<16xf32>,
      %add3A_666 = arith.addf %get3A_659, %get3A_662 : vector<16xf32>
      %sub3A_667 = arith.subf %add3A_666, %get3A_665 : vector<16xf32>
      %abs3A_668 = math.absf %sub3A_667 : vector<16xf32>
      %add3A_669 = arith.addf %add3A_656, %abs3A_668 : vector<16xf32>
      %get3A_670 = arith.index_cast %add3A_631 : i32 to index
      %get3A_671 = arith.constant 48 : index
      %get3A_672 = tpu.vector_load %arg11[%get3A_670, %get3A_671] {strides = array<i32>} : memref<512x64xf32, #tpu.memory_space<vmem>>, vector<16xf32>,
      %get3A_673 = arith.index_cast %add3A_631 : i32 to index
      %get3A_674 = arith.constant 48 : index
      %get3A_675 = tpu.vector_load %arg12[%get3A_673, %get3A_674] {strides = array<i32>} : memref<512x64xf32, #tpu.memory_space<vmem>>, vector<16xf32>,
      %get3A_676 = arith.index_cast %add3A_631 : i32 to index
      %get3A_677 = arith.constant 48 : index
      %get3A_678 = tpu.vector_load %arg13[%get3A_676, %get3A_677] {strides = array<i32>} : memref<512x64xf32, #tpu.memory_space<vmem>>, vector<16xf32>,
      %add3A_679 = arith.addf %get3A_672, %get3A_675 : vector<16xf32>
      %sub3A_680 = arith.subf %add3A_679, %get3A_678 : vector<16xf32>
      %abs3A_681 = math.absf %sub3A_680 : vector<16xf32>
      %add3A_682 = arith.addf %add3A_669, %abs3A_681 : vector<16xf32>
      %reduce_sum3A_683 = arith.constant true
      %reduce_sum3A_684 = vector.broadcast %reduce_sum3A_683 : i1 to vector<16xi1>
      %reduce_sum3A_685 = tpu.scan <sum>, %add3A_682 masked %reduce_sum3A_684 : vector<16xf32>, vector<16xi1> -> vector<16xf32>
      %reduce_sum3A_686 = vector.extract %reduce_sum3A_685[15] : f32 from vector<16xf32>
      %eq3A_687 = arith.constant 7 : i32
      %eq3A_688 = vector.broadcast %eq3A_687 : i32 to vector<16xi32>
      %eq3A_689 = arith.cmpi eq, %iota3A, %eq3A_688 : vector<16xi32>
      %broadcast_in_dim3A_690 = vector.broadcast %reduce_sum3A_686 : f32 to vector<16xf32>
      %select_n3A_691 = arith.select %eq3A_689, %broadcast_in_dim3A_690, %select_n3A_629 : vector<16xi1>, vector<16xf32>
      %add3A_692 = arith.constant 8 : i32
      %add3A_693 = arith.addi %mul3A_200, %add3A_692 : i32
      %get3A_694 = arith.index_cast %add3A_693 : i32 to index
      %get3A_695 = arith.constant 0 : index
      %get3A_696 = tpu.vector_load %arg11[%get3A_694, %get3A_695] {strides = array<i32>} : memref<512x64xf32, #tpu.memory_space<vmem>>, vector<16xf32>,
      %get3A_697 = arith.index_cast %add3A_693 : i32 to index
      %get3A_698 = arith.constant 0 : index
      %get3A_699 = tpu.vector_load %arg12[%get3A_697, %get3A_698] {strides = array<i32>} : memref<512x64xf32, #tpu.memory_space<vmem>>, vector<16xf32>,
      %get3A_700 = arith.index_cast %add3A_693 : i32 to index
      %get3A_701 = arith.constant 0 : index
      %get3A_702 = tpu.vector_load %arg13[%get3A_700, %get3A_701] {strides = array<i32>} : memref<512x64xf32, #tpu.memory_space<vmem>>, vector<16xf32>,
      %add3A_703 = arith.addf %get3A_696, %get3A_699 : vector<16xf32>
      %sub3A_704 = arith.subf %add3A_703, %get3A_702 : vector<16xf32>
      %abs3A_705 = math.absf %sub3A_704 : vector<16xf32>
      %get3A_706 = arith.index_cast %add3A_693 : i32 to index
      %get3A_707 = arith.constant 16 : index
      %get3A_708 = tpu.vector_load %arg11[%get3A_706, %get3A_707] {strides = array<i32>} : memref<512x64xf32, #tpu.memory_space<vmem>>, vector<16xf32>,
      %get3A_709 = arith.index_cast %add3A_693 : i32 to index
      %get3A_710 = arith.constant 16 : index
      %get3A_711 = tpu.vector_load %arg12[%get3A_709, %get3A_710] {strides = array<i32>} : memref<512x64xf32, #tpu.memory_space<vmem>>, vector<16xf32>,
      %get3A_712 = arith.index_cast %add3A_693 : i32 to index
      %get3A_713 = arith.constant 16 : index
      %get3A_714 = tpu.vector_load %arg13[%get3A_712, %get3A_713] {strides = array<i32>} : memref<512x64xf32, #tpu.memory_space<vmem>>, vector<16xf32>,
      %add3A_715 = arith.addf %get3A_708, %get3A_711 : vector<16xf32>
      %sub3A_716 = arith.subf %add3A_715, %get3A_714 : vector<16xf32>
      %abs3A_717 = math.absf %sub3A_716 : vector<16xf32>
      %add3A_718 = arith.addf %abs3A_705, %abs3A_717 : vector<16xf32>
      %get3A_719 = arith.index_cast %add3A_693 : i32 to index
      %get3A_720 = arith.constant 32 : index
      %get3A_721 = tpu.vector_load %arg11[%get3A_719, %get3A_720] {strides = array<i32>} : memref<512x64xf32, #tpu.memory_space<vmem>>, vector<16xf32>,
      %get3A_722 = arith.index_cast %add3A_693 : i32 to index
      %get3A_723 = arith.constant 32 : index
      %get3A_724 = tpu.vector_load %arg12[%get3A_722, %get3A_723] {strides = array<i32>} : memref<512x64xf32, #tpu.memory_space<vmem>>, vector<16xf32>,
      %get3A_725 = arith.index_cast %add3A_693 : i32 to index
      %get3A_726 = arith.constant 32 : index
      %get3A_727 = tpu.vector_load %arg13[%get3A_725, %get3A_726] {strides = array<i32>} : memref<512x64xf32, #tpu.memory_space<vmem>>, vector<16xf32>,
      %add3A_728 = arith.addf %get3A_721, %get3A_724 : vector<16xf32>
      %sub3A_729 = arith.subf %add3A_728, %get3A_727 : vector<16xf32>
      %abs3A_730 = math.absf %sub3A_729 : vector<16xf32>
      %add3A_731 = arith.addf %add3A_718, %abs3A_730 : vector<16xf32>
      %get3A_732 = arith.index_cast %add3A_693 : i32 to index
      %get3A_733 = arith.constant 48 : index
      %get3A_734 = tpu.vector_load %arg11[%get3A_732, %get3A_733] {strides = array<i32>} : memref<512x64xf32, #tpu.memory_space<vmem>>, vector<16xf32>,
      %get3A_735 = arith.index_cast %add3A_693 : i32 to index
      %get3A_736 = arith.constant 48 : index
      %get3A_737 = tpu.vector_load %arg12[%get3A_735, %get3A_736] {strides = array<i32>} : memref<512x64xf32, #tpu.memory_space<vmem>>, vector<16xf32>,
      %get3A_738 = arith.index_cast %add3A_693 : i32 to index
      %get3A_739 = arith.constant 48 : index
      %get3A_740 = tpu.vector_load %arg13[%get3A_738, %get3A_739] {strides = array<i32>} : memref<512x64xf32, #tpu.memory_space<vmem>>, vector<16xf32>,
      %add3A_741 = arith.addf %get3A_734, %get3A_737 : vector<16xf32>
      %sub3A_742 = arith.subf %add3A_741, %get3A_740 : vector<16xf32>
      %abs3A_743 = math.absf %sub3A_742 : vector<16xf32>
      %add3A_744 = arith.addf %add3A_731, %abs3A_743 : vector<16xf32>
      %reduce_sum3A_745 = arith.constant true
      %reduce_sum3A_746 = vector.broadcast %reduce_sum3A_745 : i1 to vector<16xi1>
      %reduce_sum3A_747 = tpu.scan <sum>, %add3A_744 masked %reduce_sum3A_746 : vector<16xf32>, vector<16xi1> -> vector<16xf32>
      %reduce_sum3A_748 = vector.extract %reduce_sum3A_747[15] : f32 from vector<16xf32>
      %eq3A_749 = arith.constant 8 : i32
      %eq3A_750 = vector.broadcast %eq3A_749 : i32 to vector<16xi32>
      %eq3A_751 = arith.cmpi eq, %iota3A, %eq3A_750 : vector<16xi32>
      %broadcast_in_dim3A_752 = vector.broadcast %reduce_sum3A_748 : f32 to vector<16xf32>
      %select_n3A_753 = arith.select %eq3A_751, %broadcast_in_dim3A_752, %select_n3A_691 : vector<16xi1>, vector<16xf32>
      %add3A_754 = arith.constant 9 : i32
      %add3A_755 = arith.addi %mul3A_200, %add3A_754 : i32
      %get3A_756 = arith.index_cast %add3A_755 : i32 to index
      %get3A_757 = arith.constant 0 : index
      %get3A_758 = tpu.vector_load %arg11[%get3A_756, %get3A_757] {strides = array<i32>} : memref<512x64xf32, #tpu.memory_space<vmem>>, vector<16xf32>,
      %get3A_759 = arith.index_cast %add3A_755 : i32 to index
      %get3A_760 = arith.constant 0 : index
      %get3A_761 = tpu.vector_load %arg12[%get3A_759, %get3A_760] {strides = array<i32>} : memref<512x64xf32, #tpu.memory_space<vmem>>, vector<16xf32>,
      %get3A_762 = arith.index_cast %add3A_755 : i32 to index
      %get3A_763 = arith.constant 0 : index
      %get3A_764 = tpu.vector_load %arg13[%get3A_762, %get3A_763] {strides = array<i32>} : memref<512x64xf32, #tpu.memory_space<vmem>>, vector<16xf32>,
      %add3A_765 = arith.addf %get3A_758, %get3A_761 : vector<16xf32>
      %sub3A_766 = arith.subf %add3A_765, %get3A_764 : vector<16xf32>
      %abs3A_767 = math.absf %sub3A_766 : vector<16xf32>
      %get3A_768 = arith.index_cast %add3A_755 : i32 to index
      %get3A_769 = arith.constant 16 : index
      %get3A_770 = tpu.vector_load %arg11[%get3A_768, %get3A_769] {strides = array<i32>} : memref<512x64xf32, #tpu.memory_space<vmem>>, vector<16xf32>,
      %get3A_771 = arith.index_cast %add3A_755 : i32 to index
      %get3A_772 = arith.constant 16 : index
      %get3A_773 = tpu.vector_load %arg12[%get3A_771, %get3A_772] {strides = array<i32>} : memref<512x64xf32, #tpu.memory_space<vmem>>, vector<16xf32>,
      %get3A_774 = arith.index_cast %add3A_755 : i32 to index
      %get3A_775 = arith.constant 16 : index
      %get3A_776 = tpu.vector_load %arg13[%get3A_774, %get3A_775] {strides = array<i32>} : memref<512x64xf32, #tpu.memory_space<vmem>>, vector<16xf32>,
      %add3A_777 = arith.addf %get3A_770, %get3A_773 : vector<16xf32>
      %sub3A_778 = arith.subf %add3A_777, %get3A_776 : vector<16xf32>
      %abs3A_779 = math.absf %sub3A_778 : vector<16xf32>
      %add3A_780 = arith.addf %abs3A_767, %abs3A_779 : vector<16xf32>
      %get3A_781 = arith.index_cast %add3A_755 : i32 to index
      %get3A_782 = arith.constant 32 : index
      %get3A_783 = tpu.vector_load %arg11[%get3A_781, %get3A_782] {strides = array<i32>} : memref<512x64xf32, #tpu.memory_space<vmem>>, vector<16xf32>,
      %get3A_784 = arith.index_cast %add3A_755 : i32 to index
      %get3A_785 = arith.constant 32 : index
      %get3A_786 = tpu.vector_load %arg12[%get3A_784, %get3A_785] {strides = array<i32>} : memref<512x64xf32, #tpu.memory_space<vmem>>, vector<16xf32>,
      %get3A_787 = arith.index_cast %add3A_755 : i32 to index
      %get3A_788 = arith.constant 32 : index
      %get3A_789 = tpu.vector_load %arg13[%get3A_787, %get3A_788] {strides = array<i32>} : memref<512x64xf32, #tpu.memory_space<vmem>>, vector<16xf32>,
      %add3A_790 = arith.addf %get3A_783, %get3A_786 : vector<16xf32>
      %sub3A_791 = arith.subf %add3A_790, %get3A_789 : vector<16xf32>
      %abs3A_792 = math.absf %sub3A_791 : vector<16xf32>
      %add3A_793 = arith.addf %add3A_780, %abs3A_792 : vector<16xf32>
      %get3A_794 = arith.index_cast %add3A_755 : i32 to index
      %get3A_795 = arith.constant 48 : index
      %get3A_796 = tpu.vector_load %arg11[%get3A_794, %get3A_795] {strides = array<i32>} : memref<512x64xf32, #tpu.memory_space<vmem>>, vector<16xf32>,
      %get3A_797 = arith.index_cast %add3A_755 : i32 to index
      %get3A_798 = arith.constant 48 : index
      %get3A_799 = tpu.vector_load %arg12[%get3A_797, %get3A_798] {strides = array<i32>} : memref<512x64xf32, #tpu.memory_space<vmem>>, vector<16xf32>,
      %get3A_800 = arith.index_cast %add3A_755 : i32 to index
      %get3A_801 = arith.constant 48 : index
      %get3A_802 = tpu.vector_load %arg13[%get3A_800, %get3A_801] {strides = array<i32>} : memref<512x64xf32, #tpu.memory_space<vmem>>, vector<16xf32>,
      %add3A_803 = arith.addf %get3A_796, %get3A_799 : vector<16xf32>
      %sub3A_804 = arith.subf %add3A_803, %get3A_802 : vector<16xf32>
      %abs3A_805 = math.absf %sub3A_804 : vector<16xf32>
      %add3A_806 = arith.addf %add3A_793, %abs3A_805 : vector<16xf32>
      %reduce_sum3A_807 = arith.constant true
      %reduce_sum3A_808 = vector.broadcast %reduce_sum3A_807 : i1 to vector<16xi1>
      %reduce_sum3A_809 = tpu.scan <sum>, %add3A_806 masked %reduce_sum3A_808 : vector<16xf32>, vector<16xi1> -> vector<16xf32>
      %reduce_sum3A_810 = vector.extract %reduce_sum3A_809[15] : f32 from vector<16xf32>
      %eq3A_811 = arith.constant 9 : i32
      %eq3A_812 = vector.broadcast %eq3A_811 : i32 to vector<16xi32>
      %eq3A_813 = arith.cmpi eq, %iota3A, %eq3A_812 : vector<16xi32>
      %broadcast_in_dim3A_814 = vector.broadcast %reduce_sum3A_810 : f32 to vector<16xf32>
      %select_n3A_815 = arith.select %eq3A_813, %broadcast_in_dim3A_814, %select_n3A_753 : vector<16xi1>, vector<16xf32>
      %add3A_816 = arith.constant 10 : i32
      %add3A_817 = arith.addi %mul3A_200, %add3A_816 : i32
      %get3A_818 = arith.index_cast %add3A_817 : i32 to index
      %get3A_819 = arith.constant 0 : index
      %get3A_820 = tpu.vector_load %arg11[%get3A_818, %get3A_819] {strides = array<i32>} : memref<512x64xf32, #tpu.memory_space<vmem>>, vector<16xf32>,
      %get3A_821 = arith.index_cast %add3A_817 : i32 to index
      %get3A_822 = arith.constant 0 : index
      %get3A_823 = tpu.vector_load %arg12[%get3A_821, %get3A_822] {strides = array<i32>} : memref<512x64xf32, #tpu.memory_space<vmem>>, vector<16xf32>,
      %get3A_824 = arith.index_cast %add3A_817 : i32 to index
      %get3A_825 = arith.constant 0 : index
      %get3A_826 = tpu.vector_load %arg13[%get3A_824, %get3A_825] {strides = array<i32>} : memref<512x64xf32, #tpu.memory_space<vmem>>, vector<16xf32>,
      %add3A_827 = arith.addf %get3A_820, %get3A_823 : vector<16xf32>
      %sub3A_828 = arith.subf %add3A_827, %get3A_826 : vector<16xf32>
      %abs3A_829 = math.absf %sub3A_828 : vector<16xf32>
      %get3A_830 = arith.index_cast %add3A_817 : i32 to index
      %get3A_831 = arith.constant 16 : index
      %get3A_832 = tpu.vector_load %arg11[%get3A_830, %get3A_831] {strides = array<i32>} : memref<512x64xf32, #tpu.memory_space<vmem>>, vector<16xf32>,
      %get3A_833 = arith.index_cast %add3A_817 : i32 to index
      %get3A_834 = arith.constant 16 : index
      %get3A_835 = tpu.vector_load %arg12[%get3A_833, %get3A_834] {strides = array<i32>} : memref<512x64xf32, #tpu.memory_space<vmem>>, vector<16xf32>,
      %get3A_836 = arith.index_cast %add3A_817 : i32 to index
      %get3A_837 = arith.constant 16 : index
      %get3A_838 = tpu.vector_load %arg13[%get3A_836, %get3A_837] {strides = array<i32>} : memref<512x64xf32, #tpu.memory_space<vmem>>, vector<16xf32>,
      %add3A_839 = arith.addf %get3A_832, %get3A_835 : vector<16xf32>
      %sub3A_840 = arith.subf %add3A_839, %get3A_838 : vector<16xf32>
      %abs3A_841 = math.absf %sub3A_840 : vector<16xf32>
      %add3A_842 = arith.addf %abs3A_829, %abs3A_841 : vector<16xf32>
      %get3A_843 = arith.index_cast %add3A_817 : i32 to index
      %get3A_844 = arith.constant 32 : index
      %get3A_845 = tpu.vector_load %arg11[%get3A_843, %get3A_844] {strides = array<i32>} : memref<512x64xf32, #tpu.memory_space<vmem>>, vector<16xf32>,
      %get3A_846 = arith.index_cast %add3A_817 : i32 to index
      %get3A_847 = arith.constant 32 : index
      %get3A_848 = tpu.vector_load %arg12[%get3A_846, %get3A_847] {strides = array<i32>} : memref<512x64xf32, #tpu.memory_space<vmem>>, vector<16xf32>,
      %get3A_849 = arith.index_cast %add3A_817 : i32 to index
      %get3A_850 = arith.constant 32 : index
      %get3A_851 = tpu.vector_load %arg13[%get3A_849, %get3A_850] {strides = array<i32>} : memref<512x64xf32, #tpu.memory_space<vmem>>, vector<16xf32>,
      %add3A_852 = arith.addf %get3A_845, %get3A_848 : vector<16xf32>
      %sub3A_853 = arith.subf %add3A_852, %get3A_851 : vector<16xf32>
      %abs3A_854 = math.absf %sub3A_853 : vector<16xf32>
      %add3A_855 = arith.addf %add3A_842, %abs3A_854 : vector<16xf32>
      %get3A_856 = arith.index_cast %add3A_817 : i32 to index
      %get3A_857 = arith.constant 48 : index
      %get3A_858 = tpu.vector_load %arg11[%get3A_856, %get3A_857] {strides = array<i32>} : memref<512x64xf32, #tpu.memory_space<vmem>>, vector<16xf32>,
      %get3A_859 = arith.index_cast %add3A_817 : i32 to index
      %get3A_860 = arith.constant 48 : index
      %get3A_861 = tpu.vector_load %arg12[%get3A_859, %get3A_860] {strides = array<i32>} : memref<512x64xf32, #tpu.memory_space<vmem>>, vector<16xf32>,
      %get3A_862 = arith.index_cast %add3A_817 : i32 to index
      %get3A_863 = arith.constant 48 : index
      %get3A_864 = tpu.vector_load %arg13[%get3A_862, %get3A_863] {strides = array<i32>} : memref<512x64xf32, #tpu.memory_space<vmem>>, vector<16xf32>,
      %add3A_865 = arith.addf %get3A_858, %get3A_861 : vector<16xf32>
      %sub3A_866 = arith.subf %add3A_865, %get3A_864 : vector<16xf32>
      %abs3A_867 = math.absf %sub3A_866 : vector<16xf32>
      %add3A_868 = arith.addf %add3A_855, %abs3A_867 : vector<16xf32>
      %reduce_sum3A_869 = arith.constant true
      %reduce_sum3A_870 = vector.broadcast %reduce_sum3A_869 : i1 to vector<16xi1>
      %reduce_sum3A_871 = tpu.scan <sum>, %add3A_868 masked %reduce_sum3A_870 : vector<16xf32>, vector<16xi1> -> vector<16xf32>
      %reduce_sum3A_872 = vector.extract %reduce_sum3A_871[15] : f32 from vector<16xf32>
      %eq3A_873 = arith.constant 10 : i32
      %eq3A_874 = vector.broadcast %eq3A_873 : i32 to vector<16xi32>
      %eq3A_875 = arith.cmpi eq, %iota3A, %eq3A_874 : vector<16xi32>
      %broadcast_in_dim3A_876 = vector.broadcast %reduce_sum3A_872 : f32 to vector<16xf32>
      %select_n3A_877 = arith.select %eq3A_875, %broadcast_in_dim3A_876, %select_n3A_815 : vector<16xi1>, vector<16xf32>
      %add3A_878 = arith.constant 11 : i32
      %add3A_879 = arith.addi %mul3A_200, %add3A_878 : i32
      %get3A_880 = arith.index_cast %add3A_879 : i32 to index
      %get3A_881 = arith.constant 0 : index
      %get3A_882 = tpu.vector_load %arg11[%get3A_880, %get3A_881] {strides = array<i32>} : memref<512x64xf32, #tpu.memory_space<vmem>>, vector<16xf32>,
      %get3A_883 = arith.index_cast %add3A_879 : i32 to index
      %get3A_884 = arith.constant 0 : index
      %get3A_885 = tpu.vector_load %arg12[%get3A_883, %get3A_884] {strides = array<i32>} : memref<512x64xf32, #tpu.memory_space<vmem>>, vector<16xf32>,
      %get3A_886 = arith.index_cast %add3A_879 : i32 to index
      %get3A_887 = arith.constant 0 : index
      %get3A_888 = tpu.vector_load %arg13[%get3A_886, %get3A_887] {strides = array<i32>} : memref<512x64xf32, #tpu.memory_space<vmem>>, vector<16xf32>,
      %add3A_889 = arith.addf %get3A_882, %get3A_885 : vector<16xf32>
      %sub3A_890 = arith.subf %add3A_889, %get3A_888 : vector<16xf32>
      %abs3A_891 = math.absf %sub3A_890 : vector<16xf32>
      %get3A_892 = arith.index_cast %add3A_879 : i32 to index
      %get3A_893 = arith.constant 16 : index
      %get3A_894 = tpu.vector_load %arg11[%get3A_892, %get3A_893] {strides = array<i32>} : memref<512x64xf32, #tpu.memory_space<vmem>>, vector<16xf32>,
      %get3A_895 = arith.index_cast %add3A_879 : i32 to index
      %get3A_896 = arith.constant 16 : index
      %get3A_897 = tpu.vector_load %arg12[%get3A_895, %get3A_896] {strides = array<i32>} : memref<512x64xf32, #tpu.memory_space<vmem>>, vector<16xf32>,
      %get3A_898 = arith.index_cast %add3A_879 : i32 to index
      %get3A_899 = arith.constant 16 : index
      %get3A_900 = tpu.vector_load %arg13[%get3A_898, %get3A_899] {strides = array<i32>} : memref<512x64xf32, #tpu.memory_space<vmem>>, vector<16xf32>,
      %add3A_901 = arith.addf %get3A_894, %get3A_897 : vector<16xf32>
      %sub3A_902 = arith.subf %add3A_901, %get3A_900 : vector<16xf32>
      %abs3A_903 = math.absf %sub3A_902 : vector<16xf32>
      %add3A_904 = arith.addf %abs3A_891, %abs3A_903 : vector<16xf32>
      %get3A_905 = arith.index_cast %add3A_879 : i32 to index
      %get3A_906 = arith.constant 32 : index
      %get3A_907 = tpu.vector_load %arg11[%get3A_905, %get3A_906] {strides = array<i32>} : memref<512x64xf32, #tpu.memory_space<vmem>>, vector<16xf32>,
      %get3A_908 = arith.index_cast %add3A_879 : i32 to index
      %get3A_909 = arith.constant 32 : index
      %get3A_910 = tpu.vector_load %arg12[%get3A_908, %get3A_909] {strides = array<i32>} : memref<512x64xf32, #tpu.memory_space<vmem>>, vector<16xf32>,
      %get3A_911 = arith.index_cast %add3A_879 : i32 to index
      %get3A_912 = arith.constant 32 : index
      %get3A_913 = tpu.vector_load %arg13[%get3A_911, %get3A_912] {strides = array<i32>} : memref<512x64xf32, #tpu.memory_space<vmem>>, vector<16xf32>,
      %add3A_914 = arith.addf %get3A_907, %get3A_910 : vector<16xf32>
      %sub3A_915 = arith.subf %add3A_914, %get3A_913 : vector<16xf32>
      %abs3A_916 = math.absf %sub3A_915 : vector<16xf32>
      %add3A_917 = arith.addf %add3A_904, %abs3A_916 : vector<16xf32>
      %get3A_918 = arith.index_cast %add3A_879 : i32 to index
      %get3A_919 = arith.constant 48 : index
      %get3A_920 = tpu.vector_load %arg11[%get3A_918, %get3A_919] {strides = array<i32>} : memref<512x64xf32, #tpu.memory_space<vmem>>, vector<16xf32>,
      %get3A_921 = arith.index_cast %add3A_879 : i32 to index
      %get3A_922 = arith.constant 48 : index
      %get3A_923 = tpu.vector_load %arg12[%get3A_921, %get3A_922] {strides = array<i32>} : memref<512x64xf32, #tpu.memory_space<vmem>>, vector<16xf32>,
      %get3A_924 = arith.index_cast %add3A_879 : i32 to index
      %get3A_925 = arith.constant 48 : index
      %get3A_926 = tpu.vector_load %arg13[%get3A_924, %get3A_925] {strides = array<i32>} : memref<512x64xf32, #tpu.memory_space<vmem>>, vector<16xf32>,
      %add3A_927 = arith.addf %get3A_920, %get3A_923 : vector<16xf32>
      %sub3A_928 = arith.subf %add3A_927, %get3A_926 : vector<16xf32>
      %abs3A_929 = math.absf %sub3A_928 : vector<16xf32>
      %add3A_930 = arith.addf %add3A_917, %abs3A_929 : vector<16xf32>
      %reduce_sum3A_931 = arith.constant true
      %reduce_sum3A_932 = vector.broadcast %reduce_sum3A_931 : i1 to vector<16xi1>
      %reduce_sum3A_933 = tpu.scan <sum>, %add3A_930 masked %reduce_sum3A_932 : vector<16xf32>, vector<16xi1> -> vector<16xf32>
      %reduce_sum3A_934 = vector.extract %reduce_sum3A_933[15] : f32 from vector<16xf32>
      %eq3A_935 = arith.constant 11 : i32
      %eq3A_936 = vector.broadcast %eq3A_935 : i32 to vector<16xi32>
      %eq3A_937 = arith.cmpi eq, %iota3A, %eq3A_936 : vector<16xi32>
      %broadcast_in_dim3A_938 = vector.broadcast %reduce_sum3A_934 : f32 to vector<16xf32>
      %select_n3A_939 = arith.select %eq3A_937, %broadcast_in_dim3A_938, %select_n3A_877 : vector<16xi1>, vector<16xf32>
      %add3A_940 = arith.constant 12 : i32
      %add3A_941 = arith.addi %mul3A_200, %add3A_940 : i32
      %get3A_942 = arith.index_cast %add3A_941 : i32 to index
      %get3A_943 = arith.constant 0 : index
      %get3A_944 = tpu.vector_load %arg11[%get3A_942, %get3A_943] {strides = array<i32>} : memref<512x64xf32, #tpu.memory_space<vmem>>, vector<16xf32>,
      %get3A_945 = arith.index_cast %add3A_941 : i32 to index
      %get3A_946 = arith.constant 0 : index
      %get3A_947 = tpu.vector_load %arg12[%get3A_945, %get3A_946] {strides = array<i32>} : memref<512x64xf32, #tpu.memory_space<vmem>>, vector<16xf32>,
      %get3A_948 = arith.index_cast %add3A_941 : i32 to index
      %get3A_949 = arith.constant 0 : index
      %get3A_950 = tpu.vector_load %arg13[%get3A_948, %get3A_949] {strides = array<i32>} : memref<512x64xf32, #tpu.memory_space<vmem>>, vector<16xf32>,
      %add3A_951 = arith.addf %get3A_944, %get3A_947 : vector<16xf32>
      %sub3A_952 = arith.subf %add3A_951, %get3A_950 : vector<16xf32>
      %abs3A_953 = math.absf %sub3A_952 : vector<16xf32>
      %get3A_954 = arith.index_cast %add3A_941 : i32 to index
      %get3A_955 = arith.constant 16 : index
      %get3A_956 = tpu.vector_load %arg11[%get3A_954, %get3A_955] {strides = array<i32>} : memref<512x64xf32, #tpu.memory_space<vmem>>, vector<16xf32>,
      %get3A_957 = arith.index_cast %add3A_941 : i32 to index
      %get3A_958 = arith.constant 16 : index
      %get3A_959 = tpu.vector_load %arg12[%get3A_957, %get3A_958] {strides = array<i32>} : memref<512x64xf32, #tpu.memory_space<vmem>>, vector<16xf32>,
      %get3A_960 = arith.index_cast %add3A_941 : i32 to index
      %get3A_961 = arith.constant 16 : index
      %get3A_962 = tpu.vector_load %arg13[%get3A_960, %get3A_961] {strides = array<i32>} : memref<512x64xf32, #tpu.memory_space<vmem>>, vector<16xf32>,
      %add3A_963 = arith.addf %get3A_956, %get3A_959 : vector<16xf32>
      %sub3A_964 = arith.subf %add3A_963, %get3A_962 : vector<16xf32>
      %abs3A_965 = math.absf %sub3A_964 : vector<16xf32>
      %add3A_966 = arith.addf %abs3A_953, %abs3A_965 : vector<16xf32>
      %get3A_967 = arith.index_cast %add3A_941 : i32 to index
      %get3A_968 = arith.constant 32 : index
      %get3A_969 = tpu.vector_load %arg11[%get3A_967, %get3A_968] {strides = array<i32>} : memref<512x64xf32, #tpu.memory_space<vmem>>, vector<16xf32>,
      %get3A_970 = arith.index_cast %add3A_941 : i32 to index
      %get3A_971 = arith.constant 32 : index
      %get3A_972 = tpu.vector_load %arg12[%get3A_970, %get3A_971] {strides = array<i32>} : memref<512x64xf32, #tpu.memory_space<vmem>>, vector<16xf32>,
      %get3A_973 = arith.index_cast %add3A_941 : i32 to index
      %get3A_974 = arith.constant 32 : index
      %get3A_975 = tpu.vector_load %arg13[%get3A_973, %get3A_974] {strides = array<i32>} : memref<512x64xf32, #tpu.memory_space<vmem>>, vector<16xf32>,
      %add3A_976 = arith.addf %get3A_969, %get3A_972 : vector<16xf32>
      %sub3A_977 = arith.subf %add3A_976, %get3A_975 : vector<16xf32>
      %abs3A_978 = math.absf %sub3A_977 : vector<16xf32>
      %add3A_979 = arith.addf %add3A_966, %abs3A_978 : vector<16xf32>
      %get3A_980 = arith.index_cast %add3A_941 : i32 to index
      %get3A_981 = arith.constant 48 : index
      %get3A_982 = tpu.vector_load %arg11[%get3A_980, %get3A_981] {strides = array<i32>} : memref<512x64xf32, #tpu.memory_space<vmem>>, vector<16xf32>,
      %get3A_983 = arith.index_cast %add3A_941 : i32 to index
      %get3A_984 = arith.constant 48 : index
      %get3A_985 = tpu.vector_load %arg12[%get3A_983, %get3A_984] {strides = array<i32>} : memref<512x64xf32, #tpu.memory_space<vmem>>, vector<16xf32>,
      %get3A_986 = arith.index_cast %add3A_941 : i32 to index
      %get3A_987 = arith.constant 48 : index
      %get3A_988 = tpu.vector_load %arg13[%get3A_986, %get3A_987] {strides = array<i32>} : memref<512x64xf32, #tpu.memory_space<vmem>>, vector<16xf32>,
      %add3A_989 = arith.addf %get3A_982, %get3A_985 : vector<16xf32>
      %sub3A_990 = arith.subf %add3A_989, %get3A_988 : vector<16xf32>
      %abs3A_991 = math.absf %sub3A_990 : vector<16xf32>
      %add3A_992 = arith.addf %add3A_979, %abs3A_991 : vector<16xf32>
      %reduce_sum3A_993 = arith.constant true
      %reduce_sum3A_994 = vector.broadcast %reduce_sum3A_993 : i1 to vector<16xi1>
      %reduce_sum3A_995 = tpu.scan <sum>, %add3A_992 masked %reduce_sum3A_994 : vector<16xf32>, vector<16xi1> -> vector<16xf32>
      %reduce_sum3A_996 = vector.extract %reduce_sum3A_995[15] : f32 from vector<16xf32>
      %eq3A_997 = arith.constant 12 : i32
      %eq3A_998 = vector.broadcast %eq3A_997 : i32 to vector<16xi32>
      %eq3A_999 = arith.cmpi eq, %iota3A, %eq3A_998 : vector<16xi32>
      %broadcast_in_dim3A_1000 = vector.broadcast %reduce_sum3A_996 : f32 to vector<16xf32>
      %select_n3A_1001 = arith.select %eq3A_999, %broadcast_in_dim3A_1000, %select_n3A_939 : vector<16xi1>, vector<16xf32>
      %add3A_1002 = arith.constant 13 : i32
      %add3A_1003 = arith.addi %mul3A_200, %add3A_1002 : i32
      %get3A_1004 = arith.index_cast %add3A_1003 : i32 to index
      %get3A_1005 = arith.constant 0 : index
      %get3A_1006 = tpu.vector_load %arg11[%get3A_1004, %get3A_1005] {strides = array<i32>} : memref<512x64xf32, #tpu.memory_space<vmem>>, vector<16xf32>,
      %get3A_1007 = arith.index_cast %add3A_1003 : i32 to index
      %get3A_1008 = arith.constant 0 : index
      %get3A_1009 = tpu.vector_load %arg12[%get3A_1007, %get3A_1008] {strides = array<i32>} : memref<512x64xf32, #tpu.memory_space<vmem>>, vector<16xf32>,
      %get3A_1010 = arith.index_cast %add3A_1003 : i32 to index
      %get3A_1011 = arith.constant 0 : index
      %get3A_1012 = tpu.vector_load %arg13[%get3A_1010, %get3A_1011] {strides = array<i32>} : memref<512x64xf32, #tpu.memory_space<vmem>>, vector<16xf32>,
      %add3A_1013 = arith.addf %get3A_1006, %get3A_1009 : vector<16xf32>
      %sub3A_1014 = arith.subf %add3A_1013, %get3A_1012 : vector<16xf32>
      %abs3A_1015 = math.absf %sub3A_1014 : vector<16xf32>
      %get3A_1016 = arith.index_cast %add3A_1003 : i32 to index
      %get3A_1017 = arith.constant 16 : index
      %get3A_1018 = tpu.vector_load %arg11[%get3A_1016, %get3A_1017] {strides = array<i32>} : memref<512x64xf32, #tpu.memory_space<vmem>>, vector<16xf32>,
      %get3A_1019 = arith.index_cast %add3A_1003 : i32 to index
      %get3A_1020 = arith.constant 16 : index
      %get3A_1021 = tpu.vector_load %arg12[%get3A_1019, %get3A_1020] {strides = array<i32>} : memref<512x64xf32, #tpu.memory_space<vmem>>, vector<16xf32>,
      %get3A_1022 = arith.index_cast %add3A_1003 : i32 to index
      %get3A_1023 = arith.constant 16 : index
      %get3A_1024 = tpu.vector_load %arg13[%get3A_1022, %get3A_1023] {strides = array<i32>} : memref<512x64xf32, #tpu.memory_space<vmem>>, vector<16xf32>,
      %add3A_1025 = arith.addf %get3A_1018, %get3A_1021 : vector<16xf32>
      %sub3A_1026 = arith.subf %add3A_1025, %get3A_1024 : vector<16xf32>
      %abs3A_1027 = math.absf %sub3A_1026 : vector<16xf32>
      %add3A_1028 = arith.addf %abs3A_1015, %abs3A_1027 : vector<16xf32>
      %get3A_1029 = arith.index_cast %add3A_1003 : i32 to index
      %get3A_1030 = arith.constant 32 : index
      %get3A_1031 = tpu.vector_load %arg11[%get3A_1029, %get3A_1030] {strides = array<i32>} : memref<512x64xf32, #tpu.memory_space<vmem>>, vector<16xf32>,
      %get3A_1032 = arith.index_cast %add3A_1003 : i32 to index
      %get3A_1033 = arith.constant 32 : index
      %get3A_1034 = tpu.vector_load %arg12[%get3A_1032, %get3A_1033] {strides = array<i32>} : memref<512x64xf32, #tpu.memory_space<vmem>>, vector<16xf32>,
      %get3A_1035 = arith.index_cast %add3A_1003 : i32 to index
      %get3A_1036 = arith.constant 32 : index
      %get3A_1037 = tpu.vector_load %arg13[%get3A_1035, %get3A_1036] {strides = array<i32>} : memref<512x64xf32, #tpu.memory_space<vmem>>, vector<16xf32>,
      %add3A_1038 = arith.addf %get3A_1031, %get3A_1034 : vector<16xf32>
      %sub3A_1039 = arith.subf %add3A_1038, %get3A_1037 : vector<16xf32>
      %abs3A_1040 = math.absf %sub3A_1039 : vector<16xf32>
      %add3A_1041 = arith.addf %add3A_1028, %abs3A_1040 : vector<16xf32>
      %get3A_1042 = arith.index_cast %add3A_1003 : i32 to index
      %get3A_1043 = arith.constant 48 : index
      %get3A_1044 = tpu.vector_load %arg11[%get3A_1042, %get3A_1043] {strides = array<i32>} : memref<512x64xf32, #tpu.memory_space<vmem>>, vector<16xf32>,
      %get3A_1045 = arith.index_cast %add3A_1003 : i32 to index
      %get3A_1046 = arith.constant 48 : index
      %get3A_1047 = tpu.vector_load %arg12[%get3A_1045, %get3A_1046] {strides = array<i32>} : memref<512x64xf32, #tpu.memory_space<vmem>>, vector<16xf32>,
      %get3A_1048 = arith.index_cast %add3A_1003 : i32 to index
      %get3A_1049 = arith.constant 48 : index
      %get3A_1050 = tpu.vector_load %arg13[%get3A_1048, %get3A_1049] {strides = array<i32>} : memref<512x64xf32, #tpu.memory_space<vmem>>, vector<16xf32>,
      %add3A_1051 = arith.addf %get3A_1044, %get3A_1047 : vector<16xf32>
      %sub3A_1052 = arith.subf %add3A_1051, %get3A_1050 : vector<16xf32>
      %abs3A_1053 = math.absf %sub3A_1052 : vector<16xf32>
      %add3A_1054 = arith.addf %add3A_1041, %abs3A_1053 : vector<16xf32>
      %reduce_sum3A_1055 = arith.constant true
      %reduce_sum3A_1056 = vector.broadcast %reduce_sum3A_1055 : i1 to vector<16xi1>
      %reduce_sum3A_1057 = tpu.scan <sum>, %add3A_1054 masked %reduce_sum3A_1056 : vector<16xf32>, vector<16xi1> -> vector<16xf32>
      %reduce_sum3A_1058 = vector.extract %reduce_sum3A_1057[15] : f32 from vector<16xf32>
      %eq3A_1059 = arith.constant 13 : i32
      %eq3A_1060 = vector.broadcast %eq3A_1059 : i32 to vector<16xi32>
      %eq3A_1061 = arith.cmpi eq, %iota3A, %eq3A_1060 : vector<16xi32>
      %broadcast_in_dim3A_1062 = vector.broadcast %reduce_sum3A_1058 : f32 to vector<16xf32>
      %select_n3A_1063 = arith.select %eq3A_1061, %broadcast_in_dim3A_1062, %select_n3A_1001 : vector<16xi1>, vector<16xf32>
      %add3A_1064 = arith.constant 14 : i32
      %add3A_1065 = arith.addi %mul3A_200, %add3A_1064 : i32
      %get3A_1066 = arith.index_cast %add3A_1065 : i32 to index
      %get3A_1067 = arith.constant 0 : index
      %get3A_1068 = tpu.vector_load %arg11[%get3A_1066, %get3A_1067] {strides = array<i32>} : memref<512x64xf32, #tpu.memory_space<vmem>>, vector<16xf32>,
      %get3A_1069 = arith.index_cast %add3A_1065 : i32 to index
      %get3A_1070 = arith.constant 0 : index
      %get3A_1071 = tpu.vector_load %arg12[%get3A_1069, %get3A_1070] {strides = array<i32>} : memref<512x64xf32, #tpu.memory_space<vmem>>, vector<16xf32>,
      %get3A_1072 = arith.index_cast %add3A_1065 : i32 to index
      %get3A_1073 = arith.constant 0 : index
      %get3A_1074 = tpu.vector_load %arg13[%get3A_1072, %get3A_1073] {strides = array<i32>} : memref<512x64xf32, #tpu.memory_space<vmem>>, vector<16xf32>,
      %add3A_1075 = arith.addf %get3A_1068, %get3A_1071 : vector<16xf32>
      %sub3A_1076 = arith.subf %add3A_1075, %get3A_1074 : vector<16xf32>
      %abs3A_1077 = math.absf %sub3A_1076 : vector<16xf32>
      %get3A_1078 = arith.index_cast %add3A_1065 : i32 to index
      %get3A_1079 = arith.constant 16 : index
      %get3A_1080 = tpu.vector_load %arg11[%get3A_1078, %get3A_1079] {strides = array<i32>} : memref<512x64xf32, #tpu.memory_space<vmem>>, vector<16xf32>,
      %get3A_1081 = arith.index_cast %add3A_1065 : i32 to index
      %get3A_1082 = arith.constant 16 : index
      %get3A_1083 = tpu.vector_load %arg12[%get3A_1081, %get3A_1082] {strides = array<i32>} : memref<512x64xf32, #tpu.memory_space<vmem>>, vector<16xf32>,
      %get3A_1084 = arith.index_cast %add3A_1065 : i32 to index
      %get3A_1085 = arith.constant 16 : index
      %get3A_1086 = tpu.vector_load %arg13[%get3A_1084, %get3A_1085] {strides = array<i32>} : memref<512x64xf32, #tpu.memory_space<vmem>>, vector<16xf32>,
      %add3A_1087 = arith.addf %get3A_1080, %get3A_1083 : vector<16xf32>
      %sub3A_1088 = arith.subf %add3A_1087, %get3A_1086 : vector<16xf32>
      %abs3A_1089 = math.absf %sub3A_1088 : vector<16xf32>
      %add3A_1090 = arith.addf %abs3A_1077, %abs3A_1089 : vector<16xf32>
      %get3A_1091 = arith.index_cast %add3A_1065 : i32 to index
      %get3A_1092 = arith.constant 32 : index
      %get3A_1093 = tpu.vector_load %arg11[%get3A_1091, %get3A_1092] {strides = array<i32>} : memref<512x64xf32, #tpu.memory_space<vmem>>, vector<16xf32>,
      %get3A_1094 = arith.index_cast %add3A_1065 : i32 to index
      %get3A_1095 = arith.constant 32 : index
      %get3A_1096 = tpu.vector_load %arg12[%get3A_1094, %get3A_1095] {strides = array<i32>} : memref<512x64xf32, #tpu.memory_space<vmem>>, vector<16xf32>,
      %get3A_1097 = arith.index_cast %add3A_1065 : i32 to index
      %get3A_1098 = arith.constant 32 : index
      %get3A_1099 = tpu.vector_load %arg13[%get3A_1097, %get3A_1098] {strides = array<i32>} : memref<512x64xf32, #tpu.memory_space<vmem>>, vector<16xf32>,
      %add3A_1100 = arith.addf %get3A_1093, %get3A_1096 : vector<16xf32>
      %sub3A_1101 = arith.subf %add3A_1100, %get3A_1099 : vector<16xf32>
      %abs3A_1102 = math.absf %sub3A_1101 : vector<16xf32>
      %add3A_1103 = arith.addf %add3A_1090, %abs3A_1102 : vector<16xf32>
      %get3A_1104 = arith.index_cast %add3A_1065 : i32 to index
      %get3A_1105 = arith.constant 48 : index
      %get3A_1106 = tpu.vector_load %arg11[%get3A_1104, %get3A_1105] {strides = array<i32>} : memref<512x64xf32, #tpu.memory_space<vmem>>, vector<16xf32>,
      %get3A_1107 = arith.index_cast %add3A_1065 : i32 to index
      %get3A_1108 = arith.constant 48 : index
      %get3A_1109 = tpu.vector_load %arg12[%get3A_1107, %get3A_1108] {strides = array<i32>} : memref<512x64xf32, #tpu.memory_space<vmem>>, vector<16xf32>,
      %get3A_1110 = arith.index_cast %add3A_1065 : i32 to index
      %get3A_1111 = arith.constant 48 : index
      %get3A_1112 = tpu.vector_load %arg13[%get3A_1110, %get3A_1111] {strides = array<i32>} : memref<512x64xf32, #tpu.memory_space<vmem>>, vector<16xf32>,
      %add3A_1113 = arith.addf %get3A_1106, %get3A_1109 : vector<16xf32>
      %sub3A_1114 = arith.subf %add3A_1113, %get3A_1112 : vector<16xf32>
      %abs3A_1115 = math.absf %sub3A_1114 : vector<16xf32>
      %add3A_1116 = arith.addf %add3A_1103, %abs3A_1115 : vector<16xf32>
      %reduce_sum3A_1117 = arith.constant true
      %reduce_sum3A_1118 = vector.broadcast %reduce_sum3A_1117 : i1 to vector<16xi1>
      %reduce_sum3A_1119 = tpu.scan <sum>, %add3A_1116 masked %reduce_sum3A_1118 : vector<16xf32>, vector<16xi1> -> vector<16xf32>
      %reduce_sum3A_1120 = vector.extract %reduce_sum3A_1119[15] : f32 from vector<16xf32>
      %eq3A_1121 = arith.constant 14 : i32
      %eq3A_1122 = vector.broadcast %eq3A_1121 : i32 to vector<16xi32>
      %eq3A_1123 = arith.cmpi eq, %iota3A, %eq3A_1122 : vector<16xi32>
      %broadcast_in_dim3A_1124 = vector.broadcast %reduce_sum3A_1120 : f32 to vector<16xf32>
      %select_n3A_1125 = arith.select %eq3A_1123, %broadcast_in_dim3A_1124, %select_n3A_1063 : vector<16xi1>, vector<16xf32>
      %add3A_1126 = arith.constant 15 : i32
      %add3A_1127 = arith.addi %mul3A_200, %add3A_1126 : i32
      %get3A_1128 = arith.index_cast %add3A_1127 : i32 to index
      %get3A_1129 = arith.constant 0 : index
      %get3A_1130 = tpu.vector_load %arg11[%get3A_1128, %get3A_1129] {strides = array<i32>} : memref<512x64xf32, #tpu.memory_space<vmem>>, vector<16xf32>,
      %get3A_1131 = arith.index_cast %add3A_1127 : i32 to index
      %get3A_1132 = arith.constant 0 : index
      %get3A_1133 = tpu.vector_load %arg12[%get3A_1131, %get3A_1132] {strides = array<i32>} : memref<512x64xf32, #tpu.memory_space<vmem>>, vector<16xf32>,
      %get3A_1134 = arith.index_cast %add3A_1127 : i32 to index
      %get3A_1135 = arith.constant 0 : index
      %get3A_1136 = tpu.vector_load %arg13[%get3A_1134, %get3A_1135] {strides = array<i32>} : memref<512x64xf32, #tpu.memory_space<vmem>>, vector<16xf32>,
      %add3A_1137 = arith.addf %get3A_1130, %get3A_1133 : vector<16xf32>
      %sub3A_1138 = arith.subf %add3A_1137, %get3A_1136 : vector<16xf32>
      %abs3A_1139 = math.absf %sub3A_1138 : vector<16xf32>
      %get3A_1140 = arith.index_cast %add3A_1127 : i32 to index
      %get3A_1141 = arith.constant 16 : index
      %get3A_1142 = tpu.vector_load %arg11[%get3A_1140, %get3A_1141] {strides = array<i32>} : memref<512x64xf32, #tpu.memory_space<vmem>>, vector<16xf32>,
      %get3A_1143 = arith.index_cast %add3A_1127 : i32 to index
      %get3A_1144 = arith.constant 16 : index
      %get3A_1145 = tpu.vector_load %arg12[%get3A_1143, %get3A_1144] {strides = array<i32>} : memref<512x64xf32, #tpu.memory_space<vmem>>, vector<16xf32>,
      %get3A_1146 = arith.index_cast %add3A_1127 : i32 to index
      %get3A_1147 = arith.constant 16 : index
      %get3A_1148 = tpu.vector_load %arg13[%get3A_1146, %get3A_1147] {strides = array<i32>} : memref<512x64xf32, #tpu.memory_space<vmem>>, vector<16xf32>,
      %add3A_1149 = arith.addf %get3A_1142, %get3A_1145 : vector<16xf32>
      %sub3A_1150 = arith.subf %add3A_1149, %get3A_1148 : vector<16xf32>
      %abs3A_1151 = math.absf %sub3A_1150 : vector<16xf32>
      %add3A_1152 = arith.addf %abs3A_1139, %abs3A_1151 : vector<16xf32>
      %get3A_1153 = arith.index_cast %add3A_1127 : i32 to index
      %get3A_1154 = arith.constant 32 : index
      %get3A_1155 = tpu.vector_load %arg11[%get3A_1153, %get3A_1154] {strides = array<i32>} : memref<512x64xf32, #tpu.memory_space<vmem>>, vector<16xf32>,
      %get3A_1156 = arith.index_cast %add3A_1127 : i32 to index
      %get3A_1157 = arith.constant 32 : index
      %get3A_1158 = tpu.vector_load %arg12[%get3A_1156, %get3A_1157] {strides = array<i32>} : memref<512x64xf32, #tpu.memory_space<vmem>>, vector<16xf32>,
      %get3A_1159 = arith.index_cast %add3A_1127 : i32 to index
      %get3A_1160 = arith.constant 32 : index
      %get3A_1161 = tpu.vector_load %arg13[%get3A_1159, %get3A_1160] {strides = array<i32>} : memref<512x64xf32, #tpu.memory_space<vmem>>, vector<16xf32>,
      %add3A_1162 = arith.addf %get3A_1155, %get3A_1158 : vector<16xf32>
      %sub3A_1163 = arith.subf %add3A_1162, %get3A_1161 : vector<16xf32>
      %abs3A_1164 = math.absf %sub3A_1163 : vector<16xf32>
      %add3A_1165 = arith.addf %add3A_1152, %abs3A_1164 : vector<16xf32>
      %get3A_1166 = arith.index_cast %add3A_1127 : i32 to index
      %get3A_1167 = arith.constant 48 : index
      %get3A_1168 = tpu.vector_load %arg11[%get3A_1166, %get3A_1167] {strides = array<i32>} : memref<512x64xf32, #tpu.memory_space<vmem>>, vector<16xf32>,
      %get3A_1169 = arith.index_cast %add3A_1127 : i32 to index
      %get3A_1170 = arith.constant 48 : index
      %get3A_1171 = tpu.vector_load %arg12[%get3A_1169, %get3A_1170] {strides = array<i32>} : memref<512x64xf32, #tpu.memory_space<vmem>>, vector<16xf32>,
      %get3A_1172 = arith.index_cast %add3A_1127 : i32 to index
      %get3A_1173 = arith.constant 48 : index
      %get3A_1174 = tpu.vector_load %arg13[%get3A_1172, %get3A_1173] {strides = array<i32>} : memref<512x64xf32, #tpu.memory_space<vmem>>, vector<16xf32>,
      %add3A_1175 = arith.addf %get3A_1168, %get3A_1171 : vector<16xf32>
      %sub3A_1176 = arith.subf %add3A_1175, %get3A_1174 : vector<16xf32>
      %abs3A_1177 = math.absf %sub3A_1176 : vector<16xf32>
      %add3A_1178 = arith.addf %add3A_1165, %abs3A_1177 : vector<16xf32>
      %reduce_sum3A_1179 = arith.constant true
      %reduce_sum3A_1180 = vector.broadcast %reduce_sum3A_1179 : i1 to vector<16xi1>
      %reduce_sum3A_1181 = tpu.scan <sum>, %add3A_1178 masked %reduce_sum3A_1180 : vector<16xf32>, vector<16xi1> -> vector<16xf32>
      %reduce_sum3A_1182 = vector.extract %reduce_sum3A_1181[15] : f32 from vector<16xf32>
      %eq3A_1183 = arith.constant 15 : i32
      %eq3A_1184 = vector.broadcast %eq3A_1183 : i32 to vector<16xi32>
      %eq3A_1185 = arith.cmpi eq, %iota3A, %eq3A_1184 : vector<16xi32>
      %broadcast_in_dim3A_1186 = vector.broadcast %reduce_sum3A_1182 : f32 to vector<16xf32>
      %select_n3A_1187 = arith.select %eq3A_1185, %broadcast_in_dim3A_1186, %select_n3A_1125 : vector<16xi1>, vector<16xf32>
      %sub3A_1188 = arith.constant 0.000000e+00 : f32
      %sub3A_1189 = vector.broadcast %sub3A_1188 : f32 to vector<16xf32>
      %sub3A_1190 = arith.subf %sub3A_1189, %select_n3A_1187 : vector<16xf32>
      %swap3A = arith.index_cast %mul3A_200 : i32 to index
      %swap3A_1191 = tpu.vector_load %arg14[%swap3A] {strides = array<i32>} : memref<512xf32, #tpu.memory_space<vmem>>, vector<16xf32>,
      tpu.vector_store %arg14[%swap3A], %sub3A_1190 {strides = array<i32>} : memref<512xf32, #tpu.memory_space<vmem>>, vector<16xf32>,
    }
    %scan3A_197 = arith.constant 32 : i32
    "tpu.region"() ({
      %run_scoped3A = tpu.sem_alloc : memref<!tpu.dma_semaphore, #tpu.memory_space<semaphore_mem>>
      %dma_start3A_198 = tpu.memref_slice %arg7[%mul3A_2] : memref<16384xf32, #tpu.memory_space<hbm>> -> memref<512xf32, #tpu.memory_space<hbm>>
      %dma_start3A_199 = tpu.memref_slice %arg7[%mul3A_2] : memref<16384xf32, #tpu.memory_space<hbm>> -> memref<512xf32, #tpu.memory_space<hbm>>
      tpu.enqueue_dma source(%arg14 : memref<512xf32, #tpu.memory_space<vmem>>) target(%dma_start3A_199 : memref<512xf32, #tpu.memory_space<hbm>>) target_semaphore(%run_scoped3A : memref<!tpu.dma_semaphore, #tpu.memory_space<semaphore_mem>>)
      %dma_wait3A_200 = tpu.memref_slice %arg7[%mul3A_2] : memref<16384xf32, #tpu.memory_space<hbm>> -> memref<512xf32, #tpu.memory_space<hbm>>
      %dma_wait3A_201 = tpu.memref_slice %arg7[%mul3A_2] : memref<16384xf32, #tpu.memory_space<hbm>> -> memref<512xf32, #tpu.memory_space<hbm>>
      tpu.wait_dma2 semaphore(%run_scoped3A : memref<!tpu.dma_semaphore, #tpu.memory_space<semaphore_mem>>) src(%arg14 : memref<512xf32, #tpu.memory_space<vmem>>) dst(%dma_wait3A_201 : memref<512xf32, #tpu.memory_space<hbm>>)
      tpu.yield
    }) : () -> ()
    return
  }
}

</mosaic_0001>

<sc_bundles>
// kernel: _transe_sc.3.cloned.1.call-start
scs
__scs_entry_jumppad:
0x0: {  	(pc) =	sbr.rel $0x88, $3  }
0x1: {  	(tag) =	ssettag $0x0;
	lr =	simm.s32 $0x1  }
0x2: {  	[smem:$0x3F9C] =	sst lr;
	_ =	strace $0xD0000000  }
0x3: {  	_ = 	snop  }
0x4: {  	_ = 	snop  }
0x5: {  	_ = 	snop  }
0x6: {  	_ = 	snop  }
0x7: {  	_ = 	snop  }
__scs_overlays_trampoline_lowered:
0x8: {  	[smem:$0x3FAB] =	sst s0  }
0x9: {  	[smem:$0x3FAC] =	sst s1  }
0xa: {  	[smem:$0x3FAD] =	sst s2  }
0xb: {  	[smem:$0x3FAE] =	sst s3  }
0xc: {  	[smem:$0x3FAF] =	sst s4  }
0xd: {  	[smem:$0x3FB0] =	sst s5  }
0xe: {  	[smem:$0x3FB1] =	sst s6  }
0xf: {  	[smem:$0x3FB2] =	sst s7  }
0x10: {  	[smem:$0x3FB3] =	sst s8  }
0x11: {  	[smem:$0x3FB4] =	sst s9;
	s0 =	simm.s32 @!p0 $0x0  }
0x12: {  	s1 =	sld [smem:$0x3F9A];
	s0 =	simm.s32 @p0 $0x1  }
0x13: {  	[smem:$0x3FB5] =	sst s0;
	s0 =	simm.s32 @!p1 $0x0  }
0x14: {  	s2 =	sld [smem:$0x3F99];
	s0 =	simm.s32 @p1 $0x1  }
0x15: {  	[smem:$0x3FB6] =	sst s0;
	s0 =	simm.s32 @!p2 $0x0  }
0x16: {  	s3 =	sld [smem:$0x3FDB];
	s0 =	simm.s32 @p2 $0x1  }
0x17: {  	s4 =	simm.s32 $0x1BF5;
	[smem:$0x3FB8] =	sst s0  }
0x18: {  	s0 =	sld [smem:$0x3F9B];
	_ =	swait.ge [sflag:s4], $0x0  }
0x19: {  	s7 =	sld [smem:$0x3F9C]  }
0x1a: {  	s8 =	sadd.s32 $0xFFFFE003, lr  }
0x1b: {  	s9 =	sadd.s32 $0xFFFFFEF7, lr;
	s5 =	simm.s32 $0xFFFFFFFF;
	p2 =	slt.u32 s8, $0xFFFFF086  }
0x1c: {  	p1 =	slt.u32 s9, $0xF7A;
	s5 =	simm.s32 @!p2 $0x0  }
0x1d: {  	s5 =	simm.s32 @p1 $0x1;
	p0 =	seq.s32 s7, s2  }
0x1e: {  	s7 =	smul.u32 @!p0 $0xF7A, s2;
	p2 =	seq.s32 @!p0 s5, $0x0  }
0x1f: {  	s9 =	smul.u32 $0xF7A, s1;
	s8 =	simm.s32 @!p0 $0x1BF5;
	p2 =	por !p2, p0  }
0x20: {  	[sflag:s8] =	ssyncset.s32 @!p0 $0xFFFFF086;
	s6 =	sadd.s32 @!p0 s3, s7;
	s7 =	simm.s32 @!p0 $0x108  }
0x21: {  	s3 =	sadd.s32 s3, s9;
	s6 =	sadd.s32 @!p0 $0x88, s6;
	s7 =	simm.s32 @p2 $0x1082  }
0x22: {  	[simem:s7], [sflag:s8] =	dma.local @!p0 [hbm:s6], $0xF7A  }
0x23: {  	s9 =	sor.u32 $0xD0000000, s2;
	s6 =	simm.s32 $0x108;
	_ =	swait.ge @!p0 [sflag:s8], $0x0  }
0x24: {  	s3 =	sadd.s32 $0x88, s3;
	s6 =	simm.s32 @!p1 $0x1082;
	[sflag:s4] =	ssyncset.s32 $0xFFFFF086  }
0x25: {  	[simem:s6], [sflag:s4] =	dma.local [hbm:s3], $0xF7A  }
0x26: {  	[smem:$0x3F9C] =	sst s1;
	(tag) =	ssettag s2;
	_ =	strace s9  }
0x27: {  	s1 =	sld [smem:$0x3FAC]  }
0x28: {  	s2 =	sld [smem:$0x3FAD]  }
0x29: {  	s4 =	sld [smem:$0x3FAF]  }
0x2a: {  	p0 =	seq.s32 s5, $0x0;
	s5 =	sld [smem:$0x3FB0]  }
0x2b: {  	s6 =	sld [smem:$0x3FB1]  }
0x2c: {  	s7 =	sld [smem:$0x3FB2]  }
0x2d: {  	s3 =	simm.s32 $0x108;
	s8 =	sld [smem:$0x3FB3]  }
0x2e: {  	s3 =	simm.s32 @!p0 $0x1082;
	s9 =	sld [smem:$0x3FB4]  }
0x2f: {  	lr =	sadd.s32 s0, s3;
	s0 =	sld [smem:$0x3FAB]  }
0x30: {  	s3 =	sld [smem:$0x3FAE]  }
0x31: {  	[smem:$0x3FB7] =	sst s10  }
0x32: {  	s10 =	sld [smem:$0x3FB5];
	_ =	sdelay $0x3  }
0x33: {  	p0 =	seq.s32 s10, $0x1;
	s10 =	sld [smem:$0x3FB7];
	_ =	sdelay $0x3  }
0x34: {  	[smem:$0x3FB7] =	sst s10  }
0x35: {  	s10 =	sld [smem:$0x3FB6];
	_ =	sdelay $0x3  }
0x36: {  	p1 =	seq.s32 s10, $0x1;
	s10 =	sld [smem:$0x3FB7];
	_ =	sdelay $0x3  }
0x37: {  	[smem:$0x3FB7] =	sst s10  }
0x38: {  	s10 =	sld [smem:$0x3FB8]  }
0x39: {  	_ = 	snop;
	(pc) =	sbr.ind lr, $3  }
0x3a: {  	_ = 	snop  }
0x3b: {  	_ = 	snop  }
0x3c: {  	p2 =	seq.s32 s10, $0x1;
	s10 =	sld [smem:$0x3FB7]  }
0x3d: {  	_ =	shalt  }
0x3e: {  	_ =	shalt  }
0x3f: {  	_ =	shalt  }
0x40: {  	_ =	shalt  }
0x41: {  	_ =	shalt  }
0x42: {  	_ =	shalt  }
0x43: {  	_ =	shalt  }
0x44: {  	_ =	shalt  }
0x45: {  	_ =	shalt  }
0x46: {  	_ =	shalt  }
0x47: {  	_ =	shalt  }
0x48: {  	_ =	shalt  }
0x49: {  	_ =	shalt  }
0x4a: {  	_ =	shalt  }
0x4b: {  	_ =	shalt  }
0x4c: {  	_ =	shalt  }
0x4d: {  	_ =	shalt  }
0x4e: {  	_ =	shalt  }
0x4f: {  	_ =	shalt  }
0x50: {  	_ =	shalt  }
0x51: {  	_ =	shalt  }
0x52: {  	_ =	shalt  }
0x53: {  	_ =	shalt  }
0x54: {  	_ =	shalt  }
0x55: {  	_ =	shalt  }
0x56: {  	_ =	shalt  }
0x57: {  	_ =	shalt  }
0x58: {  	_ =	shalt  }
0x59: {  	_ =	shalt  }
0x5a: {  	_ =	shalt  }
0x5b: {  	_ =	shalt  }
0x5c: {  	_ =	shalt  }
0x5d: {  	_ =	shalt  }
0x5e: {  	_ =	shalt  }
0x5f: {  	_ =	shalt  }
0x60: {  	_ =	shalt  }
0x61: {  	_ =	shalt  }
0x62: {  	_ =	shalt  }
0x63: {  	_ =	shalt  }
0x64: {  	_ =	shalt  }
0x65: {  	_ =	shalt  }
0x66: {  	_ =	shalt  }
0x67: {  	_ =	shalt  }
0x68: {  	_ =	shalt  }
0x69: {  	_ =	shalt  }
0x6a: {  	_ =	shalt  }
0x6b: {  	_ =	shalt  }
0x6c: {  	_ =	shalt  }
0x6d: {  	_ =	shalt  }
0x6e: {  	_ =	shalt  }
0x6f: {  	_ =	shalt  }
0x70: {  	_ =	shalt  }
0x71: {  	_ =	shalt  }
0x72: {  	_ =	shalt  }
0x73: {  	_ =	shalt  }
0x74: {  	_ =	shalt  }
0x75: {  	_ =	shalt  }
0x76: {  	_ =	shalt  }
0x77: {  	_ =	shalt  }
0x78: {  	_ =	shalt  }
0x79: {  	_ =	shalt  }
0x7a: {  	_ =	shalt  }
0x7b: {  	_ =	shalt  }
0x7c: {  	_ =	shalt  }
0x7d: {  	_ =	shalt  }
0x7e: {  	_ =	shalt  }
0x7f: {  	_ =	shalt  }
0x80: {  	_ =	shalt  }
0x81: {  	_ =	shalt  }
0x82: {  	_ =	shalt  }
0x83: {  	_ =	shalt  }
0x84: {  	_ =	shalt  }
0x85: {  	_ =	shalt  }
0x86: {  	_ =	shalt  }
0x87: {  	_ =	shalt  }
.Lfunc_end0:
.L_simem_size_0:
called_computation_lowered:
.L_overlay_start_0:
0x88: {  	s2 =	sld [smem:$0x3FD9]  }
0x89: {  	s3 =	sld [smem:$0x3FFE];
	_ =	sdelay $0x1  }
0x8a: {  	s1 =	srdreg.scid  }
0x8b: {  	s0 =	sand.u32 $0x1, s1  }
0x8c: {  	s17 =	sshll.u32 s0, $0xA;
	s2 =	sadd.s32 s3, s2  }
0x8d: {  	s2 =	sadd.s32 s2, s17  }
0x8e: {  	[smem:$0x3FC3] =	sst s2  }
0x8f: {  	_ = 	snop  }
0x90: {  	s2 =	sld [smem:$0x3FC9]  }
0x91: {  	s18 =	sld [smem:$0x3FC8]  }
0x92: {  	s4 =	sld [smem:$0x3FC7]  }
0x93: {  	s5 =	sld [smem:$0x3FD0];
	(tm) =	ssettm $0x1  }
0x94: {  	s6 =	sld [smem:$0x3FFB];
	_ =	sdelay $0x3  }
0x95: {  	_ =	strace s6  }
0x96: {  	s6 =	sld [smem:$0x3FFC];
	_ =	sdelay $0x3  }
0x97: {  	_ =	strace s6  }
0x98: {  	s6 =	sld [smem:$0x3FFD];
	_ =	sdelay $0x3  }
0x99: {  	_ =	strace s6  }
0x9a: {  	_ =	strace $0x8FFFFFFF  }
0x9b: {  	s19 =	sld [smem:$0x3FDB];
	_ =	sdelay $0x1  }
0x9c: {  	s7 =	simm.s32 $_scs_section_size  }
0x9d: {  	s8 =	simm.s32 $_size__tile_overlayer_lowered;
	s9 =	simm.s32 $_tile_overlayer_lowered  }
0x9e: {  	s22 =	simm.s32 $0x1BFF;
	s21 =	sshll.u32 s9, $0x1;
	s6 =	sadd.s32 s7, s19  }
0x9f: {  	s10 =	simm.s32 $0x0;
	s20 =	sshll.u32 s8, $0x1;
	s8 =	sadd.s32 s21, s6  }
0xa0: {  	[timem:s10], [sflag:s22] =	dma.local [hbm:s8], s20  }
0xa1: {  	_ =	swait.ge [sflag:s22], s20  }
0xa2: {  	s7 =	ssub.s32 $0x0, s20;
	[sflag:s22] =	ssyncset.done $0x0  }
0xa3: {  	[sflag:s22] =	ssyncadd.s32 s7;
	_ =	sdelay $0x1  }
0xa4: {  	s23 =	simm.s32 $0x1B8B  }
0xa5: {  	_ =	swait.ge [sflag:s23], $0x1  }
0xa6: {  	[sflag:s23] =	ssyncset.done $0x0  }
0xa7: {  	s25 =	simm.s32 $0x1B8E;
	s24 =	sld [smem:$0x3FFE];
	[sflag:s23] =	ssyncadd.s32 $0xFFFFFFFF  }
0xa8: {  	s26 =	simm.s32 $execute0_lowered;
	[smem:$0x3FD2] =	sst s25  }
0xa9: {  	s8 =	sshll.u32 s26, $0x1;
	_ =	strace $0x80000046;
	[dreg:$0x1] =	wrdreg $0xFFFFFFFF  }
0xaa: {  	s28 =	simm.s32 $_size_execute0_lowered;
	s6 =	sadd.s32 s6, s8;
	[dreg:$0x0] =	wrdreg $0x0  }
0xab: {  	s8 =	sshll.u32 s28, $0x1;
	[dreg:$0x2] =	wrdreg s6  }
0xac: {  	[dreg:$0x3] =	wrdreg s8  }
0xad: {  	[dreg:$0x4] =	wrdreg $0xC0  }
0xae: {  	_ =	task [dreg:s10], $0x5FFFF  }
0xaf: {  	[dreg:$0x1] =	wrdreg $0xFFFFFFFF  }
0xb0: {  	[dreg:$0x0] =	wrdreg $0x60  }
0xb1: {  	[dreg:$0x2] =	wrdreg s2  }
0xb2: {  	[dreg:$0x3] =	wrdreg s18  }
0xb3: {  	[dreg:$0x4] =	wrdreg s4  }
0xb4: {  	[dreg:$0x5] =	wrdreg s24  }
0xb5: {  	[dreg:$0x6] =	wrdreg s5  }
0xb6: {  	[dreg:$0x7] =	wrdreg $0x9  }
0xb7: {  	_ =	task.clear_ibuf [dreg:s10], $0x8FFFF;
	_ =	strace $0x90000046  }
0xb8: {  	s29 =	simm.s32 $0x9;
	_ =	strace $0x80000048  }
0xb9: {  	_ =	swait.ge [sflag:s29], $0x1  }
0xba: {  	[sflag:s29] =	ssyncadd.s32 $0xFFFFFFFF  }
0xbb: {  	_ =	strace $0x90000048  }
0xbc: {  	_ =	sfence  }
0xbd: {  	s30 =	sld [smem:$0x0];
	_ =	sdelay $0x2  }
0xbe: {  	s31 =	sshll.u32 s1, $0xD;
	s1 =	sshrl.u32 s1, $0x2  }
0xbf: {  	s3 =	sand.u32 $0x4000, s31;
	s1 =	sadd.s32 s1, s30  }
0xc0: {  	s0 =	sor.u32 s3, s0;
	s1 =	sshll.u32 s1, $0x11  }
0xc1: {  	s0 =	sor.u32 s1, s0  }
0xc2: {  	s0 =	sadd.s32 $0x8F2B, s0  }
0xc3: {  	[sflag:s0] =	ssyncadd.remote.s32 $0x1  }
0xc4: {  	_ =	sfence.sel $0xFFFF  }
0xc5: {  	[dreg:$0x0] =	wrdreg $0xFFFFFFFF;
	(pc) =	sbr.abs _section_cstart, $3  }
0xc6: {  	[dreg:$0x1] =	wrdreg $0xFFFFFFFF  }
0xc7: {  	_ =	task.clear_ibuf [dreg:s10], $0x2FFFF;
	_ =	strace $0x9FFFFFFF  }
0xc8: {  	(tm) =	ssettm $0x7FFFFFFF  }
0xc9: {  	_ =	shalt  }
tec
execute0_lowered:
.L_overlay_start_1:
0x0: {  	(tag) =	ssettag $0x1  }
0x1: {  	s0 =	rddreg [dreg:$0x0]  }
0x2: {  	s2 =	rddreg [dreg:$0x1]  }
0x3: {  	s7 =	rddreg [dreg:$0x2]  }
0x4: {  	s4 =	rddreg [dreg:$0x3]  }
0x5: {  	s8 =	rddreg [dreg:$0x4]  }
0x6: {  	s1 =	simm.s32 $0x0;
	s5 =	srdreg.scid;
	s9 =	stileid.u32  }
0x7: {  	s11 =	simm.s32 $0x200;
	s12 =	simm.s32 $0x400;
	s13 =	simm.s32 $0x80  }
0x8: {  	s21 =	simm.s32 $0xA600;
	s22 =	simm.s32 $0x100;
	s23 =	simm.s32 $0x4600  }
0x9: {  	s24 =	simm.s32 $0x500;
	s25 =	simm.s32 $0x14600;
	s26 =	simm.s32 $0x300  }
0xa: {  	s28 =	simm.s32 $0xC600;
	s29 =	simm.s32 $0x180;
	s30 =	simm.s32 $0x6600  }
0xb: {  	s31 =	simm.s32 $0x580;
	s14 =	simm.s32 $0xE600;
	s15 =	simm.s32 $0x1  }
0xc: {  	s16 =	simm.s32 $0x18600;
	s17 =	simm.s32 $0x0;
	[smem:$0x7FF] =	sst s1  }
0xd: {  	s3 =	sadd.s32 $0xF42A00, s4;
	s5 =	sand.u32 $0x1, s5;
	s9 =	sshll.u32 s9, $0x7  }
0xe: {  	vm0 =	vmmov $0x1;
	vm1 =	vmmov $0x3;
	vm2 =	vmmov $0x7;
	s4 =	sadd.s32 $0x600, s4;
	s6 =	ssub.s32 $0x2, s5;
	s5 =	sshll.u32 s5, $0x6  }
0xf: {  	vm3 =	vmmov $0xf;
	vm4 =	vmmov $0x1f;
	vm5 =	vmmov $0x3f;
	_ =	strace $0x80000047;
	s10 =	sshrl.u32 s6, $0x1;
	s9 =	sor.u32 s5, s9  }
0x10: {  	vm6 =	vmmov $0x7f;
	vm7 =	vmmov $0xff;
	vm8 =	vmmov $0x1ff;
	s10 =	ssub.s32 s6, s10;
	s5 =	sadd.s32 s0, s9;
	s6 =	sadd.s32 s2, s9  }
0x11: {  	vm9 =	vmmov $0x3ff;
	vm10 =	vmmov $0x7ff;
	vm11 =	vmmov $0xfff;
	s7 =	sadd.s32 s7, s9;
	s8 =	sadd.s32 s8, s9;
	s0 =	simm.s32 $0x16600  }
0x12: {  	vm12 =	vmmov $0x1fff;
	vm13 =	vmmov $0x3fff;
	vm14 =	vmmov $0x7fff;
	s2 =	simm.s32 $0x380;
	s9 =	smax.u32 s10, $0x1;
	s10 =	simm.s32 $0x2  }
.LBB2_1:
0x13: {  	[tilespmem:s1], [sflag:$0x2] =	stream.linear.gather [hbm4b:s5+s1], $0x200, $0x38;
	[tilespmem:$0x18800] =	vst v63  }
0x14: {  	_ =	swait.ge [sflag:s10], $0x200  }
0x15: {  	[sflag:s10] =	ssyncset.done $0x0  }
0x16: {  	[sflag:s10] =	ssyncadd.s32 $0xFFFFFE00  }
0x17: {  	[tilespmem:s11], [sflag:$0x2] =	stream.linear.gather [hbm4b:s6+s1], $0x200, $0x38;
	[tilespmem:$0x18800] =	vst v63  }
0x18: {  	_ =	swait.ge [sflag:s10], $0x200  }
0x19: {  	[sflag:s10] =	ssyncset.done $0x0  }
0x1a: {  	[sflag:s10] =	ssyncadd.s32 $0xFFFFFE00  }
0x1b: {  	[tilespmem:s12], [sflag:$0x2] =	stream.linear.gather [hbm4b:s7+s1], $0x200, $0x38;
	[tilespmem:$0x18800] =	vst v63  }
0x1c: {  	_ =	swait.ge [sflag:s10], $0x200  }
0x1d: {  	[sflag:s10] =	ssyncset.done $0x0  }
0x1e: {  	s18 =	simm.s32 $0x600;
	[sflag:s10] =	ssyncadd.s32 $0xFFFFFE00  }
0x1f: {  	[tilespmem:s18], [sflag:$0x1] =	stream.indirect.gather [hbm4b:s3+s13], $0x40, s1, s13, $0xb8;
	[tilespmem:$0x18800] =	vst v63  }
0x20: {  	s19 =	simm.s32 $0x10600  }
0x21: {  	[tilespmem:s19], [sflag:$0x1] =	stream.indirect.gather [hbm4b:s3+s13], $0x40, s12, s13, $0xb8;
	[tilespmem:$0x18800] =	vst v63  }
0x22: {  	s20 =	simm.s32 $0x8600  }
0x23: {  	[tilespmem:s20], [sflag:$0x1] =	stream.indirect.gather [hbm4b:s4+s13], $0x40, s11, s13, $0xb8;
	[tilespmem:$0x18800] =	vst v63  }
0x24: {  	s19 =	simm.s32 $0x2600  }
0x25: {  	[tilespmem:s19], [sflag:$0x1] =	stream.indirect.gather [hbm4b:s3+s13], $0x40, s13, s13, $0xb8;
	[tilespmem:$0x18800] =	vst v63  }
0x26: {  	s20 =	simm.s32 $0x480;
	s19 =	simm.s32 $0x12600  }
0x27: {  	[tilespmem:s19], [sflag:$0x1] =	stream.indirect.gather [hbm4b:s3+s13], $0x40, s20, s13, $0xb8;
	[tilespmem:$0x18800] =	vst v63  }
0x28: {  	s19 =	simm.s32 $0x280  }
0x29: {  	[tilespmem:s21], [sflag:$0x1] =	stream.indirect.gather [hbm4b:s4+s13], $0x40, s19, s13, $0xb8;
	[tilespmem:$0x18800] =	vst v63  }
0x2a: {  	_ = 	snop  }
0x2b: {  	[tilespmem:s23], [sflag:$0x1] =	stream.indirect.gather [hbm4b:s3+s13], $0x40, s22, s13, $0xb8;
	[tilespmem:$0x18800] =	vst v63  }
0x2c: {  	_ = 	snop  }
0x2d: {  	[tilespmem:s25], [sflag:$0x1] =	stream.indirect.gather [hbm4b:s3+s13], $0x40, s24, s13, $0xb8;
	[tilespmem:$0x18800] =	vst v63  }
0x2e: {  	_ = 	snop  }
0x2f: {  	[tilespmem:s28], [sflag:$0x1] =	stream.indirect.gather [hbm4b:s4+s13], $0x40, s26, s13, $0xb8;
	[tilespmem:$0x18800] =	vst v63  }
0x30: {  	_ = 	snop  }
0x31: {  	[tilespmem:s30], [sflag:$0x1] =	stream.indirect.gather [hbm4b:s3+s13], $0x40, s29, s13, $0xb8;
	[tilespmem:$0x18800] =	vst v63  }
0x32: {  	_ = 	snop  }
0x33: {  	[tilespmem:s0], [sflag:$0x1] =	stream.indirect.gather [hbm4b:s3+s13], $0x40, s31, s13, $0xb8;
	[tilespmem:$0x18800] =	vst v63  }
0x34: {  	_ = 	snop  }
0x35: {  	[tilespmem:s14], [sflag:$0x1] =	stream.indirect.gather [hbm4b:s4+s13], $0x40, s2, s13, $0xb8;
	[tilespmem:$0x18800] =	vst v63  }
0x36: {  	_ =	swait.ge [sflag:s15], $0x2000  }
0x37: {  	[sflag:s15] =	ssyncset.done $0x0  }
0x38: {  	[sflag:s15] =	ssyncadd.s32 $0xFFFFE000  }
0x39: {  	_ =	swait.ge [sflag:s15], $0x2000  }
0x3a: {  	[sflag:s15] =	ssyncset.done $0x0  }
0x3b: {  	[sflag:s15] =	ssyncadd.s32 $0xFFFFE000  }
0x3c: {  	_ =	swait.ge [sflag:s15], $0x2000  }
0x3d: {  	[sflag:s15] =	ssyncset.done $0x0  }
0x3e: {  	[sflag:s15] =	ssyncadd.s32 $0xFFFFE000  }
0x3f: {  	_ =	swait.ge [sflag:s15], $0x2000  }
0x40: {  	[sflag:s15] =	ssyncset.done $0x0  }
0x41: {  	[sflag:s15] =	ssyncadd.s32 $0xFFFFE000  }
0x42: {  	_ =	swait.ge [sflag:s15], $0x2000  }
0x43: {  	[sflag:s15] =	ssyncset.done $0x0  }
0x44: {  	[sflag:s15] =	ssyncadd.s32 $0xFFFFE000  }
0x45: {  	_ =	swait.ge [sflag:s15], $0x2000  }
0x46: {  	[sflag:s15] =	ssyncset.done $0x0  }
0x47: {  	[sflag:s15] =	ssyncadd.s32 $0xFFFFE000  }
0x48: {  	_ =	swait.ge [sflag:s15], $0x2000  }
0x49: {  	[sflag:s15] =	ssyncset.done $0x0  }
0x4a: {  	[sflag:s15] =	ssyncadd.s32 $0xFFFFE000  }
0x4b: {  	_ =	swait.ge [sflag:s15], $0x2000  }
0x4c: {  	[sflag:s15] =	ssyncset.done $0x0  }
0x4d: {  	[sflag:s15] =	ssyncadd.s32 $0xFFFFE000  }
0x4e: {  	_ =	swait.ge [sflag:s15], $0x2000  }
0x4f: {  	[sflag:s15] =	ssyncset.done $0x0  }
0x50: {  	[sflag:s15] =	ssyncadd.s32 $0xFFFFE000  }
0x51: {  	_ =	swait.ge [sflag:s15], $0x2000  }
0x52: {  	[sflag:s15] =	ssyncset.done $0x0  }
0x53: {  	[sflag:s15] =	ssyncadd.s32 $0xFFFFE000  }
0x54: {  	_ =	swait.ge [sflag:s15], $0x2000  }
0x55: {  	[sflag:s15] =	ssyncset.done $0x0  }
0x56: {  	[sflag:s15] =	ssyncadd.s32 $0xFFFFE000  }
0x57: {  	_ =	swait.ge [sflag:s15], $0x2000  }
0x58: {  	[sflag:s15] =	ssyncset.done $0x0  }
0x59: {  	s20 =	simm.s32 $0x0;
	[sflag:s15] =	ssyncadd.s32 $0xFFFFE000  }
0x5a: {  	v39 =	vld [tilespmem:s20+$0x109F0]  }
0x5b: {  	v0 =	vld [tilespmem:s20+$0x9F0]  }
0x5c: {  	v45 =	vld [tilespmem:s20+$0x89F0]  }
0x5d: {  	v46 =	vld [tilespmem:s20+$0x109B0]  }
0x5e: {  	v59 =	vld [tilespmem:s20+$0x109C0]  }
0x5f: {  	v17 =	vld [tilespmem:s20+$0x9E0]  }
0x60: {  	v16 =	vld [tilespmem:s20+$0x89E0]  }
0x61: {  	v48 =	vld [tilespmem:s20+$0x109A0]  }
0x62: {  	v23 =	vld [tilespmem:s20+$0x9B0]  }
0x63: {  	v20 =	vld [tilespmem:s20+$0x89B0]  }
0x64: {  	v31 =	vld [tilespmem:s20+$0x9C0]  }
0x65: {  	v36 =	vld [tilespmem:s20+$0x89C0]  }
0x66: {  	v51 =	vld [tilespmem:s20+$0x9D0]  }
0x67: {  	v56 =	vld [tilespmem:s20+$0x89D0]  }
0x68: {  	v63 =	vld [tilespmem:s20+$0x10930]  }
0x69: {  	v58 =	vld [tilespmem:s20+$0x10960]  }
0x6a: {  	v55 =	vld [tilespmem:s20+$0x970]  }
0x6b: {  	v54 =	vld [tilespmem:s20+$0x8970]  }
0x6c: {  	v12 =	vld [tilespmem:s20+$0x10980]  }
0x6d: {  	v13 =	vld [tilespmem:s20+$0x10990]  }
0x6e: {  	v15 =	vld [tilespmem:s20+$0x9A0]  }
0x6f: {  	v14 =	vld [tilespmem:s20+$0x89A0]  }
0x70: {  	v1 =	vld [tilespmem:s20+$0x108F0]  }
0x71: {  	v22 =	vld [tilespmem:s20+$0x930]  }
0x72: {  	v19 =	vld [tilespmem:s20+$0x8930]  }
0x73: {  	v21 =	vld [tilespmem:s20+$0x960]  }
0x74: {  	v18 =	vld [tilespmem:s20+$0x8960]  }
0x75: {  	v3 =	vld [tilespmem:s20+$0x980]  }
0x76: {  	v29 =	vld [tilespmem:s20+$0x10820]  }
0x77: {  	v2 =	vld [tilespmem:s20+$0x8980]  }
0x78: {  	v27 =	vld [tilespmem:s20+$0x8990]  }
0x79: {  	v4 =	vld [tilespmem:s20+$0x108E0]  }
0x7a: {  	v35 =	vld [tilespmem:s20+$0x8F0]  }
0x7b: {  	[tilespmem:$0x1FB90] =	vst v29;
	v29 =	vld [tilespmem:s20+$0x10840]  }
0x7c: {  	v28 =	vld [tilespmem:s20+$0x88F0]  }
0x7d: {  	v42 =	vld [tilespmem:s20+$0x10900]  }
0x7e: {  	v47 =	vld [tilespmem:s20+$0x10910]  }
0x7f: {  	v26 =	vld [tilespmem:s20+$0x920]  }
0x80: {  	[tilespmem:$0x1FAB0] =	vst v29;
	v29 =	vld [tilespmem:s20+$0x10850]  }
0x81: {  	v24 =	vld [tilespmem:s20+$0x8920]  }
0x82: {  	v33 =	vld [tilespmem:s20+$0x940]  }
0x83: {  	v25 =	vld [tilespmem:s20+$0x8940]  }
0x84: {  	v50 =	vld [tilespmem:s20+$0x108C0]  }
0x85: {  	[tilespmem:$0x1FAE0] =	vst v29;
	v29 =	vld [tilespmem:s20+$0x860]  }
0x86: {  	v49 =	vld [tilespmem:s20+$0x108D0]  }
0x87: {  	v44 =	vld [tilespmem:s20+$0x8E0]  }
0x88: {  	v43 =	vld [tilespmem:s20+$0x88E0]  }
0x89: {  	[tilespmem:$0x1FA00] =	vst v4;
	v4 =	vld [tilespmem:s20+$0x950]  }
0x8a: {  	[tilespmem:$0x1FA90] =	vst v29;
	v29 =	vld [tilespmem:s20+$0x8860]  }
0x8b: {  	v5 =	vld [tilespmem:s20+$0x900]  }
0x8c: {  	v7 =	vld [tilespmem:s20+$0x910]  }
0x8d: {  	v6 =	vld [tilespmem:s20+$0x8910]  }
0x8e: {  	[tilespmem:$0x1FA10] =	vst v4;
	v4 =	vld [tilespmem:s20+$0x8950]  }
0x8f: {  	[tilespmem:$0x1FAA0] =	vst v29;
	v29 =	vld [tilespmem:s20+$0x880]  }
0x90: {  	v8 =	vld [tilespmem:s20+$0x10830]  }
0x91: {  	v61 =	vld [tilespmem:s20+$0x870]  }
0x92: {  	v57 =	vld [tilespmem:s20+$0x8870]  }
0x93: {  	[tilespmem:$0x1FA20] =	vst v4;
	v4 =	vld [tilespmem:s20+$0x10870]  }
0x94: {  	[tilespmem:$0x1FAC0] =	vst v29;
	v29 =	vld [tilespmem:s20+$0x8880]  }
0x95: {  	v60 =	vld [tilespmem:s20+$0x88A0]  }
0x96: {  	v11 =	vld [tilespmem:s20+$0x8C0]  }
0x97: {  	[tilespmem:$0x1FA80] =	vst v8;
	v8 =	vld [tilespmem:s20+$0x10860]  }
0x98: {  	[tilespmem:$0x1FA60] =	vst v4;
	v4 =	vld [tilespmem:s20+$0x108A0]  }
0x99: {  	[tilespmem:$0x1FAD0] =	vst v29;
	v29 =	vld [tilespmem:s20+$0x890]  }
0x9a: {  	v10 =	vld [tilespmem:s20+$0x8D0]  }
0x9b: {  	[tilespmem:$0x1F9D0] =	vst v1;
	v1 =	vld [tilespmem:s20+$0x10920]  }
0x9c: {  	[tilespmem:$0x1FAF0] =	vst v8;
	v8 =	vld [tilespmem:s20+$0x10880]  }
0x9d: {  	[tilespmem:$0x1FA70] =	vst v4;
	v4 =	vld [tilespmem:s20+$0x8B0]  }
0x9e: {  	[tilespmem:$0x1FB10] =	vst v29;
	v29 =	vld [tilespmem:s20+$0x8890]  }
0x9f: {  	v9 =	vld [tilespmem:s20+$0x88D0]  }
0xa0: {  	[tilespmem:$0x1F9E0] =	vst v1;
	v1 =	vld [tilespmem:s20+$0x10940]  }
0xa1: {  	[tilespmem:$0x1FB00] =	vst v8;
	v8 =	vld [tilespmem:s20+$0x8A0]  }
0xa2: {  	[tilespmem:$0x1FA30] =	vst v4;
	v4 =	vld [tilespmem:s20+$0x88B0]  }
0xa3: {  	[tilespmem:$0x1FB20] =	vst v29;
	v29 =	vld [tilespmem:s20+$0x107B0]  }
0xa4: {  	v53 =	vld [tilespmem:s20+$0x830]  }
0xa5: {  	v52 =	vld [tilespmem:s20+$0x8830];
	[tilespmem:$0x1F9F0] =	vst v1  }
0xa6: {  	v1 =	vld [tilespmem:s20+$0x990];
	[tilespmem:$0x1FA50] =	vst v8  }
0xa7: {  	v8 =	vld [tilespmem:s20+$0x88C0];
	[tilespmem:$0x1FA40] =	vst v4  }
0xa8: {  	v4 =	vld [tilespmem:s20+$0x8900];
	[tilespmem:$0x1FC00] =	vst v29  }
0xa9: {  	v29 =	vld [tilespmem:s20+$0x107E0]  }
0xaa: {  	v32 =	vld [tilespmem:s20+$0x840]  }
0xab: {  	v34 =	vld [tilespmem:s20+$0x850]  }
0xac: {  	v0 =	vadd.f32 v45, v0;
	v2 =	vadd.f32 v2, v3;
	v30 =	vld [tilespmem:s20+$0x8850]  }
0xad: {  	v1 =	vadd.f32 v27, v1;
	v37 =	vld [tilespmem:s20+$0x10770]  }
0xae: {  	v0 =	vsub.f32 v0, v39;
	v12 =	vsub.f32 v2, v12;
	v62 =	vld [tilespmem:s20+$0x107A0]  }
0xaf: {  	v1 =	vsub.f32 v1, v13;
	v13 =	vadd.f32 v14, v15;
	v40 =	vld [tilespmem:s20+$0x7B0]  }
0xb0: {  	v12 =	vand.u32 $0x7FFFFFFF, v12;
	v41 =	vld [tilespmem:s20+$0x87B0]  }
0xb1: {  	v1 =	vand.u32 $0x7FFFFFFF, v1;
	v13 =	vsub.f32 v13, v48;
	[tilespmem:$0x1FCD0] =	vst v0;
	v0 =	vadd.f32 v20, v23;
	v38 =	vld [tilespmem:s20+$0x8810]  }
0xb2: {  	v1 =	vadd.f32 v1, v12;
	v45 =	vld [tilespmem:s20+$0x87C0]  }
0xb3: {  	v13 =	vand.u32 $0x7FFFFFFF, v13;
	v27 =	vld [tilespmem:s20+$0x7D0];
	v0 =	vsub.f32 v0, v46  }
0xb4: {  	v16 =	vadd.f32 v16, v17;
	v13 =	vadd.f32 v13, v1;
	v3 =	vld [tilespmem:s20+$0x87D0]  }
0xb5: {  	v2 =	vld [tilespmem:s20+$0x106F0];
	v0 =	vand.u32 $0x7FFFFFFF, v0  }
0xb6: {  	[tilespmem:$0x1FCB0] =	vst v16;
	v17 =	vld [tilespmem:s20+$0x10720];
	v16 =	vadd.f32 v0, v13;
	v0 =	vadd.f32 v4, v5  }
0xb7: {  	[tilespmem:$0x1FC10] =	vst v29;
	v29 =	vld [tilespmem:s20+$0x7F0]  }
0xb8: {  	v5 =	vadd.f32 v6, v7;
	v7 =	vsub.f32 v0, v42;
	v0 =	vld [tilespmem:$0x1F9D0]  }
0xb9: {  	v14 =	vadd.f32 v36, v31;
	v31 =	vld [tilespmem:s20+$0x730]  }
0xba: {  	v36 =	vld [tilespmem:s20+$0x8730]  }
0xbb: {  	v39 =	vld [tilespmem:s20+$0x10740];
	v4 =	vadd.f32 v28, v35  }
0xbc: {  	v12 =	vsub.f32 v14, v59;
	[tilespmem:$0x1FB70] =	vst v29;
	v29 =	vld [tilespmem:s20+$0x87F0]  }
0xbd: {  	v14 =	vadd.f32 v18, v21;
	v18 =	vsub.f32 v4, v0;
	v0 =	vld [tilespmem:$0x1F9E0]  }
0xbe: {  	v4 =	vld [tilespmem:$0x1F9F0]  }
0xbf: {  	v21 =	vld [tilespmem:s20+$0x760]  }
0xc0: {  	v48 =	vld [tilespmem:s20+$0x8760];
	v6 =	vadd.f32 v24, v26;
	v5 =	vsub.f32 v5, v47  }
0xc1: {  	v9 =	vadd.f32 v9, v10;
	v13 =	vadd.f32 v25, v33;
	[tilespmem:$0x1FB80] =	vst v29;
	v29 =	vld [tilespmem:s20+$0x10800]  }
0xc2: {  	v20 =	vld [tilespmem:s20+$0x780];
	v7 =	vand.u32 $0x7FFFFFFF, v7;
	v5 =	vand.u32 $0x7FFFFFFF, v5;
	v15 =	vsub.f32 v6, v0  }
0xc3: {  	v6 =	vsub.f32 v13, v4;
	v13 =	vadd.f32 v5, v7;
	v7 =	vld [tilespmem:$0x1FA00]  }
0xc4: {  	v8 =	vadd.f32 v8, v11;
	v10 =	vld [tilespmem:s20+$0x6F0]  }
0xc5: {  	v9 =	vsub.f32 v9, v49;
	[tilespmem:$0x1FCC0] =	vst v12;
	v12 =	vadd.f32 v19, v22;
	v19 =	vld [tilespmem:$0x1FA20]  }
0xc6: {  	v11 =	vadd.f32 v43, v44;
	v8 =	vsub.f32 v8, v50;
	[tilespmem:$0x1FB30] =	vst v29;
	v29 =	vld [tilespmem:s20+$0x10810]  }
0xc7: {  	v9 =	vand.u32 $0x7FFFFFFF, v9;
	v43 =	vld [tilespmem:s20+$0x8740];
	v15 =	vand.u32 $0x7FFFFFFF, v15  }
0xc8: {  	v44 =	vld [tilespmem:s20+$0x750];
	v13 =	vadd.f32 v15, v13;
	v15 =	vand.u32 $0x7FFFFFFF, v8;
	v11 =	vsub.f32 v11, v7  }
0xc9: {  	v49 =	vld [tilespmem:s20+$0x10630];
	v9 =	vadd.f32 v9, v15  }
0xca: {  	v22 =	vld [tilespmem:$0x1FAA0];
	v11 =	vand.u32 $0x7FFFFFFF, v11  }
0xcb: {  	v11 =	vadd.f32 v11, v9;
	[tilespmem:$0x1FB40] =	vst v29;
	v29 =	vld [tilespmem:s20+$0x820]  }
0xcc: {  	v23 =	vld [tilespmem:$0x1FAD0];
	v18 =	vand.u32 $0x7FFFFFFF, v18  }
0xcd: {  	v12 =	vsub.f32 v12, v63;
	v18 =	vadd.f32 v18, v11;
	v11 =	vld [tilespmem:$0x1FA80]  }
0xce: {  	v1 =	vadd.f32 v54, v55;
	v55 =	vld [tilespmem:s20+$0x8700]  }
0xcf: {  	v46 =	vadd.f32 v56, v51;
	v56 =	vld [tilespmem:s20+$0x10750];
	v12 =	vand.u32 $0x7FFFFFFF, v12  }
0xd0: {  	v15 =	vadd.f32 v12, v13;
	v13 =	vadd.f32 v52, v53;
	[tilespmem:$0x1FB50] =	vst v29;
	v29 =	vld [tilespmem:s20+$0x8820]  }
0xd1: {  	v51 =	vld [tilespmem:s20+$0x106C0]  }
0xd2: {  	v50 =	vsub.f32 v13, v11;
	v13 =	vld [tilespmem:$0x1FA90]  }
0xd3: {  	v7 =	vld [tilespmem:$0x1FA10]  }
0xd4: {  	v28 =	vld [tilespmem:s20+$0x8780]  }
0xd5: {  	[tilespmem:$0x1FB60] =	vst v29;
	v29 =	vld [tilespmem:s20+$0x8840]  }
0xd6: {  	v8 =	vld [tilespmem:$0x1FA30]  }
0xd7: {  	v13 =	vadd.f32 v22, v13;
	v22 =	vld [tilespmem:$0x1FAB0]  }
0xd8: {  	v7 =	vadd.f32 v19, v7;
	v19 =	vld [tilespmem:$0x1FA40]  }
0xd9: {  	[tilespmem:$0x1FC60] =	vst v62;
	v62 =	vld [tilespmem:s20+$0x107C0]  }
0xda: {  	v9 =	vld [tilespmem:$0x1FA60];
	v11 =	vadd.f32 v29, v32  }
0xdb: {  	v24 =	vld [tilespmem:s20+$0x790]  }
0xdc: {  	v22 =	vsub.f32 v11, v22;
	v11 =	vld [tilespmem:$0x1FAC0]  }
0xdd: {  	v12 =	vld [tilespmem:$0x1FA50];
	v8 =	vadd.f32 v19, v8;
	v19 =	vadd.f32 v57, v61  }
0xde: {  	[tilespmem:$0x1FC70] =	vst v62;
	v62 =	vld [tilespmem:s20+$0x10760]  }
0xdf: {  	v19 =	vsub.f32 v19, v9;
	v9 =	vld [tilespmem:$0x1FA70]  }
0xe0: {  	v25 =	vld [tilespmem:s20+$0x8790]  }
0xe1: {  	v11 =	vadd.f32 v23, v11;
	v23 =	vld [tilespmem:$0x1FAE0]  }
0xe2: {  	v26 =	vld [tilespmem:s20+$0x86F0];
	v12 =	vadd.f32 v60, v12  }
0xe3: {  	[tilespmem:$0x1FCA0] =	vst v62;
	v62 =	vld [tilespmem:s20+$0x770]  }
0xe4: {  	v33 =	vld [tilespmem:s20+$0x720];
	v9 =	vsub.f32 v12, v9;
	v12 =	vadd.f32 v30, v34  }
0xe5: {  	[tilespmem:$0x1FBA0] =	vst v40;
	v40 =	vld [tilespmem:s20+$0x7E0]  }
0xe6: {  	v12 =	vsub.f32 v12, v23;
	v23 =	vld [tilespmem:$0x1FAF0]  }
0xe7: {  	[tilespmem:$0x1FBB0] =	vst v41;
	v41 =	vld [tilespmem:s20+$0x87E0]  }
0xe8: {  	[tilespmem:$0x1FBE0] =	vst v62;
	v62 =	vld [tilespmem:s20+$0x8770]  }
0xe9: {  	[tilespmem:$0x1FC20] =	vst v37;
	v37 =	vld [tilespmem:s20+$0x8800]  }
0xea: {  	v14 =	vsub.f32 v14, v58;
	v58 =	vand.u32 $0x7FFFFFFF, v12;
	v12 =	vld [tilespmem:$0x1FB10]  }
0xeb: {  	v57 =	vsub.f32 v13, v23;
	v23 =	vld [tilespmem:$0x1FB20]  }
0xec: {  	[tilespmem:$0x1FBD0] =	vst v41;
	v41 =	vld [tilespmem:s20+$0x800]  }
0xed: {  	[tilespmem:$0x1FBF0] =	vst v62;
	v62 =	vld [tilespmem:s20+$0x10780]  }
0xee: {  	v13 =	vld [tilespmem:$0x1FB00]  }
0xef: {  	v35 =	vld [tilespmem:s20+$0x8720]  }
0xf0: {  	v12 =	vadd.f32 v23, v12;
	v23 =	vld [tilespmem:$0x1FB30]  }
0xf1: {  	v31 =	vadd.f32 v36, v31;
	v36 =	vld [tilespmem:s20+$0x10600]  }
0xf2: {  	[tilespmem:$0x1FBC0] =	vst v40;
	v40 =	vld [tilespmem:s20+$0x810]  }
0xf3: {  	[tilespmem:$0x1FC80] =	vst v62;
	v62 =	vld [tilespmem:s20+$0x10790];
	v11 =	vsub.f32 v11, v13;
	v13 =	vadd.f32 v37, v41  }
0xf4: {  	v42 =	vld [tilespmem:s20+$0x740]  }
0xf5: {  	v59 =	vsub.f32 v13, v23;
	v13 =	vld [tilespmem:$0x1FB40]  }
0xf6: {  	v47 =	vld [tilespmem:s20+$0x8750]  }
0xf7: {  	v28 =	vadd.f32 v28, v20;
	v20 =	vld [tilespmem:$0x1FC60]  }
0xf8: {  	v38 =	vadd.f32 v38, v40;
	[tilespmem:$0x1FC90] =	vst v62;
	v62 =	vld [tilespmem:s20+$0x7A0]  }
0xf9: {  	v23 =	vld [tilespmem:$0x1FB60]  }
0xfa: {  	v38 =	vsub.f32 v38, v13;
	v13 =	vld [tilespmem:$0x1FB50]  }
0xfb: {  	v10 =	vadd.f32 v26, v10;
	v26 =	vadd.f32 v35, v33;
	v33 =	vld [tilespmem:s20+$0x8620]  }
0xfc: {  	v35 =	vld [tilespmem:s20+$0x600]  }
0xfd: {  	v63 =	vld [tilespmem:$0x1FBD0]  }
0xfe: {  	[tilespmem:$0x1FC30] =	vst v62;
	v62 =	vld [tilespmem:s20+$0x87A0]  }
0xff: {  	v22 =	vand.u32 $0x7FFFFFFF, v22;
	v60 =	vadd.f32 v23, v13;
	v13 =	vld [tilespmem:$0x1FB70]  }
0x100: {  	v22 =	vadd.f32 v58, v22;
	v23 =	vld [tilespmem:$0x1FB80]  }
0x101: {  	v42 =	vadd.f32 v43, v42;
	v43 =	vld [tilespmem:s20+$0x86A0];
	v34 =	vand.u32 $0x7FFFFFFF, v57  }
0x102: {  	v44 =	vadd.f32 v47, v44;
	v47 =	vld [tilespmem:s20+$0x6C0];
	v22 =	vadd.f32 v34, v22  }
0x103: {  	v19 =	vand.u32 $0x7FFFFFFF, v19;
	[tilespmem:$0x1FC40] =	vst v62;
	v62 =	vld [tilespmem:s20+$0x7C0]  }
0x104: {  	v22 =	vadd.f32 v19, v22;
	v19 =	vld [tilespmem:$0x1FBA0]  }
0x105: {  	v13 =	vadd.f32 v23, v13;
	v23 =	vld [tilespmem:$0x1FBB0]  }
0x106: {  	v2 =	vsub.f32 v10, v2;
	v10 =	vsub.f32 v26, v17;
	v26 =	vld [tilespmem:s20+$0x8660]  }
0x107: {  	v3 =	vadd.f32 v3, v27;
	v27 =	vsub.f32 v42, v39;
	v39 =	vld [tilespmem:s20+$0x86C0]  }
0x108: {  	v42 =	vsub.f32 v44, v56;
	v56 =	vld [tilespmem:s20+$0x6D0]  }
0x109: {  	[tilespmem:$0x1FC50] =	vst v62;
	v62 =	vld [tilespmem:$0x1FB90]  }
0x10a: {  	v19 =	vadd.f32 v23, v19;
	v23 =	vld [tilespmem:$0x1FBC0]  }
0x10b: {  	v40 =	vld [tilespmem:s20+$0x86E0]  }
0x10c: {  	v0 =	vld [tilespmem:s20+$0x106B0]  }
0x10d: {  	v4 =	vld [tilespmem:s20+$0x106E0]  }
0x10e: {  	v54 =	vsub.f32 v60, v62;
	v60 =	vld [tilespmem:$0x1FBF0]  }
0x10f: {  	v58 =	vadd.f32 v63, v23;
	v23 =	vld [tilespmem:$0x1FBE0]  }
0x110: {  	v5 =	vld [tilespmem:s20+$0x10700]  }
0x111: {  	v21 =	vadd.f32 v48, v21;
	v27 =	vand.u32 $0x7FFFFFFF, v27;
	v42 =	vand.u32 $0x7FFFFFFF, v42;
	v48 =	vld [tilespmem:$0x1FCA0]  }
0x112: {  	v27 =	vadd.f32 v42, v27;
	v42 =	vld [tilespmem:s20+$0x10610]  }
0x113: {  	v63 =	vld [tilespmem:$0x1FC40]  }
0x114: {  	v61 =	vand.u32 $0x7FFFFFFF, v59;
	v38 =	vand.u32 $0x7FFFFFFF, v38;
	v59 =	vadd.f32 v60, v23;
	v23 =	vld [tilespmem:$0x1FC30]  }
0x115: {  	v30 =	vld [tilespmem:s20+$0x6B0];
	v34 =	vadd.f32 v38, v61  }
0x116: {  	v32 =	vld [tilespmem:s20+$0x86B0];
	v54 =	vand.u32 $0x7FFFFFFF, v54  }
0x117: {  	v53 =	vld [tilespmem:s20+$0x700];
	v34 =	vadd.f32 v54, v34  }
0x118: {  	v52 =	vld [tilespmem:s20+$0x710];
	v21 =	vsub.f32 v21, v48;
	v50 =	vand.u32 $0x7FFFFFFF, v50  }
0x119: {  	v34 =	vadd.f32 v50, v34;
	v50 =	vadd.f32 v63, v23;
	v23 =	vld [tilespmem:$0x1FC50]  }
0x11a: {  	v48 =	vld [tilespmem:s20+$0x620];
	v21 =	vand.u32 $0x7FFFFFFF, v21  }
0x11b: {  	v21 =	vadd.f32 v21, v27;
	v29 =	vld [tilespmem:s20+$0x106A0];
	v27 =	vadd.f32 v32, v30  }
0x11c: {  	v32 =	vld [tilespmem:s20+$0x8680]  }
0x11d: {  	v0 =	vsub.f32 v27, v0;
	v27 =	vld [tilespmem:s20+$0x8600]  }
0x11e: {  	v45 =	vadd.f32 v45, v23;
	v23 =	vld [tilespmem:$0x1FC80]  }
0x11f: {  	v61 =	vld [tilespmem:$0x1FC00]  }
0x120: {  	v57 =	vld [tilespmem:s20+$0x10620]  }
0x121: {  	v37 =	vld [tilespmem:s20+$0x106D0]  }
0x122: {  	v62 =	vld [tilespmem:$0x1FC20]  }
0x123: {  	v28 =	vsub.f32 v28, v23;
	v23 =	vld [tilespmem:$0x1FC90]  }
0x124: {  	v54 =	vsub.f32 v19, v61;
	v19 =	vld [tilespmem:$0x1FC10]  }
0x125: {  	v41 =	vld [tilespmem:s20+$0x6E0]  }
0x126: {  	v24 =	vadd.f32 v25, v24;
	v38 =	vld [tilespmem:s20+$0x8710]  }
0x127: {  	v61 =	vld [tilespmem:s20+$0x8630]  }
0x128: {  	v60 =	vld [tilespmem:s20+$0x630];
	v24 =	vsub.f32 v24, v23  }
0x129: {  	v19 =	vsub.f32 v58, v19;
	v58 =	vsub.f32 v59, v62;
	v59 =	vld [tilespmem:s20+$0x670]  }
0x12a: {  	v62 =	vld [tilespmem:s20+$0x8670];
	v28 =	vand.u32 $0x7FFFFFFF, v28;
	v24 =	vand.u32 $0x7FFFFFFF, v24  }
0x12b: {  	v24 =	vadd.f32 v24, v28;
	v28 =	vld [tilespmem:s20+$0x86D0]  }
0x12c: {  	v25 =	vsub.f32 v50, v20;
	v20 =	vld [tilespmem:$0x1FC70]  }
0x12d: {  	v30 =	vadd.f32 v39, v47;
	v27 =	vadd.f32 v27, v35;
	v17 =	vand.u32 $0x7FFFFFFF, v58;
	v58 =	vld [tilespmem:s20+$0x8690]  }
0x12e: {  	v17 =	vadd.f32 v17, v21;
	v21 =	vld [tilespmem:s20+$0x680]  }
0x12f: {  	v30 =	vsub.f32 v30, v51;
	v27 =	vsub.f32 v27, v36;
	v63 =	vld [tilespmem:s20+$0x10680]  }
0x130: {  	v38 =	vadd.f32 v38, v52;
	v50 =	vld [tilespmem:s20+$0x10690];
	v25 =	vand.u32 $0x7FFFFFFF, v25;
	v28 =	vadd.f32 v28, v56  }
0x131: {  	v20 =	vsub.f32 v45, v20;
	v45 =	vld [tilespmem:s20+$0x6A0];
	v24 =	vadd.f32 v25, v24  }
0x132: {  	v25 =	vand.u32 $0x7FFFFFFF, v54;
	v54 =	vadd.f32 v40, v41;
	v40 =	vld [tilespmem:s20+$0x690];
	v28 =	vsub.f32 v28, v37  }
0x133: {  	v30 =	vand.u32 $0x7FFFFFFF, v30;
	v21 =	vadd.f32 v32, v21;
	v24 =	vadd.f32 v25, v24;
	v25 =	vld [tilespmem:s20+$0x660]  }
0x134: {  	v4 =	vsub.f32 v54, v4;
	v56 =	vadd.f32 v55, v53;
	v53 =	vld [tilespmem:s20+$0x8610];
	v28 =	vand.u32 $0x7FFFFFFF, v28  }
0x135: {  	v47 =	vadd.f32 v61, v60;
	v28 =	vadd.f32 v28, v30;
	v30 =	vld [tilespmem:s20+$0x610]  }
0x136: {  	v21 =	vsub.f32 v21, v63;
	v54 =	vadd.f32 v62, v59;
	v59 =	vld [tilespmem:s20+$0x8650];
	v4 =	vand.u32 $0x7FFFFFFF, v4  }
0x137: {  	v51 =	vadd.f32 v43, v45;
	v55 =	vld [tilespmem:s20+$0x8640];
	v4 =	vadd.f32 v4, v28  }
0x138: {  	v2 =	vand.u32 $0x7FFFFFFF, v2;
	v5 =	vsub.f32 v56, v5;
	v56 =	vld [tilespmem:s20+$0x650];
	v58 =	vadd.f32 v58, v40  }
0x139: {  	v28 =	vld [tilespmem:s20+$0x640];
	v2 =	vadd.f32 v2, v4;
	v4 =	vadd.f32 v33, v48  }
0x13a: {  	v27 =	vand.u32 $0x7FFFFFFF, v27;
	v60 =	vld [tilespmem:s20+$0x10640];
	v33 =	vsub.f32 v58, v50;
	v30 =	vadd.f32 v53, v30  }
0x13b: {  	v61 =	vld [tilespmem:s20+$0x10650];
	v39 =	vsub.f32 v47, v49;
	v21 =	vand.u32 $0x7FFFFFFF, v21;
	v29 =	vsub.f32 v51, v29  }
0x13c: {  	v62 =	vld [tilespmem:s20+$0x10660];
	v25 =	vadd.f32 v26, v25;
	v33 =	vand.u32 $0x7FFFFFFF, v33;
	v30 =	vsub.f32 v30, v42  }
0x13d: {  	v29 =	vand.u32 $0x7FFFFFFF, v29;
	v4 =	vsub.f32 v4, v57;
	v21 =	vadd.f32 v33, v21  }
0x13e: {  	v63 =	vld [tilespmem:s20+$0x10710];
	v28 =	vadd.f32 v55, v28;
	v26 =	vand.u32 $0x7FFFFFFF, v30;
	v30 =	vadd.f32 v59, v56  }
0x13f: {  	(xrf2) =	vadd.scan.msk.f32 $0xffff, v16;
	v21 =	vadd.f32 v29, v21;
	v16 =	vadd.f32 v26, v27;
	v26 =	vld [tilespmem:s20+$0x10670]  }
0x140: {  	(xrf2) =	vadd.scan.msk.f32 $0xffff, v15;
	v0 =	vand.u32 $0x7FFFFFFF, v0;
	v15 =	vsub.f32 v28, v60;
	v27 =	vsub.f32 v30, v61  }
0x141: {  	(xrf2) =	vadd.scan.msk.f32 $0xffff, v18;
	v18 =	vsub.f32 v25, v62;
	v4 =	vand.u32 $0x7FFFFFFF, v4;
	v0 =	vadd.f32 v0, v21;
	v21 =	vld [tilespmem:s20+$0x107D0]  }
0x142: {  	(xrf2) =	vadd.scan.msk.f32 $0xffff, v22;
	v22 =	vld [tilespmem:s20+$0x10730];
	v15 =	vand.u32 $0x7FFFFFFF, v15;
	v4 =	vadd.f32 v4, v16;
	v16 =	vand.u32 $0x7FFFFFFF, v27  }
0x143: {  	(xrf2) =	vadd.scan.msk.f32 $0xffff, v34;
	v25 =	vand.u32 $0x7FFFFFFF, v39;
	v15 =	vadd.f32 v16, v15;
	v16 =	vsub.f32 v38, v63  }
0x144: {  	(xrf2) =	vadd.scan.msk.f32 $0xffff, v24;
	v18 =	vand.u32 $0x7FFFFFFF, v18;
	v4 =	vadd.f32 v25, v4;
	v25 =	vld [tilespmem:s20+$0x10890];
	v24 =	vsub.f32 v54, v26  }
0x145: {  	(xrf2) =	vadd.scan.msk.f32 $0xffff, v17;
	v5 =	vand.u32 $0x7FFFFFFF, v5;
	v15 =	vadd.f32 v18, v15;
	v16 =	vand.u32 $0x7FFFFFFF, v16  }
0x146: {  	v17 =	vld [tilespmem:s20+$0x107F0];
	(xrf2) =	vadd.scan.msk.f32 $0xffff, v2;
	v3 =	vsub.f32 v3, v21;
	v2 =	vand.u32 $0x7FFFFFFF, v24;
	v5 =	vadd.f32 v16, v5  }
0x147: {  	(xrf2) =	vadd.scan.msk.f32 $0xffff, v0;
	v0 =	vadd.f32 v2, v15;
	v2 =	vand.u32 $0x7FFFFFFF, v10;
	v10 =	vsub.f32 v31, v22;
	v15 =	vld [tilespmem:s20+$0x10950]  }
0x148: {  	(xrf2) =	vadd.scan.msk.f32 $0xffff, v4;
	v4 =	vand.u32 $0x7FFFFFFF, v20;
	v3 =	vand.u32 $0x7FFFFFFF, v3;
	v2 =	vadd.f32 v2, v5;
	v5 =	vld [tilespmem:s20+$0x108B0]  }
0x149: {  	v3 =	vadd.f32 v3, v4;
	v4 =	vsub.f32 v12, v25;
	v10 =	vand.u32 $0x7FFFFFFF, v10  }
0x14a: {  	v2 =	vadd.f32 v10, v2;
	v10 =	vand.u32 $0x7FFFFFFF, v19  }
0x14b: {  	v4 =	vand.u32 $0x7FFFFFFF, v4;
	v3 =	vadd.f32 v10, v3;
	v10 =	vand.u32 $0x7FFFFFFF, v11  }
0x14c: {  	v4 =	vadd.f32 v4, v10;
	v7 =	vsub.f32 v7, v15  }
0x14d: {  	v9 =	vand.u32 $0x7FFFFFFF, v9;
	v16, _, _ =	vpop (xrf2);
	v12 =	vsub.f32 v13, v17;
	(xrf2) =	vadd.scan.msk.f32 $0xffff, v0;
	v5 =	vsub.f32 v8, v5  }
0x14e: {  	v6 =	vand.u32 $0x7FFFFFFF, v6;
	v13 =	vld [tilespmem:s20+$0x109D0];
	v0, _, _ =	vpop (xrf2);
	v4 =	vadd.f32 v9, v4;
	v7 =	vand.u32 $0x7FFFFFFF, v7  }
0x14f: {  	v12 =	vand.u32 $0x7FFFFFFF, v12;
	v11 =	vld [tilespmem:s20+$0x10970];
	v17, _, _ =	vpop (xrf2);
	v5 =	vand.u32 $0x7FFFFFFF, v5;
	v6 =	vadd.f32 v7, v6  }
0x150: {  	v10 =	vld [tilespmem:s20+$0x109E0];
	v18, _, _ =	vpop (xrf2);
	v3 =	vadd.f32 v12, v3;
	v4 =	vadd.f32 v5, v4;
	v5 =	vand.u32 $0x7FFFFFFF, v14  }
0x151: {  	(xrf2) =	vadd.scan.msk.f32 $0xffff, v2;
	v2, _, _ =	vpop (xrf2);
	v5 =	vadd.f32 v5, v6;
	v6 =	vld [tilespmem:$0x1FCB0]  }
0x152: {  	v12 =	vld [tilespmem:$0x1FCC0];
	v8, _, _ =	vpop (xrf2)  }
0x153: {  	v9, _, _ =	vpop (xrf2)  }
0x154: {  	(xrf2) =	vadd.scan.msk.f32 $0xffff, v3;
	v1 =	vsub.f32 v1, v11;
	v3, _, _ =	vpop (xrf2)  }
0x155: {  	v7 =	vsub.f32 v46, v13;
	v11, _, _ =	vpop (xrf2)  }
0x156: {  	v1 =	vand.u32 $0x7FFFFFFF, v1;
	v6 =	vsub.f32 v6, v10;
	v10, _, _ =	vpop (xrf2)  }
0x157: {  	v7 =	vand.u32 $0x7FFFFFFF, v7;
	v12 =	vand.u32 $0x7FFFFFFF, v12;
	v1 =	vadd.f32 v1, v5;
	v5, _, _ =	vpop (xrf2)  }
0x158: {  	(xrf2) =	vadd.scan.msk.f32 $0xffff, v4;
	v4 =	vadd.f32 v7, v12;
	v7 =	vbroadcast v10, $0xF;
	v5 =	vbroadcast v5, $0xF  }
0x159: {  	v6 =	vand.u32 $0x7FFFFFFF, v6  }
0x15a: {  	(xrf2) =	vadd.scan.msk.f32 $0xffff, v1;
	v1 =	vsel vm0, v7, v5;
	v5 =	vld [tilespmem:$0x1FCD0];
	_ =	sdelay $0x1  }
0x15b: {  	v4 =	vadd.f32 v6, v4;
	v6, _, _ =	vpop (xrf2)  }
0x15c: {  	v10 =	vbroadcast v11, $0xF;
	v6 =	vbroadcast v6, $0xF  }
0x15d: {  	v3 =	vbroadcast v3, $0xF  }
0x15e: {  	v1 =	vsel vm1, v1, v10;
	v5 =	vand.u32 $0x7FFFFFFF, v5  }
0x15f: {  	v1 =	vsel vm2, v1, v3;
	v3 =	vbroadcast v9, $0xF;
	v4 =	vadd.f32 v5, v4  }
0x160: {  	v1 =	vsel vm3, v1, v6;
	v5 =	vbroadcast v8, $0xF;
	v6, _, _ =	vpop (xrf2)  }
0x161: {  	v1 =	vsel vm4, v1, v3;
	v3 =	vbroadcast v6, $0xF  }
0x162: {  	v2 =	vbroadcast v2, $0xF;
	(xrf2) =	vadd.scan.msk.f32 $0xffff, v4;
	v1 =	vsel vm5, v1, v5  }
0x163: {  	v1 =	vsel vm6, v1, v3;
	v3 =	vbroadcast v18, $0xF;
	v4, _, _ =	vpop (xrf2)  }
0x164: {  	v1 =	vsel vm7, v1, v2;
	v2 =	vbroadcast v4, $0xF  }
0x165: {  	v1 =	vsel vm8, v1, v3;
	v3 =	vbroadcast v17, $0xF  }
0x166: {  	v0 =	vbroadcast v0, $0xF;
	v1 =	vsel vm9, v1, v2  }
0x167: {  	v1 =	vsel vm10, v1, v3  }
0x168: {  	v2, _, _ =	vpop (xrf2);
	v0 =	vsel vm11, v1, v0;
	v1 =	vbroadcast v16, $0xF  }
0x169: {  	v2 =	vbroadcast v2, $0xF;
	_ =	sdelay $0x1  }
0x16a: {  	v0 =	vsel vm12, v0, v2  }
0x16b: {  	v0 =	vsel vm13, v0, v1;
	v1, _, _ =	vpop (xrf2)  }
0x16c: {  	v0 =	vsel vm14, v0, v1  }
0x16d: {  	v0 =	vsub.f32 $0.0e+00, v0;
	_ =	sdelay $0x1  }
0x16e: {  	s18 =	simm.s32 $0x400;
	[tilespmem:s16+$0x0] =	vst v0  }
0x16f: {  	v33 =	vld [tilespmem:s18+$0x109F0]  }
0x170: {  	v30 =	vld [tilespmem:s18+$0x9F0]  }
0x171: {  	v17 =	vld [tilespmem:s18+$0x89F0]  }
0x172: {  	v42 =	vld [tilespmem:s18+$0x109B0]  }
0x173: {  	v54 =	vld [tilespmem:s18+$0x109C0]  }
0x174: {  	v18 =	vld [tilespmem:s18+$0x9E0]  }
0x175: {  	v26 =	vld [tilespmem:s18+$0x89E0]  }
0x176: {  	v45 =	vld [tilespmem:s18+$0x109A0]  }
0x177: {  	v47 =	vld [tilespmem:s18+$0x9B0]  }
0x178: {  	v51 =	vld [tilespmem:s18+$0x89B0]  }
0x179: {  	v56 =	vld [tilespmem:s18+$0x9C0]  }
0x17a: {  	v57 =	vld [tilespmem:s18+$0x89C0]  }
0x17b: {  	v58 =	vld [tilespmem:s18+$0x9D0]  }
0x17c: {  	v59 =	vld [tilespmem:s18+$0x89D0]  }
0x17d: {  	v60 =	vld [tilespmem:s18+$0x10930]  }
0x17e: {  	v25 =	vld [tilespmem:s18+$0x10820]  }
0x17f: {  	v61 =	vld [tilespmem:s18+$0x10960]  }
0x180: {  	v62 =	vld [tilespmem:s18+$0x970]  }
0x181: {  	v63 =	vld [tilespmem:s18+$0x8970]  }
0x182: {  	v11 =	vld [tilespmem:s18+$0x10980]  }
0x183: {  	[tilespmem:$0x1FEF0] =	vst v25;
	v25 =	vld [tilespmem:s18+$0x10840]  }
0x184: {  	v13 =	vld [tilespmem:s18+$0x10990]  }
0x185: {  	v14 =	vld [tilespmem:s18+$0x9A0]  }
0x186: {  	v12 =	vld [tilespmem:s18+$0x89A0]  }
0x187: {  	v0 =	vld [tilespmem:s18+$0x108F0]  }
0x188: {  	[tilespmem:$0x1FE10] =	vst v25;
	v25 =	vld [tilespmem:s18+$0x10850]  }
0x189: {  	v3 =	vld [tilespmem:s18+$0x108E0]  }
0x18a: {  	v19 =	vld [tilespmem:s18+$0x930]  }
0x18b: {  	v16 =	vld [tilespmem:s18+$0x8930]  }
0x18c: {  	v20 =	vld [tilespmem:s18+$0x960]  }
0x18d: {  	[tilespmem:$0x1FE40] =	vst v25;
	v25 =	vld [tilespmem:s18+$0x860]  }
0x18e: {  	[tilespmem:$0x1FD60] =	vst v3;
	v3 =	vld [tilespmem:s18+$0x950]  }
0x18f: {  	v36 =	vld [tilespmem:s18+$0x980]  }
0x190: {  	v2 =	vld [tilespmem:s18+$0x8980]  }
0x191: {  	v1 =	vld [tilespmem:s18+$0x990]  }
0x192: {  	[tilespmem:$0x1FDF0] =	vst v25;
	v25 =	vld [tilespmem:s18+$0x8860]  }
0x193: {  	[tilespmem:$0x1FD70] =	vst v3;
	v3 =	vld [tilespmem:s18+$0x8950]  }
0x194: {  	v32 =	vld [tilespmem:s18+$0x8F0]  }
0x195: {  	v24 =	vld [tilespmem:s18+$0x88F0]  }
0x196: {  	v39 =	vld [tilespmem:s18+$0x10900]  }
0x197: {  	[tilespmem:$0x1FE00] =	vst v25;
	v25 =	vld [tilespmem:s18+$0x880]  }
0x198: {  	[tilespmem:$0x1FD80] =	vst v3;
	v3 =	vld [tilespmem:s18+$0x10870]  }
0x199: {  	[tilespmem:$0x1FD30] =	vst v0;
	v0 =	vld [tilespmem:s18+$0x10920]  }
0x19a: {  	v43 =	vld [tilespmem:s18+$0x10910]  }
0x19b: {  	v23 =	vld [tilespmem:s18+$0x920]  }
0x19c: {  	[tilespmem:$0x1FE20] =	vst v25;
	v25 =	vld [tilespmem:s18+$0x8880]  }
0x19d: {  	[tilespmem:$0x1FDC0] =	vst v3;
	v3 =	vld [tilespmem:s18+$0x108A0]  }
0x19e: {  	[tilespmem:$0x1FD40] =	vst v0;
	v0 =	vld [tilespmem:s18+$0x10940]  }
0x19f: {  	v7 =	vld [tilespmem:s18+$0x10830]  }
0x1a0: {  	v40 =	vld [tilespmem:s18+$0x8E0]  }
0x1a1: {  	[tilespmem:$0x1FE30] =	vst v25;
	v25 =	vld [tilespmem:s18+$0x890]  }
0x1a2: {  	[tilespmem:$0x1FDD0] =	vst v3;
	v3 =	vld [tilespmem:s18+$0x8B0]  }
0x1a3: {  	[tilespmem:$0x1FD50] =	vst v0;
	v0 =	vld [tilespmem:s18+$0x8990]  }
0x1a4: {  	[tilespmem:$0x1FDE0] =	vst v7;
	v7 =	vld [tilespmem:s18+$0x10860]  }
0x1a5: {  	v4 =	vld [tilespmem:s18+$0x900]  }
0x1a6: {  	v17 =	vadd.f32 v17, v30;
	[tilespmem:$0x1FE70] =	vst v25;
	v25 =	vld [tilespmem:s18+$0x8890]  }
0x1a7: {  	v2 =	vadd.f32 v2, v36;
	[tilespmem:$0x1FD90] =	vst v3;
	v3 =	vld [tilespmem:s18+$0x88B0]  }
0x1a8: {  	v6 =	vld [tilespmem:s18+$0x910];
	v0 =	vadd.f32 v0, v1;
	v1 =	vsub.f32 v17, v33  }
0x1a9: {  	v5 =	vld [tilespmem:s18+$0x8910];
	v2 =	vsub.f32 v2, v11;
	[tilespmem:$0x1FE50] =	vst v7  }
0x1aa: {  	v11 =	vadd.f32 v12, v14;
	v7 =	vld [tilespmem:s18+$0x10880];
	[tilespmem:$0x1FCF0] =	vst v1;
	v0 =	vsub.f32 v0, v13  }
0x1ab: {  	v2 =	vand.u32 $0x7FFFFFFF, v2;
	v1 =	vadd.f32 v51, v47;
	[tilespmem:$0x1FE80] =	vst v25;
	v25 =	vld [tilespmem:s18+$0x107B0]  }
0x1ac: {  	v11 =	vsub.f32 v11, v45;
	v13 =	vadd.f32 v57, v56;
	v0 =	vand.u32 $0x7FFFFFFF, v0;
	[tilespmem:$0x1FDA0] =	vst v3;
	v3 =	vld [tilespmem:s18+$0x8900]  }
0x1ad: {  	v9 =	vld [tilespmem:s18+$0x8D0];
	v12 =	vsub.f32 v1, v42;
	v0 =	vadd.f32 v0, v2  }
0x1ae: {  	v8 =	vld [tilespmem:s18+$0x88D0];
	v11 =	vand.u32 $0x7FFFFFFF, v11;
	v2 =	vsub.f32 v13, v54;
	v13 =	vadd.f32 v16, v19  }
0x1af: {  	v5 =	vadd.f32 v5, v6;
	[tilespmem:$0x1FE60] =	vst v7;
	v7 =	vld [tilespmem:s18+$0x8A0];
	v0 =	vadd.f32 v11, v0  }
0x1b0: {  	v12 =	vand.u32 $0x7FFFFFFF, v12;
	v11 =	vsub.f32 v13, v60;
	v13 =	vadd.f32 v63, v62;
	[tilespmem:$0x1FF60] =	vst v25;
	v25 =	vld [tilespmem:s18+$0x107E0]  }
0x1b1: {  	v35 =	vld [tilespmem:s18+$0x88E0];
	v16 =	vadd.f32 v12, v0;
	v0 =	vadd.f32 v3, v4  }
0x1b2: {  	v10 =	vld [tilespmem:s18+$0x8C0]  }
0x1b3: {  	v5 =	vsub.f32 v5, v43;
	[tilespmem:$0x1FD20] =	vst v13;
	v13 =	vld [tilespmem:$0x1FD30];
	v12 =	vsub.f32 v0, v39  }
0x1b4: {  	[tilespmem:$0x1FDB0] =	vst v7;
	v7 =	vld [tilespmem:s18+$0x88C0]  }
0x1b5: {  	v8 =	vadd.f32 v8, v9;
	v5 =	vand.u32 $0x7FFFFFFF, v5;
	v9 =	vand.u32 $0x7FFFFFFF, v12;
	[tilespmem:$0x1FF70] =	vst v25;
	v25 =	vld [tilespmem:s18+$0x7F0]  }
0x1b6: {  	v4 =	vadd.f32 v24, v32;
	v5 =	vadd.f32 v5, v9;
	v9 =	vld [tilespmem:$0x1FD60]  }
0x1b7: {  	v21 =	vld [tilespmem:s18+$0x8920]  }
0x1b8: {  	v4 =	vsub.f32 v4, v13;
	v13 =	vld [tilespmem:$0x1FD40]  }
0x1b9: {  	v7 =	vadd.f32 v7, v10;
	v10 =	vadd.f32 v35, v40;
	v12 =	vld [tilespmem:$0x1FD80]  }
0x1ba: {  	[tilespmem:$0x1FED0] =	vst v25;
	v25 =	vld [tilespmem:s18+$0x87F0]  }
0x1bb: {  	v9 =	vsub.f32 v10, v9;
	v10 =	vld [tilespmem:$0x1FD70]  }
0x1bc: {  	v15 =	vld [tilespmem:s18+$0x8960]  }
0x1bd: {  	v44 =	vld [tilespmem:s18+$0x108C0];
	v6 =	vadd.f32 v21, v23  }
0x1be: {  	v46 =	vld [tilespmem:s18+$0x108D0]  }
0x1bf: {  	v13 =	vsub.f32 v6, v13;
	[tilespmem:$0x1FEE0] =	vst v25;
	v25 =	vld [tilespmem:s18+$0x10800]  }
0x1c0: {  	v40 =	vadd.f32 v12, v10;
	v12 =	vld [tilespmem:$0x1FD90]  }
0x1c1: {  	v10 =	vand.u32 $0x7FFFFFFF, v13;
	v13 =	vld [tilespmem:$0x1FDA0]  }
0x1c2: {  	v52 =	vld [tilespmem:s18+$0x870]  }
0x1c3: {  	v50 =	vld [tilespmem:s18+$0x8870];
	v8 =	vsub.f32 v8, v46  }
0x1c4: {  	v7 =	vsub.f32 v7, v44;
	[tilespmem:$0x1FEB0] =	vst v25;
	v25 =	vld [tilespmem:s18+$0x10810]  }
0x1c5: {  	v29 =	vld [tilespmem:s18+$0x940];
	v8 =	vand.u32 $0x7FFFFFFF, v8  }
0x1c6: {  	v7 =	vand.u32 $0x7FFFFFFF, v7;
	v5 =	vadd.f32 v10, v5;
	v45 =	vadd.f32 v13, v12;
	v12 =	vld [tilespmem:$0x1FDC0]  }
0x1c7: {  	v53 =	vld [tilespmem:s18+$0x88A0];
	v7 =	vadd.f32 v8, v7;
	v8 =	vand.u32 $0x7FFFFFFF, v11  }
0x1c8: {  	v39 =	vadd.f32 v8, v5;
	v8 =	vld [tilespmem:$0x1FDB0]  }
0x1c9: {  	v11 =	vadd.f32 v50, v52;
	[tilespmem:$0x1FEC0] =	vst v25;
	v25 =	vld [tilespmem:s18+$0x820]  }
0x1ca: {  	v22 =	vld [tilespmem:s18+$0x8940]  }
0x1cb: {  	v13 =	vsub.f32 v11, v12;
	v11 =	vld [tilespmem:$0x1FDD0]  }
0x1cc: {  	v49 =	vld [tilespmem:s18+$0x830]  }
0x1cd: {  	v48 =	vld [tilespmem:s18+$0x8830]  }
0x1ce: {  	v8 =	vadd.f32 v53, v8;
	[tilespmem:$0x1FE90] =	vst v25;
	v25 =	vld [tilespmem:s18+$0x8820]  }
0x1cf: {  	v5 =	vand.u32 $0x7FFFFFFF, v9;
	v12 =	vld [tilespmem:$0x1FE00]  }
0x1d0: {  	v5 =	vadd.f32 v5, v7;
	v60 =	vsub.f32 v8, v11;
	v8 =	vld [tilespmem:$0x1FDF0]  }
0x1d1: {  	v28 =	vld [tilespmem:s18+$0x840];
	v4 =	vand.u32 $0x7FFFFFFF, v4  }
0x1d2: {  	v21 =	vadd.f32 v4, v5;
	v5 =	vld [tilespmem:$0x1FDE0]  }
0x1d3: {  	[tilespmem:$0x1FEA0] =	vst v25;
	v25 =	vld [tilespmem:s18+$0x8840]  }
0x1d4: {  	v31 =	vld [tilespmem:s18+$0x850]  }
0x1d5: {  	v12 =	vadd.f32 v12, v8;
	v8 =	vld [tilespmem:$0x1FE10]  }
0x1d6: {  	v27 =	vld [tilespmem:s18+$0x8850];
	v7 =	vadd.f32 v48, v49  }
0x1d7: {  	v38 =	vld [tilespmem:s18+$0x10770]  }
0x1d8: {  	v41 =	vld [tilespmem:s18+$0x107A0];
	v5 =	vsub.f32 v7, v5;
	v7 =	vadd.f32 v25, v28  }
0x1d9: {  	v19 =	vld [tilespmem:$0x1FE30]  }
0x1da: {  	v7 =	vsub.f32 v7, v8;
	v8 =	vld [tilespmem:$0x1FE20]  }
0x1db: {  	v55 =	vld [tilespmem:s18+$0x7B0]  }
0x1dc: {  	v37 =	vld [tilespmem:s18+$0x87B0]  }
0x1dd: {  	v34 =	vld [tilespmem:s18+$0x8810]  }
0x1de: {  	[tilespmem:$0x1FF80] =	vst v38;
	v38 =	vld [tilespmem:s18+$0x107C0]  }
0x1df: {  	v19 =	vadd.f32 v19, v8;
	v8 =	vld [tilespmem:$0x1FE40]  }
0x1e0: {  	[tilespmem:$0x1FFB0] =	vst v41;
	v41 =	vld [tilespmem:s18+$0x7E0]  }
0x1e1: {  	[tilespmem:$0x1FF00] =	vst v55;
	v55 =	vld [tilespmem:s18+$0x87E0]  }
0x1e2: {  	[tilespmem:$0x1FF10] =	vst v37;
	v37 =	vld [tilespmem:s18+$0x8800];
	v11 =	vadd.f32 v27, v31  }
0x1e3: {  	v30 =	vld [tilespmem:s18+$0x7C0]  }
0x1e4: {  	v31 =	vsub.f32 v11, v8;
	v8 =	vld [tilespmem:$0x1FE50]  }
0x1e5: {  	v36 =	vld [tilespmem:s18+$0x87C0]  }
0x1e6: {  	[tilespmem:$0x1FF30] =	vst v55;
	v55 =	vld [tilespmem:s18+$0x10760]  }
0x1e7: {  	v18 =	vadd.f32 v26, v18;
	v26 =	vld [tilespmem:s18+$0x730]  }
0x1e8: {  	v23 =	vld [tilespmem:s18+$0x8780]  }
0x1e9: {  	v57 =	vsub.f32 v12, v8;
	v8 =	vld [tilespmem:$0x1FE60]  }
0x1ea: {  	[tilespmem:$0x1FF20] =	vst v41;
	v41 =	vld [tilespmem:s18+$0x800]  }
0x1eb: {  	[tilespmem:$0x1FFF0] =	vst v55;
	v55 =	vld [tilespmem:s18+$0x770];
	v7 =	vand.u32 $0x7FFFFFFF, v7;
	v31 =	vand.u32 $0x7FFFFFFF, v31  }
0x1ec: {  	v31 =	vadd.f32 v31, v7;
	v7 =	vld [tilespmem:$0x1FEB0]  }
0x1ed: {  	v12 =	vld [tilespmem:$0x1FE80]  }
0x1ee: {  	v11 =	vsub.f32 v19, v8;
	v8 =	vld [tilespmem:$0x1FE70]  }
0x1ef: {  	[tilespmem:$0x1FFC0] =	vst v38;
	v38 =	vld [tilespmem:s18+$0x810]  }
0x1f0: {  	[tilespmem:$0x1FF40] =	vst v55;
	v55 =	vld [tilespmem:s18+$0x8770];
	v19 =	vadd.f32 v37, v41  }
0x1f1: {  	v14 =	vadd.f32 v59, v58;
	v58 =	vld [tilespmem:$0x1FEA0]  }
0x1f2: {  	v19 =	vsub.f32 v19, v7;
	v7 =	vld [tilespmem:$0x1FEC0]  }
0x1f3: {  	v12 =	vadd.f32 v12, v8;
	v8 =	vld [tilespmem:$0x1FE90]  }
0x1f4: {  	[tilespmem:$0x1FCE0] =	vst v18;
	v18 =	vld [tilespmem:s18+$0x87D0]  }
0x1f5: {  	v43 =	vld [tilespmem:s18+$0x750];
	v34 =	vadd.f32 v34, v38  }
0x1f6: {  	[tilespmem:$0x1FF50] =	vst v55;
	v55 =	vld [tilespmem:s18+$0x10780]  }
0x1f7: {  	v34 =	vsub.f32 v34, v7;
	v7 =	vld [tilespmem:$0x1FED0]  }
0x1f8: {  	v38 =	vadd.f32 v58, v8;
	v8 =	vld [tilespmem:$0x1FEE0]  }
0x1f9: {  	[tilespmem:$0x1FD10] =	vst v14;
	v14 =	vadd.f32 v15, v20;
	v20 =	vld [tilespmem:s18+$0x760]  }
0x1fa: {  	v15 =	vld [tilespmem:s18+$0x780]  }
0x1fb: {  	[tilespmem:$0x1FFD0] =	vst v55;
	v55 =	vld [tilespmem:s18+$0x10790]  }
0x1fc: {  	v30 =	vadd.f32 v36, v30;
	v36 =	vld [tilespmem:s18+$0x8670]  }
0x1fd: {  	v8 =	vadd.f32 v8, v7;
	v7 =	vld [tilespmem:$0x1FEF0]  }
0x1fe: {  	v61 =	vsub.f32 v14, v61;
	v14 =	vld [tilespmem:s18+$0x10700];
	v44 =	vand.u32 $0x7FFFFFFF, v57  }
0x1ff: {  	v17 =	vld [tilespmem:s18+$0x7D0];
	v31 =	vadd.f32 v44, v31  }
0x200: {  	[tilespmem:$0x1FFE0] =	vst v55;
	v55 =	vld [tilespmem:s18+$0x7A0];
	v13 =	vand.u32 $0x7FFFFFFF, v13  }
0x201: {  	v31 =	vadd.f32 v13, v31;
	v13 =	vld [tilespmem:$0x1FF10]  }
0x202: {  	v38 =	vsub.f32 v38, v7;
	v7 =	vld [tilespmem:$0x1FF00]  }
0x203: {  	v33 =	vld [tilespmem:s18+$0x10720]  }
0x204: {  	v47 =	vld [tilespmem:s18+$0x10740]  }
0x205: {  	[tilespmem:$0x1FF90] =	vst v55;
	v55 =	vld [tilespmem:s18+$0x87A0];
	v19 =	vand.u32 $0x7FFFFFFF, v19;
	v34 =	vand.u32 $0x7FFFFFFF, v34  }
0x206: {  	v34 =	vadd.f32 v34, v19;
	v19 =	vld [tilespmem:$0x1FF30]  }
0x207: {  	v13 =	vadd.f32 v13, v7;
	v7 =	vld [tilespmem:$0x1FF20]  }
0x208: {  	v51 =	vld [tilespmem:s18+$0x10750]  }
0x209: {  	v1 =	vld [tilespmem:s18+$0x106F0]  }
0x20a: {  	v42 =	vld [tilespmem:s18+$0x8740]  }
0x20b: {  	v59 =	vld [tilespmem:$0x1FF50]  }
0x20c: {  	[tilespmem:$0x1FFA0] =	vst v55;
	v55 =	vadd.f32 v19, v7;
	v7 =	vld [tilespmem:$0x1FF40]  }
0x20d: {  	v35 =	vld [tilespmem:s18+$0x8720]  }
0x20e: {  	[tilespmem:$0x1FD00] =	vst v2;
	v2 =	vld [tilespmem:s18+$0x8730]  }
0x20f: {  	v54 =	vld [tilespmem:s18+$0x8710]  }
0x210: {  	v50 =	vld [tilespmem:s18+$0x86E0]  }
0x211: {  	v63 =	vadd.f32 v59, v7;
	v7 =	vld [tilespmem:$0x1FF60]  }
0x212: {  	v52 =	vld [tilespmem:s18+$0x700]  }
0x213: {  	v17 =	vadd.f32 v18, v17;
	v18 =	vadd.f32 v2, v26;
	v26 =	vld [tilespmem:s18+$0x86D0]  }
0x214: {  	v3 =	vld [tilespmem:s18+$0x8760]  }
0x215: {  	v24 =	vld [tilespmem:s18+$0x8790]  }
0x216: {  	v57 =	vsub.f32 v13, v7;
	v7 =	vld [tilespmem:$0x1FF70]  }
0x217: {  	v0 =	vadd.f32 v22, v29;
	v22 =	vld [tilespmem:s18+$0x790]  }
0x218: {  	v32 =	vld [tilespmem:s18+$0x86F0]  }
0x219: {  	v6 =	vld [tilespmem:$0x1FD50]  }
0x21a: {  	v29 =	vld [tilespmem:s18+$0x6F0]  }
0x21b: {  	v13 =	vsub.f32 v55, v7;
	v7 =	vld [tilespmem:$0x1FF80]  }
0x21c: {  	v46 =	vadd.f32 v24, v22;
	v22 =	vld [tilespmem:s18+$0x10680];
	v38 =	vand.u32 $0x7FFFFFFF, v38  }
0x21d: {  	v24 =	vld [tilespmem:s18+$0x10690];
	v34 =	vadd.f32 v38, v34  }
0x21e: {  	v62 =	vsub.f32 v0, v6;
	v0 =	vld [tilespmem:s18+$0x106B0];
	v5 =	vand.u32 $0x7FFFFFFF, v5  }
0x21f: {  	v34 =	vadd.f32 v5, v34;
	v5 =	vld [tilespmem:$0x1FF90]  }
0x220: {  	v56 =	vsub.f32 v63, v7;
	v7 =	vld [tilespmem:$0x1FFA0]  }
0x221: {  	v6 =	vld [tilespmem:s18+$0x106E0]  }
0x222: {  	v10 =	vld [tilespmem:s18+$0x720]  }
0x223: {  	v9 =	vld [tilespmem:s18+$0x740]  }
0x224: {  	v4 =	vld [tilespmem:s18+$0x8750]  }
0x225: {  	v5 =	vadd.f32 v7, v5;
	v7 =	vld [tilespmem:$0x1FFB0]  }
0x226: {  	v48 =	vld [tilespmem:s18+$0x86B0]  }
0x227: {  	v49 =	vld [tilespmem:s18+$0x106C0]  }
0x228: {  	v53 =	vld [tilespmem:s18+$0x710]  }
0x229: {  	v9 =	vadd.f32 v42, v9;
	v42 =	vld [tilespmem:s18+$0x86A0]  }
0x22a: {  	v4 =	vadd.f32 v4, v43;
	v5 =	vsub.f32 v5, v7;
	v7 =	vld [tilespmem:$0x1FFC0]  }
0x22b: {  	v43 =	vld [tilespmem:s18+$0x6C0]  }
0x22c: {  	v4 =	vsub.f32 v4, v51;
	v51 =	vld [tilespmem:s18+$0x620]  }
0x22d: {  	v27 =	vld [tilespmem:s18+$0x6B0]  }
0x22e: {  	v25 =	vld [tilespmem:s18+$0x10630]  }
0x22f: {  	v23 =	vadd.f32 v23, v15;
	v15 =	vsub.f32 v30, v7;
	v7 =	vld [tilespmem:$0x1FFD0]  }
0x230: {  	v28 =	vld [tilespmem:s18+$0x106A0]  }
0x231: {  	v44 =	vld [tilespmem:s18+$0x8700]  }
0x232: {  	v37 =	vld [tilespmem:s18+$0x106D0]  }
0x233: {  	v41 =	vld [tilespmem:s18+$0x6E0]  }
0x234: {  	v23 =	vsub.f32 v23, v7;
	v7 =	vld [tilespmem:$0x1FFE0]  }
0x235: {  	(xrf2) =	vadd.scan.msk.f32 $0xffff, v16;
	v59 =	vld [tilespmem:s18+$0x6A0]  }
0x236: {  	(xrf2) =	vadd.scan.msk.f32 $0xffff, v39;
	v63 =	vld [tilespmem:s18+$0x86C0]  }
0x237: {  	v3 =	vadd.f32 v3, v20;
	(xrf2) =	vadd.scan.msk.f32 $0xffff, v21;
	v20 =	vand.u32 $0x7FFFFFFF, v23;
	v23 =	vld [tilespmem:s18+$0x6D0]  }
0x238: {  	(xrf2) =	vadd.scan.msk.f32 $0xffff, v31;
	v31 =	vld [tilespmem:s18+$0x650]  }
0x239: {  	v9 =	vsub.f32 v9, v47;
	v30 =	vsub.f32 v46, v7;
	v7 =	vld [tilespmem:$0x1FFF0]  }
0x23a: {  	v58 =	vld [tilespmem:s18+$0x670]  }
0x23b: {  	v10 =	vadd.f32 v35, v10;
	v9 =	vand.u32 $0x7FFFFFFF, v9;
	v38 =	vld [tilespmem:s18+$0x630];
	v16 =	vadd.f32 v63, v43  }
0x23c: {  	v19 =	vld [tilespmem:s18+$0x10620];
	v63 =	vadd.f32 v42, v59;
	v2 =	vand.u32 $0x7FFFFFFF, v30;
	v23 =	vadd.f32 v26, v23  }
0x23d: {  	v4 =	vand.u32 $0x7FFFFFFF, v4;
	v55 =	vld [tilespmem:s18+$0x8630];
	v26 =	vadd.f32 v50, v41;
	v2 =	vadd.f32 v2, v20  }
0x23e: {  	v5 =	vand.u32 $0x7FFFFFFF, v5;
	v50 =	vld [tilespmem:s18+$0x8680];
	v20 =	vadd.f32 v4, v9;
	v3 =	vsub.f32 v3, v7  }
0x23f: {  	v9 =	vld [tilespmem:s18+$0x10600];
	v2 =	vadd.f32 v5, v2;
	v5 =	vadd.f32 v32, v29  }
0x240: {  	v16 =	vsub.f32 v16, v49;
	v4 =	vld [tilespmem:s18+$0x10610];
	v23 =	vsub.f32 v23, v37;
	v29 =	vand.u32 $0x7FFFFFFF, v57  }
0x241: {  	v57 =	vld [tilespmem:s18+$0x8620];
	v32 =	vsub.f32 v63, v28;
	v3 =	vand.u32 $0x7FFFFFFF, v3;
	v46 =	vsub.f32 v5, v1  }
0x242: {  	v28 =	vld [tilespmem:s18+$0x8640];
	v30 =	vadd.f32 v3, v20;
	v20 =	vsub.f32 v10, v33  }
0x243: {  	v1 =	vand.u32 $0x7FFFFFFF, v56;
	v56 =	vld [tilespmem:s18+$0x8690];
	v10 =	vadd.f32 v48, v27;
	v27 =	vadd.f32 v44, v52  }
0x244: {  	v26 =	vsub.f32 v26, v6;
	v6 =	vand.u32 $0x7FFFFFFF, v16;
	v2 =	vadd.f32 v29, v2;
	v29 =	vld [tilespmem:s18+$0x600]  }
0x245: {  	v48 =	vld [tilespmem:s18+$0x680];
	v10 =	vsub.f32 v10, v0;
	v0 =	vsub.f32 v27, v14;
	v14 =	vand.u32 $0x7FFFFFFF, v23  }
0x246: {  	v16 =	vadd.f32 v55, v38;
	v52 =	vld [tilespmem:s18+$0x690];
	v14 =	vadd.f32 v14, v6  }
0x247: {  	v26 =	vand.u32 $0x7FFFFFFF, v26;
	v33 =	vld [tilespmem:s18+$0x8610]  }
0x248: {  	v27 =	vld [tilespmem:s18+$0x8600];
	v23 =	vsub.f32 v16, v25;
	v16 =	vadd.f32 v26, v14  }
0x249: {  	v1 =	vadd.f32 v1, v30;
	v30 =	vld [tilespmem:s18+$0x610]  }
0x24a: {  	v21 =	vadd.f32 v36, v58;
	v5 =	vld [tilespmem:s18+$0x8660];
	v6 =	vadd.f32 v54, v53  }
0x24b: {  	v3 =	vld [tilespmem:s18+$0x660];
	v25 =	vand.u32 $0x7FFFFFFF, v46;
	v35 =	vadd.f32 v50, v48;
	v36 =	vadd.f32 v56, v52;
	v14, _, _ =	vpop (xrf2)  }
0x24c: {  	s19 =	simm.s32 $0x18600;
	s20 =	simm.s32 $0x2000;
	v26 =	vld [tilespmem:s18+$0x640];
	v25 =	vadd.f32 v25, v16;
	(xrf2) =	vadd.scan.msk.f32 $0xffff, v34;
	v34 =	vadd.f32 v57, v51;
	v16, _, _ =	vpop (xrf2)  }
.LBB2_2:
0x24d: {  	v27 =	vadd.f32 v27, v29  }
0x24e: {  	v29 =	vld [tilespmem:s18+$0x8650];
	v22 =	vsub.f32 v35, v22;
	v30 =	vadd.f32 v33, v30  }
0x24f: {  	v63 =	vld [tilespmem:s18+$0x10640];
	v24 =	vsub.f32 v36, v24;
	v19 =	vsub.f32 v34, v19  }
0x250: {  	v3 =	vadd.f32 v5, v3;
	v9 =	vsub.f32 v27, v9;
	v27 =	vld [tilespmem:s18+$0x10650]  }
0x251: {  	v4 =	vsub.f32 v30, v4;
	v30 =	vld [tilespmem:s18+$0x10660];
	v22 =	vand.u32 $0x7FFFFFFF, v22;
	v24 =	vand.u32 $0x7FFFFFFF, v24  }
0x252: {  	(xrf2) =	vadd.scan.msk.f32 $0xffff, v2;
	v32 =	vand.u32 $0x7FFFFFFF, v32;
	v5 =	vadd.f32 v24, v22;
	v22 =	vadd.f32 v28, v26  }
0x253: {  	v26 =	vld [tilespmem:s18+$0x10710];
	v9 =	vand.u32 $0x7FFFFFFF, v9;
	v4 =	vand.u32 $0x7FFFFFFF, v4;
	v24 =	vadd.f32 v29, v31  }
0x254: {  	v4 =	vadd.f32 v4, v9;
	v9 =	vld [tilespmem:s18+$0x10670];
	v5 =	vadd.f32 v32, v5  }
0x255: {  	v10 =	vand.u32 $0x7FFFFFFF, v10;
	v2, _, _ =	vpop (xrf2);
	(xrf2) =	vadd.scan.msk.f32 $0xffff, v1;
	v22 =	vsub.f32 v22, v63;
	v24 =	vsub.f32 v24, v27  }
0x256: {  	v19 =	vand.u32 $0x7FFFFFFF, v19;
	v3 =	vsub.f32 v3, v30;
	v5 =	vadd.f32 v10, v5;
	v10 =	vld [tilespmem:s18+$0x107D0]  }
0x257: {  	v4 =	vadd.f32 v19, v4;
	v19 =	vand.u32 $0x7FFFFFFF, v22;
	v22 =	vand.u32 $0x7FFFFFFF, v24;
	v24 =	vld [tilespmem:s18+$0x10730]  }
0x258: {  	v23 =	vand.u32 $0x7FFFFFFF, v23;
	v1, _, _ =	vpop (xrf2);
	(xrf2) =	vadd.scan.msk.f32 $0xffff, v25;
	v6 =	vsub.f32 v6, v26;
	v19 =	vadd.f32 v22, v19  }
0x259: {  	v0 =	vand.u32 $0x7FFFFFFF, v0;
	v25, _, _ =	vpop (xrf2);
	(xrf2) =	vadd.scan.msk.f32 $0xffff, v5;
	v3 =	vand.u32 $0x7FFFFFFF, v3;
	v5 =	vsub.f32 v21, v9;
	v9 =	vld [tilespmem:s18+$0x10890]  }
0x25a: {  	v4 =	vadd.f32 v23, v4;
	v6 =	vand.u32 $0x7FFFFFFF, v6;
	v3 =	vadd.f32 v3, v19;
	v19 =	vld [tilespmem:s18+$0x107F0]  }
0x25b: {  	v0 =	vadd.f32 v6, v0;
	v5 =	vand.u32 $0x7FFFFFFF, v5;
	v6 =	vsub.f32 v17, v10  }
0x25c: {  	v21, _, _ =	vpop (xrf2);
	(xrf2) =	vadd.scan.msk.f32 $0xffff, v4;
	v4 =	vand.u32 $0x7FFFFFFF, v20;
	v10 =	vld [tilespmem:s18+$0x10950];
	v3 =	vadd.f32 v5, v3;
	v5 =	vsub.f32 v18, v24  }
0x25d: {  	v0 =	vadd.f32 v4, v0;
	v4 =	vand.u32 $0x7FFFFFFF, v15;
	v15 =	vld [tilespmem:s18+$0x108B0];
	v6 =	vand.u32 $0x7FFFFFFF, v6  }
0x25e: {  	v4 =	vadd.f32 v6, v4;
	v6 =	vsub.f32 v12, v9;
	v5 =	vand.u32 $0x7FFFFFFF, v5  }
0x25f: {  	v17, _, _ =	vpop (xrf2);
	(xrf2) =	vadd.scan.msk.f32 $0xffff, v3;
	v3 =	vand.u32 $0x7FFFFFFF, v13;
	v0 =	vadd.f32 v5, v0;
	v5 =	vsub.f32 v8, v19  }
0x260: {  	v3 =	vadd.f32 v3, v4;
	v4 =	vand.u32 $0x7FFFFFFF, v11;
	v6 =	vand.u32 $0x7FFFFFFF, v6  }
0x261: {  	v4 =	vadd.f32 v6, v4;
	v6 =	vsub.f32 v40, v10;
	v5 =	vand.u32 $0x7FFFFFFF, v5  }
0x262: {  	v9, _, _ =	vpop (xrf2);
	(xrf2) =	vadd.scan.msk.f32 $0xffff, v0;
	v0 =	vadd.f32 v5, v3;
	v3 =	vand.u32 $0x7FFFFFFF, v60;
	v5 =	vsub.f32 v45, v15  }
0x263: {  	v6 =	vand.u32 $0x7FFFFFFF, v6;
	v3 =	vadd.f32 v3, v4;
	v4 =	vand.u32 $0x7FFFFFFF, v62  }
0x264: {  	v7 =	vld [tilespmem:s18+$0x109D0];
	v5 =	vand.u32 $0x7FFFFFFF, v5;
	v4 =	vadd.f32 v6, v4  }
0x265: {  	v10 =	vld [tilespmem:s18+$0x109E0];
	v8, _, _ =	vpop (xrf2);
	(xrf2) =	vadd.scan.msk.f32 $0xffff, v0;
	v0 =	vadd.f32 v5, v3;
	v3 =	vand.u32 $0x7FFFFFFF, v61  }
0x266: {  	v3 =	vadd.f32 v3, v4;
	v4 =	vld [tilespmem:$0x1FCE0]  }
0x267: {  	v11 =	vld [tilespmem:s18+$0x10970]  }
0x268: {  	v6 =	vld [tilespmem:$0x1FD10]  }
0x269: {  	v5 =	vld [tilespmem:$0x1FD20];
	_ =	sdelay $0x1  }
0x26a: {  	v4 =	vsub.f32 v4, v10;
	v10 =	vld [tilespmem:$0x1FD00];
	_ =	sdelay $0x1  }
0x26b: {  	v6 =	vsub.f32 v6, v7  }
0x26c: {  	v7, _, _ =	vpop (xrf2);
	v12 =	vsub.f32 v5, v11  }
0x26d: {  	v5, _, _ =	vpop (xrf2);
	v6 =	vand.u32 $0x7FFFFFFF, v6  }
0x26e: {  	v5 =	vbroadcast v5, $0xF;
	v11 =	vand.u32 $0x7FFFFFFF, v12;
	v10 =	vand.u32 $0x7FFFFFFF, v10  }
0x26f: {  	(xrf2) =	vadd.scan.msk.f32 $0xffff, v0;
	v0 =	vadd.f32 v11, v3;
	v3 =	vadd.f32 v6, v10;
	v10 =	vbroadcast v7, $0xF;
	_ =	sdelay $0x1  }
0x270: {  	(xrf2) =	vadd.scan.msk.f32 $0xffff, v0;
	v0 =	vsel vm0, v10, v5;
	v5 =	vld [tilespmem:$0x1FCF0];
	_ =	sdelay $0x2  }
0x271: {  	v4 =	vand.u32 $0x7FFFFFFF, v4  }
0x272: {  	v7 =	vbroadcast v8, $0xF;
	v3 =	vadd.f32 v4, v3  }
0x273: {  	v6, _, _ =	vpop (xrf2);
	v4 =	vbroadcast v9, $0xF;
	v5 =	vand.u32 $0x7FFFFFFF, v5  }
0x274: {  	v0 =	vsel vm1, v0, v7;
	v7 =	vbroadcast v6, $0xF;
	v3 =	vadd.f32 v5, v3  }
0x275: {  	v0 =	vsel vm2, v0, v4;
	v4 =	vbroadcast v17, $0xF  }
0x276: {  	v6, _, _ =	vpop (xrf2);
	v0 =	vsel vm3, v0, v7;
	v5 =	vbroadcast v21, $0xF;
	(xrf2) =	vadd.scan.msk.f32 $0xffff, v3  }
0x277: {  	v6 =	vbroadcast v6, $0xF;
	v0 =	vsel vm4, v0, v4  }
0x278: {  	v4 =	vbroadcast v25, $0xF;
	v0 =	vsel vm5, v0, v5  }
0x279: {  	v1 =	vbroadcast v1, $0xF;
	v0 =	vsel vm6, v0, v6;
	v3, _, _ =	vpop (xrf2)  }
0x27a: {  	v0 =	vsel vm7, v0, v4;
	v4 =	vbroadcast v3, $0xF  }
0x27b: {  	v0 =	vsel vm8, v0, v1;
	v1 =	vbroadcast v2, $0xF  }
0x27c: {  	v2 =	vbroadcast v16, $0xF;
	v3, _, _ =	vpop (xrf2);
	v0 =	vsel vm9, v0, v4  }
0x27d: {  	v3 =	vbroadcast v3, $0xF;
	v0 =	vsel vm10, v0, v1  }
0x27e: {  	v0 =	vsel vm11, v0, v2;
	v2 =	vbroadcast v14, $0xF  }
0x27f: {  	v0 =	vsel vm12, v0, v3  }
0x280: {  	v0 =	vsel vm13, v0, v2;
	v1, _, _ =	vpop (xrf2)  }
0x281: {  	v0 =	vsel vm14, v0, v1  }
0x282: {  	v0 =	vsub.f32 $0.0e+00, v0  }
0x283: {  	s19 =	sadd.s32 $0x10, s19  }
0x284: {  	s18 =	sshra.s32 s20, $0x2;
	[tilespmem:s19+$0x0] =	vst v0  }
0x285: {  	v0 =	vld [tilespmem:s18+$0x109F0];
	_ =	sdelay $0x4  }
0x286: {  	[tilespmem:$0x1F6B0] =	vst v0;
	v0 =	vld [tilespmem:s18+$0x9F0];
	_ =	sdelay $0x4  }
0x287: {  	[tilespmem:$0x1F680] =	vst v0;
	v0 =	vld [tilespmem:s18+$0x109B0];
	_ =	sdelay $0x4  }
0x288: {  	[tilespmem:$0x1F6E0] =	vst v0;
	v0 =	vld [tilespmem:s18+$0x109C0];
	_ =	sdelay $0x4  }
0x289: {  	[tilespmem:$0x1F720] =	vst v0;
	v0 =	vld [tilespmem:s18+$0x9E0];
	_ =	sdelay $0x4  }
0x28a: {  	[tilespmem:$0x1F690] =	vst v0;
	v0 =	vld [tilespmem:s18+$0x89E0];
	_ =	sdelay $0x4  }
0x28b: {  	[tilespmem:$0x1F6A0] =	vst v0;
	v0 =	vld [tilespmem:s18+$0x109A0];
	_ =	sdelay $0x4  }
0x28c: {  	[tilespmem:$0x1F710] =	vst v0;
	v0 =	vld [tilespmem:s18+$0x9B0];
	_ =	sdelay $0x4  }
0x28d: {  	[tilespmem:$0x1F6C0] =	vst v0;
	v0 =	vld [tilespmem:s18+$0x89B0];
	_ =	sdelay $0x4  }
0x28e: {  	[tilespmem:$0x1F6D0] =	vst v0;
	v0 =	vld [tilespmem:s18+$0x9C0];
	_ =	sdelay $0x4  }
0x28f: {  	[tilespmem:$0x1F6F0] =	vst v0;
	v0 =	vld [tilespmem:s18+$0x89C0];
	_ =	sdelay $0x4  }
0x290: {  	[tilespmem:$0x1F700] =	vst v0;
	v0 =	vld [tilespmem:s18+$0x9D0];
	_ =	sdelay $0x4  }
0x291: {  	[tilespmem:$0x1F740] =	vst v0;
	v0 =	vld [tilespmem:s18+$0x89D0];
	_ =	sdelay $0x4  }
0x292: {  	[tilespmem:$0x1F750] =	vst v0;
	v0 =	vld [tilespmem:s18+$0x10930];
	_ =	sdelay $0x4  }
0x293: {  	[tilespmem:$0x1F760] =	vst v0;
	v0 =	vld [tilespmem:s18+$0x970];
	_ =	sdelay $0x4  }
0x294: {  	[tilespmem:$0x1F770] =	vst v0;
	v0 =	vld [tilespmem:s18+$0x8970];
	_ =	sdelay $0x4  }
0x295: {  	[tilespmem:$0x1F780] =	vst v0;
	v0 =	vld [tilespmem:s18+$0x108F0];
	_ =	sdelay $0x4  }
0x296: {  	[tilespmem:$0x1F7A0] =	vst v0;
	v0 =	vld [tilespmem:s18+$0x10920];
	_ =	sdelay $0x4  }
0x297: {  	[tilespmem:$0x1F7C0] =	vst v0;
	v0 =	vld [tilespmem:s18+$0x930];
	_ =	sdelay $0x4  }
0x298: {  	[tilespmem:$0x1F730] =	vst v0;
	v0 =	vld [tilespmem:s18+$0x10940];
	_ =	sdelay $0x4  }
0x299: {  	[tilespmem:$0x1F7D0] =	vst v0;
	v0 =	vld [tilespmem:s18+$0x108E0];
	_ =	sdelay $0x4  }
0x29a: {  	[tilespmem:$0x1F7F0] =	vst v0;
	v0 =	vld [tilespmem:s18+$0x10900];
	_ =	sdelay $0x4  }
0x29b: {  	[tilespmem:$0x1F790] =	vst v0;
	v0 =	vld [tilespmem:s18+$0x10910];
	_ =	sdelay $0x4  }
0x29c: {  	[tilespmem:$0x1F7B0] =	vst v0;
	v0 =	vld [tilespmem:s18+$0x950];
	_ =	sdelay $0x4  }
0x29d: {  	[tilespmem:$0x1F800] =	vst v0;
	v0 =	vld [tilespmem:s18+$0x8950];
	_ =	sdelay $0x4  }
0x29e: {  	[tilespmem:$0x1F810] =	vst v0;
	v0 =	vld [tilespmem:s18+$0x10870];
	_ =	sdelay $0x4  }
0x29f: {  	[tilespmem:$0x1F840] =	vst v0;
	v0 =	vld [tilespmem:s18+$0x108A0];
	_ =	sdelay $0x4  }
0x2a0: {  	[tilespmem:$0x1F850] =	vst v0;
	v0 =	vld [tilespmem:s18+$0x8B0];
	_ =	sdelay $0x4  }
0x2a1: {  	[tilespmem:$0x1F820] =	vst v0;
	v0 =	vld [tilespmem:s18+$0x88B0];
	_ =	sdelay $0x4  }
0x2a2: {  	[tilespmem:$0x1F830] =	vst v0;
	v0 =	vld [tilespmem:s18+$0x108C0];
	_ =	sdelay $0x4  }
0x2a3: {  	[tilespmem:$0x1F7E0] =	vst v0;
	v0 =	vld [tilespmem:s18+$0x10830];
	_ =	sdelay $0x4  }
0x2a4: {  	[tilespmem:$0x1F860] =	vst v0;
	v0 =	vld [tilespmem:s18+$0x10860];
	_ =	sdelay $0x4  }
0x2a5: {  	[tilespmem:$0x1F890] =	vst v0;
	v0 =	vld [tilespmem:s18+$0x10880];
	_ =	sdelay $0x4  }
0x2a6: {  	[tilespmem:$0x1F8A0] =	vst v0;
	v0 =	vld [tilespmem:s18+$0x10820];
	_ =	sdelay $0x4  }
0x2a7: {  	[tilespmem:$0x1F8F0] =	vst v0;
	v0 =	vld [tilespmem:s18+$0x10840];
	_ =	sdelay $0x4  }
0x2a8: {  	[tilespmem:$0x1F870] =	vst v0;
	v0 =	vld [tilespmem:s18+$0x10850];
	_ =	sdelay $0x4  }
0x2a9: {  	[tilespmem:$0x1F880] =	vst v0;
	v0 =	vld [tilespmem:s18+$0x890];
	_ =	sdelay $0x4  }
0x2aa: {  	[tilespmem:$0x1F8B0] =	vst v0;
	v0 =	vld [tilespmem:s18+$0x107B0];
	_ =	sdelay $0x4  }
0x2ab: {  	[tilespmem:$0x1F900] =	vst v0;
	v0 =	vld [tilespmem:s18+$0x107E0];
	_ =	sdelay $0x4  }
0x2ac: {  	[tilespmem:$0x1F910] =	vst v0;
	v0 =	vld [tilespmem:s18+$0x7F0];
	_ =	sdelay $0x4  }
0x2ad: {  	[tilespmem:$0x1F8D0] =	vst v0;
	v0 =	vld [tilespmem:s18+$0x87F0];
	_ =	sdelay $0x4  }
0x2ae: {  	[tilespmem:$0x1F8E0] =	vst v0;
	v0 =	vld [tilespmem:s18+$0x10800];
	_ =	sdelay $0x4  }
0x2af: {  	[tilespmem:$0x1F8C0] =	vst v0;
	v0 =	vld [tilespmem:s18+$0x10770];
	_ =	sdelay $0x4  }
0x2b0: {  	[tilespmem:$0x1F920] =	vst v0;
	v0 =	vld [tilespmem:s18+$0x107A0];
	_ =	sdelay $0x4  }
0x2b1: {  	[tilespmem:$0x1F930] =	vst v0;
	v0 =	vld [tilespmem:s18+$0x107C0];
	_ =	sdelay $0x4  }
0x2b2: {  	[tilespmem:$0x1F940] =	vst v0;
	v0 =	vld [tilespmem:s18+$0x10760];
	_ =	sdelay $0x4  }
0x2b3: {  	[tilespmem:$0x1F990] =	vst v0;
	v0 =	vld [tilespmem:s18+$0x10780];
	_ =	sdelay $0x3  }
0x2b4: {  	v7 =	vld [tilespmem:s18+$0x7D0]  }
0x2b5: {  	[tilespmem:$0x1F950] =	vst v0;
	v0 =	vld [tilespmem:s18+$0x10790];
	_ =	sdelay $0x2  }
0x2b6: {  	v49 =	vld [tilespmem:s18+$0x89F0]  }
0x2b7: {  	[tilespmem:$0x1F970] =	vst v7;
	v7 =	vld [tilespmem:s18+$0x87D0]  }
0x2b8: {  	[tilespmem:$0x1F960] =	vst v0;
	v0 =	vld [tilespmem:$0x1F680];
	_ =	sdelay $0x3  }
0x2b9: {  	[tilespmem:$0x1F980] =	vst v7;
	v7 =	vld [tilespmem:$0x1F6A0]  }
0x2ba: {  	v0 =	vadd.f32 v49, v0;
	v49 =	vld [tilespmem:$0x1F690];
	_ =	sdelay $0x4  }
0x2bb: {  	v49 =	vadd.f32 v7, v49  }
0x2bc: {  	v14 =	vld [tilespmem:s18+$0x990]  }
0x2bd: {  	[tilespmem:$0x1FCE0] =	vst v49;
	v49 =	vld [tilespmem:$0x1F6B0]  }
0x2be: {  	v10 =	vld [tilespmem:s18+$0x8990];
	_ =	sdelay $0x2  }
0x2bf: {  	v19 =	vld [tilespmem:s18+$0x980]  }
0x2c0: {  	v18 =	vld [tilespmem:s18+$0x8980];
	v0 =	vsub.f32 v0, v49  }
0x2c1: {  	v10 =	vadd.f32 v10, v14;
	v14 =	vld [tilespmem:s18+$0x10720]  }
0x2c2: {  	[tilespmem:$0x1FCF0] =	vst v0;
	v0 =	vld [tilespmem:s18+$0x106F0]  }
0x2c3: {  	v27 =	vld [tilespmem:s18+$0x9A0]  }
0x2c4: {  	v25 =	vld [tilespmem:s18+$0x89A0];
	_ =	sdelay $0x1  }
0x2c5: {  	[tilespmem:$0x1F9B0] =	vst v14;
	v14 =	vld [tilespmem:$0x1F6C0]  }
0x2c6: {  	[tilespmem:$0x1F9A0] =	vst v0;
	v0 =	vadd.f32 v18, v19;
	v18 =	vld [tilespmem:$0x1F6D0]  }
0x2c7: {  	v36 =	vld [tilespmem:s18+$0x10980]  }
0x2c8: {  	v19 =	vadd.f32 v25, v27;
	v27 =	vld [tilespmem:$0x1F6E0];
	_ =	sdelay $0x2  }
0x2c9: {  	v34 =	vld [tilespmem:s18+$0x10990];
	v25 =	vadd.f32 v18, v14  }
0x2ca: {  	v0 =	vsub.f32 v0, v36;
	v36 =	vld [tilespmem:$0x1F700]  }
0x2cb: {  	v25 =	vsub.f32 v25, v27;
	v27 =	vld [tilespmem:$0x1F6F0];
	_ =	sdelay $0x1  }
0x2cc: {  	v7 =	vld [tilespmem:$0x1F720];
	_ =	sdelay $0x1  }
0x2cd: {  	v10 =	vsub.f32 v10, v34  }
0x2ce: {  	v36 =	vadd.f32 v36, v27  }
0x2cf: {  	v59 =	vld [tilespmem:s18+$0x8930];
	v10 =	vand.u32 $0x7FFFFFFF, v10;
	v0 =	vand.u32 $0x7FFFFFFF, v0  }
0x2d0: {  	v0 =	vadd.f32 v10, v0;
	v10 =	vsub.f32 v36, v7;
	v7 =	vld [tilespmem:$0x1F730];
	_ =	sdelay $0x3  }
0x2d1: {  	v49 =	vld [tilespmem:$0x1F710]  }
0x2d2: {  	[tilespmem:$0x1FD00] =	vst v10;
	v10 =	vadd.f32 v59, v7;
	v7 =	vld [tilespmem:$0x1F740]  }
0x2d3: {  	v59 =	vld [tilespmem:$0x1F750];
	_ =	sdelay $0x4  }
0x2d4: {  	v19 =	vsub.f32 v19, v49;
	v49 =	vadd.f32 v59, v7;
	v7 =	vld [tilespmem:$0x1F760];
	_ =	sdelay $0x3  }
0x2d5: {  	v19 =	vand.u32 $0x7FFFFFFF, v19  }
0x2d6: {  	v0 =	vadd.f32 v19, v0;
	v19 =	vsub.f32 v10, v7;
	v7 =	vld [tilespmem:$0x1F770]  }
0x2d7: {  	v10 =	vld [tilespmem:$0x1F780];
	_ =	sdelay $0x4  }
0x2d8: {  	v7 =	vadd.f32 v10, v7;
	_ =	sdelay $0x1  }
0x2d9: {  	[tilespmem:$0x1FD20] =	vst v7;
	v7 =	vld [tilespmem:s18+$0x106B0]  }
0x2da: {  	v54 =	vld [tilespmem:s18+$0x960]  }
0x2db: {  	v17 =	vld [tilespmem:s18+$0x900]  }
0x2dc: {  	v11 =	vld [tilespmem:s18+$0x8900]  }
0x2dd: {  	v62 =	vld [tilespmem:s18+$0x8960]  }
0x2de: {  	[tilespmem:$0x1F9C0] =	vst v7;
	v7 =	vld [tilespmem:$0x1F790]  }
0x2df: {  	v61 =	vld [tilespmem:s18+$0x10960]  }
0x2e0: {  	v58 =	vld [tilespmem:s18+$0x8F0]  }
0x2e1: {  	v48 =	vld [tilespmem:s18+$0x88F0];
	v11 =	vadd.f32 v11, v17;
	_ =	sdelay $0x1  }
0x2e2: {  	v54 =	vadd.f32 v62, v54;
	v11 =	vsub.f32 v11, v7;
	v7 =	vld [tilespmem:$0x1F7A0];
	_ =	sdelay $0x1  }
0x2e3: {  	v16 =	vld [tilespmem:s18+$0x910];
	v61 =	vsub.f32 v54, v61;
	v25 =	vand.u32 $0x7FFFFFFF, v25  }
0x2e4: {  	v8 =	vld [tilespmem:s18+$0x8910];
	v54 =	vadd.f32 v25, v0;
	v25 =	vadd.f32 v48, v58;
	_ =	sdelay $0x1  }
0x2e5: {  	v25 =	vsub.f32 v25, v7;
	v7 =	vld [tilespmem:$0x1F7B0];
	_ =	sdelay $0x1  }
0x2e6: {  	v45 =	vld [tilespmem:s18+$0x920]  }
0x2e7: {  	v37 =	vld [tilespmem:s18+$0x8920];
	v8 =	vadd.f32 v8, v16;
	_ =	sdelay $0x1  }
0x2e8: {  	v8 =	vsub.f32 v8, v7;
	v7 =	vld [tilespmem:$0x1F7C0];
	_ =	sdelay $0x1  }
0x2e9: {  	v46 =	vld [tilespmem:s18+$0x940]  }
0x2ea: {  	v41 =	vld [tilespmem:s18+$0x8940];
	v16 =	vadd.f32 v37, v45;
	_ =	sdelay $0x1  }
0x2eb: {  	v48 =	vsub.f32 v16, v7;
	v7 =	vld [tilespmem:$0x1F7D0]  }
0x2ec: {  	v53 =	vld [tilespmem:s18+$0x108D0]  }
0x2ed: {  	v13 =	vld [tilespmem:s18+$0x8C0]  }
0x2ee: {  	v6 =	vld [tilespmem:s18+$0x88C0];
	v62 =	vadd.f32 v41, v46  }
0x2ef: {  	v3 =	vld [tilespmem:s18+$0x8D0]  }
0x2f0: {  	v62 =	vsub.f32 v62, v7;
	v7 =	vld [tilespmem:$0x1F7E0]  }
0x2f1: {  	v1 =	vld [tilespmem:s18+$0x88D0]  }
0x2f2: {  	v40 =	vld [tilespmem:s18+$0x8E0]  }
0x2f3: {  	v28 =	vld [tilespmem:s18+$0x88E0];
	v6 =	vadd.f32 v6, v13  }
0x2f4: {  	v51 =	vld [tilespmem:s18+$0x870]  }
0x2f5: {  	v6 =	vsub.f32 v6, v7;
	v7 =	vld [tilespmem:$0x1F7F0]  }
0x2f6: {  	v60 =	vld [tilespmem:s18+$0x8870];
	v3 =	vadd.f32 v1, v3  }
0x2f7: {  	v57 =	vld [tilespmem:s18+$0x8A0]  }
0x2f8: {  	v47 =	vld [tilespmem:s18+$0x88A0];
	v13 =	vsub.f32 v3, v53;
	v1 =	vand.u32 $0x7FFFFFFF, v8;
	v8 =	vadd.f32 v28, v40  }
0x2f9: {  	v30 =	vld [tilespmem:s18+$0x830]  }
0x2fa: {  	v29 =	vld [tilespmem:s18+$0x8830];
	v13 =	vand.u32 $0x7FFFFFFF, v13;
	v6 =	vand.u32 $0x7FFFFFFF, v6;
	v8 =	vsub.f32 v8, v7  }
0x2fb: {  	v43 =	vld [tilespmem:s18+$0x860];
	v6 =	vadd.f32 v13, v6  }
0x2fc: {  	v39 =	vld [tilespmem:s18+$0x8860];
	v11 =	vand.u32 $0x7FFFFFFF, v11;
	v8 =	vand.u32 $0x7FFFFFFF, v8  }
0x2fd: {  	v11 =	vadd.f32 v1, v11;
	v6 =	vadd.f32 v8, v6;
	v8 =	vld [tilespmem:$0x1F840]  }
0x2fe: {  	v28 =	vand.u32 $0x7FFFFFFF, v48;
	v48 =	vld [tilespmem:$0x1F830]  }
0x2ff: {  	v11 =	vadd.f32 v28, v11;
	v28 =	vld [tilespmem:$0x1F820]  }
0x300: {  	v44 =	vld [tilespmem:s18+$0x880];
	v13 =	vand.u32 $0x7FFFFFFF, v19;
	v19 =	vadd.f32 v60, v51  }
0x301: {  	v38 =	vld [tilespmem:s18+$0x8880]  }
0x302: {  	v19 =	vsub.f32 v19, v8;
	v8 =	vld [tilespmem:$0x1F850]  }
0x303: {  	v52 =	vld [tilespmem:s18+$0x8890]  }
0x304: {  	v56 =	vld [tilespmem:s18+$0x10810];
	v45 =	vadd.f32 v48, v28  }
0x305: {  	v35 =	vld [tilespmem:s18+$0x820];
	v48 =	vadd.f32 v13, v11;
	v11 =	vadd.f32 v47, v57  }
0x306: {  	v32 =	vld [tilespmem:s18+$0x8820]  }
0x307: {  	v60 =	vsub.f32 v11, v8;
	v8 =	vld [tilespmem:$0x1F860]  }
0x308: {  	v15 =	vld [tilespmem:s18+$0x840]  }
0x309: {  	v9 =	vld [tilespmem:s18+$0x8840]  }
0x30a: {  	v12 =	vld [tilespmem:s18+$0x850];
	v13 =	vadd.f32 v29, v30  }
0x30b: {  	v5 =	vld [tilespmem:s18+$0x8850]  }
0x30c: {  	v47 =	vsub.f32 v13, v8;
	v8 =	vld [tilespmem:$0x1F870]  }
0x30d: {  	v55 =	vld [tilespmem:s18+$0x7B0]  }
0x30e: {  	v63 =	vld [tilespmem:s18+$0x87B0]  }
0x30f: {  	v42 =	vld [tilespmem:s18+$0x7E0];
	v9 =	vadd.f32 v9, v15  }
0x310: {  	v33 =	vld [tilespmem:s18+$0x87E0]  }
0x311: {  	v9 =	vsub.f32 v9, v8;
	v8 =	vld [tilespmem:$0x1F880]  }
0x312: {  	v50 =	vld [tilespmem:s18+$0x800]  }
0x313: {  	v4 =	vld [tilespmem:s18+$0x8800]  }
0x314: {  	v2 =	vld [tilespmem:s18+$0x810];
	v5 =	vadd.f32 v5, v12  }
0x315: {  	v24 =	vld [tilespmem:s18+$0x8810]  }
0x316: {  	v5 =	vsub.f32 v5, v8;
	v8 =	vld [tilespmem:$0x1F890]  }
0x317: {  	v22 =	vld [tilespmem:s18+$0x770]  }
0x318: {  	v20 =	vld [tilespmem:s18+$0x8770]  }
0x319: {  	v31 =	vld [tilespmem:s18+$0x7A0];
	v11 =	vadd.f32 v39, v43  }
0x31a: {  	v26 =	vld [tilespmem:s18+$0x87A0]  }
0x31b: {  	v13 =	vsub.f32 v11, v8;
	v8 =	vld [tilespmem:$0x1F8A0]  }
0x31c: {  	v23 =	vld [tilespmem:s18+$0x7C0]  }
0x31d: {  	v21 =	vld [tilespmem:s18+$0x87C0]  }
0x31e: {  	v17 =	vld [tilespmem:s18+$0x8790];
	v12 =	vadd.f32 v38, v44  }
0x31f: {  	v41 =	vld [tilespmem:s18+$0x6F0]  }
0x320: {  	v11 =	vsub.f32 v12, v8;
	v8 =	vld [tilespmem:$0x1F8B0]  }
0x321: {  	v37 =	vld [tilespmem:s18+$0x10700]  }
0x322: {  	v38 =	vld [tilespmem:s18+$0x106D0]  }
0x323: {  	v44 =	vld [tilespmem:s18+$0x700]  }
0x324: {  	v15 =	vadd.f32 v32, v35;
	v32 =	vld [tilespmem:s18+$0x8700]  }
0x325: {  	v12 =	vadd.f32 v52, v8;
	v8 =	vld [tilespmem:$0x1F8C0]  }
0x326: {  	v35 =	vld [tilespmem:s18+$0x710]  }
0x327: {  	v4 =	vadd.f32 v4, v50;
	v50 =	vld [tilespmem:s18+$0x8710]  }
0x328: {  	v2 =	vadd.f32 v24, v2;
	v24 =	vld [tilespmem:s18+$0x10690];
	v9 =	vand.u32 $0x7FFFFFFF, v9;
	v5 =	vand.u32 $0x7FFFFFFF, v5  }
0x329: {  	v5 =	vadd.f32 v5, v9;
	v9 =	vand.u32 $0x7FFFFFFF, v13;
	v13 =	vld [tilespmem:$0x1F8E0]  }
0x32a: {  	v4 =	vsub.f32 v4, v8;
	v8 =	vld [tilespmem:$0x1F8D0]  }
0x32b: {  	v34 =	vld [tilespmem:s18+$0x10750]  }
0x32c: {  	v3 =	vld [tilespmem:s18+$0x8720]  }
0x32d: {  	v53 =	vld [tilespmem:s18+$0x740]  }
0x32e: {  	v2 =	vsub.f32 v2, v56;
	v56 =	vld [tilespmem:s18+$0x630]  }
0x32f: {  	v8 =	vadd.f32 v13, v8;
	v13 =	vld [tilespmem:$0x1F8F0]  }
0x330: {  	v46 =	vld [tilespmem:$0x1F810]  }
0x331: {  	v18 =	vld [tilespmem:s18+$0x730]  }
0x332: {  	v14 =	vld [tilespmem:s18+$0x8730]  }
0x333: {  	v2 =	vand.u32 $0x7FFFFFFF, v2;
	v0 =	vld [tilespmem:s18+$0x790]  }
0x334: {  	v58 =	vld [tilespmem:s18+$0x106E0];
	v5 =	vadd.f32 v9, v5;
	v4 =	vand.u32 $0x7FFFFFFF, v4;
	v13 =	vsub.f32 v15, v13  }
0x335: {  	v27 =	vld [tilespmem:s18+$0x10740];
	v9 =	vand.u32 $0x7FFFFFFF, v19;
	v2 =	vadd.f32 v2, v4  }
0x336: {  	v36 =	vld [tilespmem:s18+$0x760];
	v52 =	vadd.f32 v9, v5;
	v9 =	vand.u32 $0x7FFFFFFF, v13  }
0x337: {  	v2 =	vadd.f32 v9, v2;
	v9 =	vld [tilespmem:$0x1F900]  }
0x338: {  	v59 =	vld [tilespmem:s18+$0x8760]  }
0x339: {  	[tilespmem:$0x1FD10] =	vst v49;
	v49 =	vld [tilespmem:s18+$0x780]  }
0x33a: {  	v10 =	vld [tilespmem:s18+$0x8780];
	v4 =	vadd.f32 v63, v55  }
0x33b: {  	(xrf2) =	vadd.scan.msk.f32 $0xffff, v54;
	v54 =	vld [tilespmem:s18+$0x690]  }
0x33c: {  	v15 =	vadd.f32 v20, v22;
	v20 =	vsub.f32 v4, v9;
	v4 =	vld [tilespmem:$0x1F910]  }
0x33d: {  	v0 =	vadd.f32 v17, v0;
	v17 =	vld [tilespmem:$0x1F970]  }
0x33e: {  	v36 =	vadd.f32 v59, v36;
	v59 =	vld [tilespmem:s18+$0x6D0]  }
0x33f: {  	v5 =	vadd.f32 v33, v42;
	v9 =	vadd.f32 v10, v49;
	v10 =	vld [tilespmem:$0x1F930]  }
0x340: {  	v40 =	vld [tilespmem:s18+$0x8740]  }
0x341: {  	v1 =	vld [tilespmem:s18+$0x720];
	v13 =	vsub.f32 v5, v4;
	v4 =	vand.u32 $0x7FFFFFFF, v47  }
0x342: {  	v16 =	vld [tilespmem:s18+$0x86F0];
	v55 =	vadd.f32 v4, v2;
	v2 =	vadd.f32 v26, v31  }
0x343: {  	v5 =	vld [tilespmem:$0x1F920]  }
0x344: {  	v2 =	vsub.f32 v2, v10;
	v10 =	vld [tilespmem:$0x1F940]  }
0x345: {  	v28 =	vld [tilespmem:s18+$0x10630]  }
0x346: {  	v51 =	vld [tilespmem:s18+$0x8750]  }
0x347: {  	v7 =	vld [tilespmem:$0x1F800];
	v4 =	vadd.f32 v21, v23  }
0x348: {  	v29 =	vand.u32 $0x7FFFFFFF, v25;
	v25 =	vld [tilespmem:s18+$0x106A0]  }
0x349: {  	v5 =	vsub.f32 v15, v5;
	v15 =	vsub.f32 v4, v10;
	v4 =	vld [tilespmem:$0x1F950]  }
0x34a: {  	v57 =	vld [tilespmem:s18+$0x86B0]  }
0x34b: {  	v30 =	vld [tilespmem:s18+$0x106C0]  }
0x34c: {  	v7 =	vadd.f32 v46, v7;
	v46 =	vld [tilespmem:s18+$0x750]  }
0x34d: {  	v6 =	vadd.f32 v29, v6;
	v29 =	vld [tilespmem:s18+$0x6B0]  }
0x34e: {  	v4 =	vsub.f32 v9, v4;
	v9 =	vld [tilespmem:$0x1F960]  }
0x34f: {  	v39 =	vld [tilespmem:s18+$0x6E0]  }
0x350: {  	v43 =	vld [tilespmem:s18+$0x86E0]  }
0x351: {  	v19 =	vld [tilespmem:s18+$0x10620]  }
0x352: {  	v33 =	vld [tilespmem:s18+$0x8630]  }
0x353: {  	v42 =	vld [tilespmem:s18+$0x670];
	v0 =	vsub.f32 v0, v9  }
0x354: {  	v63 =	vld [tilespmem:s18+$0x86D0]  }
0x355: {  	v22 =	vld [tilespmem:s18+$0x10680];
	v4 =	vand.u32 $0x7FFFFFFF, v4;
	v0 =	vand.u32 $0x7FFFFFFF, v0  }
0x356: {  	v49 =	vld [tilespmem:s18+$0x620];
	v0 =	vadd.f32 v0, v4  }
0x357: {  	v47 =	vld [tilespmem:s18+$0x8670];
	v2 =	vand.u32 $0x7FFFFFFF, v2  }
0x358: {  	v21 =	vld [tilespmem:s18+$0x6A0];
	v0 =	vadd.f32 v2, v0  }
0x359: {  	v23 =	vld [tilespmem:s18+$0x86A0];
	v2 =	vand.u32 $0x7FFFFFFF, v20  }
0x35a: {  	v2 =	vadd.f32 v2, v0;
	v0 =	vld [tilespmem:$0x1F9A0]  }
0x35b: {  	v4 =	vld [tilespmem:$0x1F990]  }
0x35c: {  	v26 =	vadd.f32 v51, v46;
	v31 =	vld [tilespmem:s18+$0x86C0];
	v9 =	vadd.f32 v40, v53  }
0x35d: {  	v16 =	vadd.f32 v16, v41;
	v51 =	vld [tilespmem:s18+$0x8620]  }
0x35e: {  	v26 =	vsub.f32 v26, v34;
	v53 =	vld [tilespmem:$0x1F980];
	v27 =	vsub.f32 v9, v27  }
0x35f: {  	v18 =	vadd.f32 v14, v18;
	v16 =	vsub.f32 v16, v0;
	v0 =	vld [tilespmem:$0x1F9B0]  }
0x360: {  	v26 =	vand.u32 $0x7FFFFFFF, v26;
	v10 =	vld [tilespmem:s18+$0x6C0];
	v14 =	vand.u32 $0x7FFFFFFF, v27;
	v27 =	vsub.f32 v36, v4  }
0x361: {  	v40 =	vmov v7;
	v7 =	vld [tilespmem:$0x1F9C0];
	v14 =	vadd.f32 v26, v14  }
0x362: {  	v1 =	vadd.f32 v3, v1;
	v26 =	vadd.f32 v57, v29;
	v57 =	vld [tilespmem:s18+$0x8690];
	v3 =	vand.u32 $0x7FFFFFFF, v27  }
0x363: {  	v34 =	vadd.f32 v51, v49;
	v9 =	vld [tilespmem:s18+$0x10600];
	v14 =	vadd.f32 v3, v14  }
0x364: {  	v17 =	vadd.f32 v53, v17;
	v53 =	vld [tilespmem:s18+$0x680];
	v20 =	vsub.f32 v1, v0;
	v0 =	vand.u32 $0x7FFFFFFF, v5  }
0x365: {  	(xrf2) =	vadd.scan.msk.f32 $0xffff, v48;
	v29 =	vadd.f32 v32, v44;
	v4 =	vld [tilespmem:s18+$0x10610];
	v1 =	vadd.f32 v0, v14  }
0x366: {  	v27 =	vld [tilespmem:s18+$0x8600];
	v0 =	vadd.f32 v31, v10;
	v10 =	vadd.f32 v63, v59  }
0x367: {  	v36 =	vadd.f32 v57, v54;
	v3 =	vld [tilespmem:s18+$0x660];
	v14 =	vadd.f32 v43, v39  }
0x368: {  	v5 =	vld [tilespmem:s18+$0x8660];
	v0 =	vsub.f32 v0, v30;
	v30 =	vsub.f32 v10, v38  }
0x369: {  	v31 =	vld [tilespmem:s18+$0x8680];
	v10 =	vsub.f32 v26, v7;
	v14 =	vsub.f32 v14, v58  }
0x36a: {  	p0 =	sne.s32 s20, $0x1F000;
	(xrf2) =	vadd.scan.msk.f32 $0xffff, v6;
	v58 =	vadd.f32 v33, v56;
	v33 =	vld [tilespmem:s18+$0x8610];
	v6 =	vand.u32 $0x7FFFFFFF, v0;
	v26 =	vand.u32 $0x7FFFFFFF, v30  }
.Ltmp0:
0x36b: {  	v0 =	vsub.f32 v29, v37;
	v29 =	vld [tilespmem:s18+$0x600];
	v26 =	vadd.f32 v26, v6;
	(pc) =	sbr.rel @p0 .LBB2_2-.Ltmp0, $4  }
0x36c: {  	v59 =	vadd.f32 v23, v21;
	v21 =	vadd.f32 v47, v42;
	v30 =	vld [tilespmem:s18+$0x610];
	v7 =	vand.u32 $0x7FFFFFFF, v14  }
0x36d: {  	v23 =	vsub.f32 v58, v28;
	v28 =	vld [tilespmem:s18+$0x8640];
	v63 =	vadd.f32 v7, v26  }
0x36e: {  	(xrf2) =	vadd.scan.msk.f32 $0xffff, v52;
	v6 =	vadd.f32 v50, v35;
	v35 =	vadd.f32 v31, v53;
	v31 =	vld [tilespmem:s18+$0x650];
	v14, _, _ =	vpop (xrf2);
	v7 =	vand.u32 $0x7FFFFFFF, v16  }
0x36f: {  	s20 =	sadd.s32 $0x1000, s20;
	v32 =	vsub.f32 v59, v25;
	(xrf2) =	vadd.scan.msk.f32 $0xffff, v55;
	v26 =	vld [tilespmem:s18+$0x640];
	v16, _, _ =	vpop (xrf2);
	v25 =	vadd.f32 v7, v63  }
0x370: {  	v27 =	vadd.f32 v27, v29;
	v39 =	vld [tilespmem:s18+$0x8650];
	v22 =	vsub.f32 v35, v22  }
0x371: {  	v41 =	vld [tilespmem:s18+$0x10640];
	v24 =	vsub.f32 v36, v24;
	v19 =	vsub.f32 v34, v19  }
0x372: {  	v42 =	vld [tilespmem:s18+$0x10650];
	v3 =	vadd.f32 v5, v3;
	v30 =	vadd.f32 v33, v30  }
0x373: {  	v43 =	vld [tilespmem:s18+$0x10660];
	v9 =	vsub.f32 v27, v9;
	v22 =	vand.u32 $0x7FFFFFFF, v22;
	v24 =	vand.u32 $0x7FFFFFFF, v24  }
0x374: {  	v48 =	vld [tilespmem:s18+$0x10710];
	v10 =	vand.u32 $0x7FFFFFFF, v10;
	v4 =	vsub.f32 v30, v4;
	v44 =	vadd.f32 v24, v22  }
0x375: {  	v49 =	vld [tilespmem:s18+$0x10670];
	v32 =	vand.u32 $0x7FFFFFFF, v32;
	v46 =	vadd.f32 v28, v26;
	v47 =	vadd.f32 v39, v31  }
0x376: {  	v50 =	vld [tilespmem:s18+$0x107D0];
	v23 =	vand.u32 $0x7FFFFFFF, v23;
	v9 =	vand.u32 $0x7FFFFFFF, v9;
	v5 =	vadd.f32 v32, v44  }
0x377: {  	v4 =	vand.u32 $0x7FFFFFFF, v4;
	v22 =	vsub.f32 v46, v41;
	v24 =	vsub.f32 v47, v42  }
0x378: {  	v19 =	vand.u32 $0x7FFFFFFF, v19;
	v3 =	vsub.f32 v3, v43;
	v4 =	vadd.f32 v4, v9  }
0x379: {  	v53 =	vld [tilespmem:s18+$0x10730];
	v6 =	vsub.f32 v6, v48;
	v51 =	vand.u32 $0x7FFFFFFF, v22;
	v52 =	vand.u32 $0x7FFFFFFF, v24  }
0x37a: {  	v56 =	vld [tilespmem:s18+$0x10890];
	v0 =	vand.u32 $0x7FFFFFFF, v0;
	v4 =	vadd.f32 v19, v4;
	v19 =	vadd.f32 v52, v51  }
0x37b: {  	(xrf2) =	vadd.scan.msk.f32 $0xffff, v2;
	v59 =	vld [tilespmem:s18+$0x107F0];
	v55 =	vsub.f32 v21, v49;
	v63 =	vsub.f32 v17, v50;
	v3 =	vand.u32 $0x7FFFFFFF, v3  }
0x37c: {  	v36 =	vld [tilespmem:$0x1FD10];
	(xrf2) =	vadd.scan.msk.f32 $0xffff, v1;
	v5 =	vadd.f32 v10, v5;
	v58 =	vand.u32 $0x7FFFFFFF, v6;
	v57 =	vadd.f32 v3, v19  }
0x37d: {  	(xrf2) =	vadd.scan.msk.f32 $0xffff, v25;
	v25 =	vld [tilespmem:s18+$0x109D0];
	v0 =	vadd.f32 v58, v0;
	v54 =	vadd.f32 v23, v4;
	v4 =	vand.u32 $0x7FFFFFFF, v55  }
0x37e: {  	v17 =	vand.u32 $0x7FFFFFFF, v20;
	v18 =	vsub.f32 v18, v53;
	(xrf2) =	vadd.scan.msk.f32 $0xffff, v5;
	v19 =	vld [tilespmem:s18+$0x10950];
	v1 =	vadd.f32 v4, v57  }
0x37f: {  	v20 =	vand.u32 $0x7FFFFFFF, v15;
	v21 =	vld [tilespmem:s18+$0x108B0];
	v0 =	vadd.f32 v17, v0;
	(xrf2) =	vadd.scan.msk.f32 $0xffff, v54;
	v3 =	vand.u32 $0x7FFFFFFF, v63  }
0x380: {  	v27 =	vld [tilespmem:s18+$0x10970];
	v22 =	vsub.f32 v12, v56;
	v5 =	vand.u32 $0x7FFFFFFF, v18;
	v2 =	vadd.f32 v3, v20;
	(xrf2) =	vadd.scan.msk.f32 $0xffff, v1  }
0x381: {  	v39 =	vld [tilespmem:$0x1FD20];
	v24 =	vsub.f32 v8, v59;
	v23 =	vand.u32 $0x7FFFFFFF, v13;
	v0 =	vadd.f32 v5, v0  }
0x382: {  	v30 =	vld [tilespmem:s18+$0x109E0];
	v7, _, _ =	vpop (xrf2);
	v26 =	vand.u32 $0x7FFFFFFF, v11;
	v3 =	vand.u32 $0x7FFFFFFF, v22;
	v1 =	vadd.f32 v23, v2  }
0x383: {  	v43 =	vld [tilespmem:$0x1FD00];
	v28, _, _ =	vpop (xrf2);
	v5 =	vand.u32 $0x7FFFFFFF, v24;
	v2 =	vadd.f32 v3, v26;
	v29 =	vsub.f32 v40, v19;
	(xrf2) =	vadd.scan.msk.f32 $0xffff, v0  }
0x384: {  	v32 =	vand.u32 $0x7FFFFFFF, v60;
	v41 =	vld [tilespmem:$0x1FCE0];
	v31, _, _ =	vpop (xrf2);
	v4 =	vsub.f32 v45, v21;
	v1 =	vadd.f32 v5, v1  }
0x385: {  	v34 =	vand.u32 $0x7FFFFFFF, v62;
	v33, _, _ =	vpop (xrf2);
	v2 =	vadd.f32 v32, v2;
	v3 =	vand.u32 $0x7FFFFFFF, v29  }
0x386: {  	v6 =	vsub.f32 v39, v27;
	v35, _, _ =	vpop (xrf2);
	v4 =	vand.u32 $0x7FFFFFFF, v4;
	v3 =	vadd.f32 v3, v34;
	(xrf2) =	vadd.scan.msk.f32 $0xffff, v1  }
0x387: {  	v38 =	vand.u32 $0x7FFFFFFF, v61;
	v37, _, _ =	vpop (xrf2);
	v5 =	vsub.f32 v36, v25;
	v2 =	vadd.f32 v4, v2  }
0x388: {  	v49 =	vld [tilespmem:$0x1FCF0];
	v13 =	vand.u32 $0x7FFFFFFF, v43;
	v40, _, _ =	vpop (xrf2);
	v3 =	vadd.f32 v38, v3  }
0x389: {  	v6 =	vand.u32 $0x7FFFFFFF, v6;
	v4 =	vsub.f32 v41, v30;
	v5 =	vand.u32 $0x7FFFFFFF, v5;
	v42, _, _ =	vpop (xrf2);
	(xrf2) =	vadd.scan.msk.f32 $0xffff, v2  }
0x38a: {  	v45 =	vadd.f32 v5, v13;
	v44 =	vadd.f32 v6, v3;
	v46, _, _ =	vpop (xrf2)  }
0x38b: {  	v4 =	vand.u32 $0x7FFFFFFF, v4;
	v47 =	vbroadcast v42, $0xF;
	v5 =	vbroadcast v46, $0xF  }
0x38c: {  	v9 =	vbroadcast v40, $0xF;
	v3 =	vadd.f32 v4, v45;
	(xrf2) =	vadd.scan.msk.f32 $0xffff, v44  }
0x38d: {  	v1 =	vbroadcast v37, $0xF;
	v4 =	vand.u32 $0x7FFFFFFF, v49;
	v50, _, _ =	vpop (xrf2);
	v48 =	vsel vm0, v47, v5  }
0x38e: {  	v3 =	vadd.f32 v4, v3;
	v5 =	vbroadcast v50, $0xF;
	v2 =	vsel vm1, v48, v9  }
0x38f: {  	v51 =	vbroadcast v35, $0xF;
	v1 =	vsel vm2, v2, v1  }
0x390: {  	v52 =	vbroadcast v33, $0xF;
	v53, _, _ =	vpop (xrf2);
	(xrf2) =	vadd.scan.msk.f32 $0xffff, v3;
	v1 =	vsel vm3, v1, v5  }
0x391: {  	v54 =	vbroadcast v53, $0xF;
	v1 =	vsel vm4, v1, v51  }
0x392: {  	v0 =	vbroadcast v31, $0xF;
	v1 =	vsel vm5, v1, v52  }
0x393: {  	v55 =	vbroadcast v28, $0xF;
	v56, _, _ =	vpop (xrf2);
	v1 =	vsel vm6, v1, v54  }
0x394: {  	v57 =	vbroadcast v56, $0xF;
	v0 =	vsel vm7, v1, v0  }
0x395: {  	v58 =	vbroadcast v7, $0xF;
	v0 =	vsel vm8, v0, v55  }
0x396: {  	v59 =	vbroadcast v16, $0xF;
	v60, _, _ =	vpop (xrf2);
	v0 =	vsel vm9, v0, v57  }
0x397: {  	v61 =	vbroadcast v60, $0xF;
	v0 =	vsel vm10, v0, v58  }
0x398: {  	v62 =	vbroadcast v14, $0xF;
	v0 =	vsel vm11, v0, v59  }
0x399: {  	v0 =	vsel vm12, v0, v61  }
0x39a: {  	v63, _, _ =	vpop (xrf2);
	v0 =	vsel vm13, v0, v62  }
0x39b: {  	v0 =	vsel vm14, v0, v63  }
0x39c: {  	s17 =	sadd.s32 $0x1, s17;
	v0 =	vsub.f32 $0.0e+00, v0  }
0x39d: {  	s20 =	sadd.s32 $0x10, s19;
	p0 =	sne.s32 s17, s9  }
.Ltmp1:
0x39e: {  	[tilespmem:s20+$0x0] =	vst v0;
	(pc) =	sbr.rel @p0 .LBB2_1-.Ltmp1, $4  }
0x39f: {  	[hbm4b:s8+s1] =	stream.linear.scatter [tilespmem:s16], [sflag:$0x2], $0x200, $0x38;
	[tilespmem:$0x18800] =	vst v63  }
0x3a0: {  	_ =	swait.ge [sflag:s10], $0x200  }
0x3a1: {  	[sflag:s10] =	ssyncset.done $0x0  }
0x3a2: {  	[sflag:s10] =	ssyncadd.s32 $0xFFFFFE00  }
0x3a3: {  	_ =	sfence.sel $0x180000  }
0x3a4: {  	[bflag:$0x0] =	sbarrier.arrive $0xFFFF  }
0x3a5: {  	_ =	strace $0x90000047  }
0x3a6: {  	s0 =	stileid.u32;
	[bflag:$0x2] =	sbarrier.arrive $0xFFFF  }
0x3a7: {  	p0 =	sne.s32 s0, $0x0;
	s0 =	rddreg [dreg:$0x5]  }
0x3a8: {  	s0 =	sadd.s32 @!p0 $0x100000, s0  }
0x3a9: {  	[sflag:s0] =	ssyncadd.tile.s32 @!p0 $0x1;
	_ =	shalt  }
.Lfunc_end2:
_tile_overlayer_lowered:
.L_overlay_start_2:
0x3aa: {  	(tag) =	ssettag $0x2  }
0x3ab: {  	s0 =	rddreg [dreg:$0x0];
	s2 =	stileid.u32  }
0x3ac: {  	s1 =	rddreg [dreg:$0x1];
	p0 =	sne.s32 s2, $0x0  }
0x3ad: {  	s3 =	rddreg [dreg:$0x2];
	[bflag:$0x3] =	sbarrier.arrive $0xFFFF;
	s2 =	simm.s32 @!p0 $0x1C02  }
0x3ae: {  	[timem:s3], [sflag:s2] =	dma.local @!p0 [hbm:s0], s1  }
0x3af: {  	s0 =	simm.s32 @!p0 $0x2  }
0x3b0: {  	_ =	swait.ge @!p0 [sflag:s0], s1  }
0x3b1: {  	s1 =	ssub.s32 @!p0 $0x0, s1;
	[sflag:s0] =	ssyncset.done @!p0 $0x0  }
0x3b2: {  	[sflag:s0] =	ssyncadd.s32 @!p0 s1  }
0x3b3: {  	[bflag:$0x3] =	sbarrier.arrive $0xFFFF  }
0x3b4: {  	_ =	shalt  }

</sc_bundles>
